<compile_context>
chip_gen: v7x
topology: tpu7x:2x2x1
jax: 0.10.2.dev20260603
libtpu: 0.0.44.dev20260713+nightly
codegen_flags: <defaults>
</compile_context>

<pallas_src>
import jax
import jax.numpy as jnp
from jax import lax
from jax.experimental import pallas as pl
from jax.experimental.pallas import tpu as pltpu
from jax.experimental.pallas import tpu_sc as plsc

_N = 10000
_E = 160000
_D = 256
_MIN_NORM = 1e-15
_MAX_TANH = 15.0

_NC = 2
_NS = 16
_L = 16
_NW = _NC * _NS
_B = 320
_NPAD = _NW * _B
_C = 2000
_NCHK = _E // _C
_GC = _C // _L
_G = 80
_P = 2176



def _logmap0_body(x_ref, o_ref):
    x = x_ref[...]
    norm = jnp.sqrt(jnp.sum(x * x, axis=1, keepdims=True))
    p_norm = jnp.clip(norm, _MIN_NORM, None)
    z = jnp.clip(p_norm, -1.0 + 1e-7, 1.0 - 1e-7)
    artanh = 0.5 * jnp.log((1.0 + z) / (1.0 - z))
    o_ref[...] = x * (artanh / p_norm)


def _expmap0_proj_body(u_ref, o_ref):
    u = u_ref[...]
    norm = jnp.sqrt(jnp.sum(u * u, axis=1, keepdims=True))
    u_norm = jnp.clip(norm, _MIN_NORM, None)
    res = jnp.tanh(jnp.clip(u_norm, -_MAX_TANH, _MAX_TANH)) * u / u_norm
    rnorm = jnp.sqrt(jnp.sum(res * res, axis=1, keepdims=True))
    rnorm = jnp.clip(rnorm, _MIN_NORM, None)
    maxnorm = 1.0 - 4e-3
    o_ref[...] = jnp.where(rnorm > maxnorm, res / rnorm * maxnorm, res)


def _rowmap_call(body, n_rows, block_rows):
    grid = n_rows // block_rows
    spec = pl.BlockSpec((block_rows, _D), lambda i: (i, 0))
    return pl.pallas_call(
        body,
        grid=(grid,),
        in_specs=[spec],
        out_specs=spec,
        out_shape=jax.ShapeDtypeStruct((n_rows, _D), jnp.float32),
    )



def _sc_agg_body(xt_hbm, pk_hbm, out_hbm,
                 pk0, pk1, p_src, p_dloc, p_w, rows_v, acc,
                 gsem, esem0, esem1):
    c = lax.axis_index("c")
    s = lax.axis_index("s")
    wid = s * _NC + c
    lo = pl.multiple_of(wid * _B, 8)
    hi = lo + _B
    iota = lax.iota(jnp.int32, _L)
    iota3 = iota * 3
    zf = jnp.zeros((_L,), jnp.float32)
    zi = jnp.zeros((_L,), jnp.int32)

    def zrow(r, _):
        for k in range(_D // _L):
            acc[r, pl.ds(k * _L, _L)] = zf
        return 0

    lax.fori_loop(0, _B, zrow, 0)

    def zpend(j, _):
        at = pl.ds(pl.multiple_of(j * _L, _L), _L)
        p_src[at] = zi
        p_dloc[at] = zi
        p_w[at] = zf
        return 0

    lax.fori_loop(0, _P // _L, zpend, 0)

    def fire_window(woff):
        woff = pl.multiple_of(woff, 16)
        pltpu.async_copy(
            xt_hbm.at[p_src.at[pl.ds(woff, _G)]], rows_v, gsem
        ).wait()

        def edge(e, _):
            esplat = zi + e + woff
            wv = plsc.load_gather(p_w, [esplat])
            dl = plsc.load_gather(p_dloc, [esplat])
            er = zi + e
            for k in range(_D // _L):
                col = iota + (k * _L)
                v = plsc.load_gather(rows_v, [er, col])
                plsc.addupdate_scatter(acc, [dl, col], v * wv)
            return 0

        lax.fori_loop(0, _G, edge, 0)

    def process_chunk(pk, pend0):
        def grp(i, pend):
            base3 = i * (3 * _L)
            dstv = plsc.load_gather(pk, [iota3 + base3])
            mask = (dstv >= lo) & (dstv < hi)
            srcv = plsc.load_gather(pk, [iota3 + (base3 + 1)])
            wv = plsc.bitcast(plsc.load_gather(pk, [iota3 + (base3 + 2)]),
                              jnp.float32)
            at = pl.ds(pend, _L)
            plsc.store_compressed(p_src.at[at], srcv, mask=mask)
            plsc.store_compressed(p_dloc.at[at], dstv - lo, mask=mask)
            plsc.store_compressed(p_w.at[at], wv, mask=mask)
            return pend + plsc.all_reduce_population_count(mask)[0]

        pend = lax.fori_loop(0, _GC, grp, pend0)

        def wcond(carry):
            return carry[0] + _G <= carry[1]

        def wbody(carry):
            woff, pend = carry
            fire_window(woff)
            return (woff + _G, pend)

        woff, pend = lax.while_loop(wcond, wbody, (0, pend))

        woff = pl.multiple_of(woff, 16)
        for j in range(_G // _L + 1):
            sl_to = pl.ds(j * _L, _L)
            sl_from = pl.ds(woff + j * _L, _L)
            p_src[sl_to] = p_src[sl_from]
            p_dloc[sl_to] = p_dloc[sl_from]
            p_w[sl_to] = p_w[sl_from]
        return pend - woff

    c3 = 3 * _C
    pltpu.async_copy(pk_hbm.at[pl.ds(0, c3)], pk0, esem0)
    pltpu.async_copy(pk_hbm.at[pl.ds(c3, c3)], pk1, esem1)

    def pair_body(h, pend):
        g0 = 2 * h
        pltpu.make_async_copy(pk_hbm.at[pl.ds(0, c3)], pk0, esem0).wait()
        pend = process_chunk(pk0, pend)

        @pl.when(g0 + 2 < _NCHK)
        def _():
            pltpu.async_copy(
                pk_hbm.at[pl.ds(pl.multiple_of((g0 + 2) * c3, 8), c3)],
                pk0, esem0)

        pltpu.make_async_copy(pk_hbm.at[pl.ds(0, c3)], pk1, esem1).wait()
        pend = process_chunk(pk1, pend)

        @pl.when(g0 + 3 < _NCHK)
        def _():
            pltpu.async_copy(
                pk_hbm.at[pl.ds(pl.multiple_of((g0 + 3) * c3, 8), c3)],
                pk1, esem1)

        return pend

    pend = lax.fori_loop(0, _NCHK // 2, pair_body, 0)

    a = pl.multiple_of((pend // _L) * _L, _L)
    pw = p_w[pl.ds(a, _L)]
    p_w[pl.ds(a, _L)] = jnp.where(iota < pend - a, pw, 0.0)
    for j in range(1, _G // _L + 1):
        p_w[pl.ds(a + j * _L, _L)] = zf
    fire_window(jnp.int32(0))

    pltpu.sync_copy(acc, out_hbm.at[pl.ds(lo, _B)])


def _sc_agg(xt, pk):
    call = pl.kernel(
        _sc_agg_body,
        out_type=jax.ShapeDtypeStruct((_NPAD, _D), jnp.float32),
        mesh=plsc.VectorSubcoreMesh(core_axis_name="c", subcore_axis_name="s",
                                    num_cores=_NC, num_subcores=_NS),
        compiler_params=pltpu.CompilerParams(needs_layout_passes=False),
        scratch_types=[
            pltpu.VMEM((3 * _C,), jnp.int32),
            pltpu.VMEM((3 * _C,), jnp.int32),
            pltpu.VMEM((_P,), jnp.int32),
            pltpu.VMEM((_P,), jnp.int32),
            pltpu.VMEM((_P,), jnp.float32),
            pltpu.VMEM((_G, _D), jnp.float32),
            pltpu.VMEM((_B, _D), jnp.float32),
            pltpu.SemaphoreType.DMA,
            pltpu.SemaphoreType.DMA,
            pltpu.SemaphoreType.DMA,
        ],
    )
    return call(xt, pk)


def kernel(x, edge_index, edge_weight):
    x_tangent = _rowmap_call(_logmap0_body, _N, 400)(x)
    wbits = jax.lax.bitcast_convert_type(edge_weight, jnp.int32)
    packed = jnp.stack(
        [edge_index[0], edge_index[1], wbits], axis=1).reshape(-1)
    support_t = _sc_agg(x_tangent, packed)
    return _rowmap_call(_expmap0_proj_body, _N, 400)(support_t)

# --- scband reference (transcript-rebuilt; emitter-appended) ---
"""Pipeline reference for scband-hyp-agg-79130477462190 (READ-ONLY COPY).

The authoritative reference and input builder live on the scoring server;
editing this copy changes nothing except your own understanding.
"""

import jax, jax.numpy as jnp
import numpy as np

N = 10000
E = 160000
D = 256
MIN_NORM = 1e-15
MAX_TANH = 15.0


def _artanh(x):
    x = jnp.clip(x, -1.0 + 1e-7, 1.0 - 1e-7)
    return jnp.arctanh(x)


def logmap0(p, c=1.0):
    # Poincare ball logmap at the origin
    sqrt_c = c ** 0.5
    p_norm = jnp.clip(jnp.linalg.norm(p, axis=-1, keepdims=True), MIN_NORM, None)
    return p / p_norm / sqrt_c * _artanh(sqrt_c * p_norm)


def expmap0(u, c=1.0):
    # Poincare ball expmap at the origin
    sqrt_c = c ** 0.5
    u_norm = jnp.clip(jnp.linalg.norm(u, axis=-1, keepdims=True), MIN_NORM, None)
    return jnp.tanh(jnp.clip(sqrt_c * u_norm, -MAX_TANH, MAX_TANH)) * u / (sqrt_c * u_norm)


def proj(x, c=1.0):
    # project back onto the (open) Poincare ball
    norm = jnp.clip(jnp.linalg.norm(x, axis=-1, keepdims=True), MIN_NORM, None)
    maxnorm = (1.0 - 4e-3) / (c ** 0.5)
    projected = x / norm * maxnorm
    return jnp.where(norm > maxnorm, projected, x)


def setup_inputs(seed: int = 0) -> dict:
    key = jax.random.key(seed)
    k1, k2, k3 = jax.random.split(key, 3)
    # points on the Poincare ball (small norms so logmap is well conditioned)
    x = jax.random.normal(k1, (N, D), dtype=jnp.float32) * 0.01
    x = proj(x)
    # sparse adjacency in COO form: row 0 = dst, row 1 = src
    edge_index = jax.random.randint(k2, (2, E), 0, N, dtype=jnp.int32)
    # non-negative edge weights, roughly degree-normalized
    edge_weight = jax.random.uniform(k3, (E,), dtype=jnp.float32) / 16.0
    return {"x": x, "edge_index": edge_index, "edge_weight": edge_weight}


def reference(x, edge_index, edge_weight):
    # x_tangent = manifold.logmap(x)   (logmap at origin)
    x_tangent = logmap0(x)
    # support_t = torch.sparse.mm(adj, x_tangent)
    dst = edge_index[0]
    src = edge_index[1]
    messages = edge_weight[:, None] * jnp.take(x_tangent, src, axis=0)
    support_t = jax.ops.segment_sum(messages, dst, num_segments=N)
    # result = manifold.proj(manifold.expmap(support_t))
    result = proj(expmap0(support_t))
    return result

if __name__ == "__main__":
    import jax
    _d = setup_inputs()
    print(jax.jit(kernel)(*tuple(_d.values())))

</pallas_src>

<mosaic_0001>
#map = affine_map<(d0, d1) -> (0, 0)>
#map1 = affine_map<(d0, d1) -> (0)>
module attributes {stable_mosaic.version = 14 : i64} {
  func.func @_sc_agg_body(%arg0: i32, %arg1: i32, %arg2: memref<10000x256xf32, #tpu.memory_space<hbm>>, %arg3: memref<480000xi32, #tpu.memory_space<hbm>>, %arg4: memref<10240x256xf32, #tpu.memory_space<hbm>>, %arg5: memref<6000xi32, #tpu.memory_space<vmem>>, %arg6: memref<6000xi32, #tpu.memory_space<vmem>>, %arg7: memref<2176xi32, #tpu.memory_space<vmem>>, %arg8: memref<2176xi32, #tpu.memory_space<vmem>>, %arg9: memref<2176xf32, #tpu.memory_space<vmem>>, %arg10: memref<80x256xf32, #tpu.memory_space<vmem>>, %arg11: memref<320x256xf32, #tpu.memory_space<vmem>>, %arg12: memref<!tpu.dma_semaphore, #tpu.memory_space<semaphore_mem>>, %arg13: memref<!tpu.dma_semaphore, #tpu.memory_space<semaphore_mem>>, %arg14: memref<!tpu.dma_semaphore, #tpu.memory_space<semaphore_mem>>) attributes {dimension_semantics = [#tpu.dimension_semantics<core_parallel>, #tpu.dimension_semantics<subcore_parallel>], iteration_bounds = array<i64: 2, 16>, scalar_prefetch = 0 : i64, scratch_operands = 10 : i64, tpu.core_type = #tpu.core_type<sc_vector_subcore>, window_params = [{transform_indices = #map}, {transform_indices = #map1}, {transform_indices = #map}]} {
    %mul3A = arith.constant 2 : i32
    %mul3A_0 = arith.muli %arg1, %mul3A : i32
    %add3A = arith.addi %mul3A_0, %arg0 : i32
    %mul3A_1 = arith.constant 320 : i32
    %mul3A_2 = arith.muli %add3A, %mul3A_1 : i32
    %multiple_of3A = tpu.assume_multiple %mul3A_2, 8 : i32
    %add3A_3 = arith.constant 320 : i32
    %add3A_4 = arith.addi %multiple_of3A, %add3A_3 : i32
    %iota3A = tpu.iota {dimensions = array<i32: 0>} : vector<16xi32>
    %mul3A_5 = arith.constant 3 : i32
    %mul3A_6 = vector.broadcast %mul3A_5 : i32 to vector<16xi32>
    %mul3A_7 = arith.muli %iota3A, %mul3A_6 : vector<16xi32>
    %broadcast_in_dim3A = arith.constant 0.000000e+00 : f32
    %broadcast_in_dim3A_8 = vector.broadcast %broadcast_in_dim3A : f32 to vector<16xf32>
    %broadcast_in_dim3A_9 = arith.constant 0 : i32
    %broadcast_in_dim3A_10 = vector.broadcast %broadcast_in_dim3A_9 : i32 to vector<16xi32>
    %scan3A = arith.constant 0 : i32
    %scan3A_11 = arith.constant 0 : i32
    %scan3A_12 = arith.constant 320 : i32
    %scan3A_13 = arith.addi %scan3A_11, %scan3A_12 : i32
    %scan3A_14 = arith.constant 1 : i32
    %scan3A_15 = scf.for %scan3A_100 = %scan3A_11 to %scan3A_13 step %scan3A_14 iter_args(%scan3A_101 = %scan3A) -> (i32)  : i32 {
      %swap3A_102 = arith.index_cast %scan3A_100 : i32 to index
      %swap3A_103 = arith.constant 0 : index
      %swap3A_104 = tpu.vector_load %arg11[%swap3A_102, %swap3A_103] {strides = array<i32>} : memref<320x256xf32, #tpu.memory_space<vmem>>, vector<16xf32>,
      tpu.vector_store %arg11[%swap3A_102, %swap3A_103], %broadcast_in_dim3A_8 {strides = array<i32>} : memref<320x256xf32, #tpu.memory_space<vmem>>, vector<16xf32>,
      %swap3A_105 = arith.index_cast %scan3A_100 : i32 to index
      %swap3A_106 = arith.constant 16 : index
      %swap3A_107 = tpu.vector_load %arg11[%swap3A_105, %swap3A_106] {strides = array<i32>} : memref<320x256xf32, #tpu.memory_space<vmem>>, vector<16xf32>,
      tpu.vector_store %arg11[%swap3A_105, %swap3A_106], %broadcast_in_dim3A_8 {strides = array<i32>} : memref<320x256xf32, #tpu.memory_space<vmem>>, vector<16xf32>,
      %swap3A_108 = arith.index_cast %scan3A_100 : i32 to index
      %swap3A_109 = arith.constant 32 : index
      %swap3A_110 = tpu.vector_load %arg11[%swap3A_108, %swap3A_109] {strides = array<i32>} : memref<320x256xf32, #tpu.memory_space<vmem>>, vector<16xf32>,
      tpu.vector_store %arg11[%swap3A_108, %swap3A_109], %broadcast_in_dim3A_8 {strides = array<i32>} : memref<320x256xf32, #tpu.memory_space<vmem>>, vector<16xf32>,
      %swap3A_111 = arith.index_cast %scan3A_100 : i32 to index
      %swap3A_112 = arith.constant 48 : index
      %swap3A_113 = tpu.vector_load %arg11[%swap3A_111, %swap3A_112] {strides = array<i32>} : memref<320x256xf32, #tpu.memory_space<vmem>>, vector<16xf32>,
      tpu.vector_store %arg11[%swap3A_111, %swap3A_112], %broadcast_in_dim3A_8 {strides = array<i32>} : memref<320x256xf32, #tpu.memory_space<vmem>>, vector<16xf32>,
      %swap3A_114 = arith.index_cast %scan3A_100 : i32 to index
      %swap3A_115 = arith.constant 64 : index
      %swap3A_116 = tpu.vector_load %arg11[%swap3A_114, %swap3A_115] {strides = array<i32>} : memref<320x256xf32, #tpu.memory_space<vmem>>, vector<16xf32>,
      tpu.vector_store %arg11[%swap3A_114, %swap3A_115], %broadcast_in_dim3A_8 {strides = array<i32>} : memref<320x256xf32, #tpu.memory_space<vmem>>, vector<16xf32>,
      %swap3A_117 = arith.index_cast %scan3A_100 : i32 to index
      %swap3A_118 = arith.constant 80 : index
      %swap3A_119 = tpu.vector_load %arg11[%swap3A_117, %swap3A_118] {strides = array<i32>} : memref<320x256xf32, #tpu.memory_space<vmem>>, vector<16xf32>,
      tpu.vector_store %arg11[%swap3A_117, %swap3A_118], %broadcast_in_dim3A_8 {strides = array<i32>} : memref<320x256xf32, #tpu.memory_space<vmem>>, vector<16xf32>,
      %swap3A_120 = arith.index_cast %scan3A_100 : i32 to index
      %swap3A_121 = arith.constant 96 : index
      %swap3A_122 = tpu.vector_load %arg11[%swap3A_120, %swap3A_121] {strides = array<i32>} : memref<320x256xf32, #tpu.memory_space<vmem>>, vector<16xf32>,
      tpu.vector_store %arg11[%swap3A_120, %swap3A_121], %broadcast_in_dim3A_8 {strides = array<i32>} : memref<320x256xf32, #tpu.memory_space<vmem>>, vector<16xf32>,
      %swap3A_123 = arith.index_cast %scan3A_100 : i32 to index
      %swap3A_124 = arith.constant 112 : index
      %swap3A_125 = tpu.vector_load %arg11[%swap3A_123, %swap3A_124] {strides = array<i32>} : memref<320x256xf32, #tpu.memory_space<vmem>>, vector<16xf32>,
      tpu.vector_store %arg11[%swap3A_123, %swap3A_124], %broadcast_in_dim3A_8 {strides = array<i32>} : memref<320x256xf32, #tpu.memory_space<vmem>>, vector<16xf32>,
      %swap3A_126 = arith.index_cast %scan3A_100 : i32 to index
      %swap3A_127 = arith.constant 128 : index
      %swap3A_128 = tpu.vector_load %arg11[%swap3A_126, %swap3A_127] {strides = array<i32>} : memref<320x256xf32, #tpu.memory_space<vmem>>, vector<16xf32>,
      tpu.vector_store %arg11[%swap3A_126, %swap3A_127], %broadcast_in_dim3A_8 {strides = array<i32>} : memref<320x256xf32, #tpu.memory_space<vmem>>, vector<16xf32>,
      %swap3A_129 = arith.index_cast %scan3A_100 : i32 to index
      %swap3A_130 = arith.constant 144 : index
      %swap3A_131 = tpu.vector_load %arg11[%swap3A_129, %swap3A_130] {strides = array<i32>} : memref<320x256xf32, #tpu.memory_space<vmem>>, vector<16xf32>,
      tpu.vector_store %arg11[%swap3A_129, %swap3A_130], %broadcast_in_dim3A_8 {strides = array<i32>} : memref<320x256xf32, #tpu.memory_space<vmem>>, vector<16xf32>,
      %swap3A_132 = arith.index_cast %scan3A_100 : i32 to index
      %swap3A_133 = arith.constant 160 : index
      %swap3A_134 = tpu.vector_load %arg11[%swap3A_132, %swap3A_133] {strides = array<i32>} : memref<320x256xf32, #tpu.memory_space<vmem>>, vector<16xf32>,
      tpu.vector_store %arg11[%swap3A_132, %swap3A_133], %broadcast_in_dim3A_8 {strides = array<i32>} : memref<320x256xf32, #tpu.memory_space<vmem>>, vector<16xf32>,
      %swap3A_135 = arith.index_cast %scan3A_100 : i32 to index
      %swap3A_136 = arith.constant 176 : index
      %swap3A_137 = tpu.vector_load %arg11[%swap3A_135, %swap3A_136] {strides = array<i32>} : memref<320x256xf32, #tpu.memory_space<vmem>>, vector<16xf32>,
      tpu.vector_store %arg11[%swap3A_135, %swap3A_136], %broadcast_in_dim3A_8 {strides = array<i32>} : memref<320x256xf32, #tpu.memory_space<vmem>>, vector<16xf32>,
      %swap3A_138 = arith.index_cast %scan3A_100 : i32 to index
      %swap3A_139 = arith.constant 192 : index
      %swap3A_140 = tpu.vector_load %arg11[%swap3A_138, %swap3A_139] {strides = array<i32>} : memref<320x256xf32, #tpu.memory_space<vmem>>, vector<16xf32>,
      tpu.vector_store %arg11[%swap3A_138, %swap3A_139], %broadcast_in_dim3A_8 {strides = array<i32>} : memref<320x256xf32, #tpu.memory_space<vmem>>, vector<16xf32>,
      %swap3A_141 = arith.index_cast %scan3A_100 : i32 to index
      %swap3A_142 = arith.constant 208 : index
      %swap3A_143 = tpu.vector_load %arg11[%swap3A_141, %swap3A_142] {strides = array<i32>} : memref<320x256xf32, #tpu.memory_space<vmem>>, vector<16xf32>,
      tpu.vector_store %arg11[%swap3A_141, %swap3A_142], %broadcast_in_dim3A_8 {strides = array<i32>} : memref<320x256xf32, #tpu.memory_space<vmem>>, vector<16xf32>,
      %swap3A_144 = arith.index_cast %scan3A_100 : i32 to index
      %swap3A_145 = arith.constant 224 : index
      %swap3A_146 = tpu.vector_load %arg11[%swap3A_144, %swap3A_145] {strides = array<i32>} : memref<320x256xf32, #tpu.memory_space<vmem>>, vector<16xf32>,
      tpu.vector_store %arg11[%swap3A_144, %swap3A_145], %broadcast_in_dim3A_8 {strides = array<i32>} : memref<320x256xf32, #tpu.memory_space<vmem>>, vector<16xf32>,
      %swap3A_147 = arith.index_cast %scan3A_100 : i32 to index
      %swap3A_148 = arith.constant 240 : index
      %swap3A_149 = tpu.vector_load %arg11[%swap3A_147, %swap3A_148] {strides = array<i32>} : memref<320x256xf32, #tpu.memory_space<vmem>>, vector<16xf32>,
      tpu.vector_store %arg11[%swap3A_147, %swap3A_148], %broadcast_in_dim3A_8 {strides = array<i32>} : memref<320x256xf32, #tpu.memory_space<vmem>>, vector<16xf32>,
      %scan3A_150 = arith.constant 0 : i32
      scf.yield %scan3A_150 : i32
    }
    %scan3A_16 = arith.constant 320 : i32
    %scan3A_17 = arith.constant 0 : i32
    %scan3A_18 = arith.constant 0 : i32
    %scan3A_19 = arith.constant 136 : i32
    %scan3A_20 = arith.addi %scan3A_18, %scan3A_19 : i32
    %scan3A_21 = arith.constant 1 : i32
    %scan3A_22 = scf.for %scan3A_100 = %scan3A_18 to %scan3A_20 step %scan3A_21 iter_args(%scan3A_101 = %scan3A_17) -> (i32)  : i32 {
      %mul3A_102 = arith.constant 16 : i32
      %mul3A_103 = arith.muli %scan3A_100, %mul3A_102 : i32
      %multiple_of3A_104 = tpu.assume_multiple %mul3A_103, 16 : i32
      %swap3A_105 = arith.index_cast %multiple_of3A_104 : i32 to index
      %swap3A_106 = tpu.vector_load %arg7[%swap3A_105] {strides = array<i32>} : memref<2176xi32, #tpu.memory_space<vmem>>, vector<16xi32>,
      tpu.vector_store %arg7[%swap3A_105], %broadcast_in_dim3A_10 {strides = array<i32>} : memref<2176xi32, #tpu.memory_space<vmem>>, vector<16xi32>,
      %swap3A_107 = arith.index_cast %multiple_of3A_104 : i32 to index
      %swap3A_108 = tpu.vector_load %arg8[%swap3A_107] {strides = array<i32>} : memref<2176xi32, #tpu.memory_space<vmem>>, vector<16xi32>,
      tpu.vector_store %arg8[%swap3A_107], %broadcast_in_dim3A_10 {strides = array<i32>} : memref<2176xi32, #tpu.memory_space<vmem>>, vector<16xi32>,
      %swap3A_109 = arith.index_cast %multiple_of3A_104 : i32 to index
      %swap3A_110 = tpu.vector_load %arg9[%swap3A_109] {strides = array<i32>} : memref<2176xf32, #tpu.memory_space<vmem>>, vector<16xf32>,
      tpu.vector_store %arg9[%swap3A_109], %broadcast_in_dim3A_8 {strides = array<i32>} : memref<2176xf32, #tpu.memory_space<vmem>>, vector<16xf32>,
      %scan3A_111 = arith.constant 0 : i32
      scf.yield %scan3A_111 : i32
    }
    %scan3A_23 = arith.constant 136 : i32
    %dma_start3A = arith.constant 0 : i32
    %dma_start3A_24 = tpu.memref_slice %arg3[%dma_start3A] : memref<480000xi32, #tpu.memory_space<hbm>> -> memref<6000xi32, #tpu.memory_space<hbm>>
    %dma_start3A_25 = arith.constant 0 : i32
    %dma_start3A_26 = tpu.memref_slice %arg3[%dma_start3A_25] : memref<480000xi32, #tpu.memory_space<hbm>> -> memref<6000xi32, #tpu.memory_space<hbm>>
    tpu.enqueue_dma source(%dma_start3A_26 : memref<6000xi32, #tpu.memory_space<hbm>>) target(%arg5 : memref<6000xi32, #tpu.memory_space<vmem>>) target_semaphore(%arg13 : memref<!tpu.dma_semaphore, #tpu.memory_space<semaphore_mem>>)
    %dma_start3A_27 = arith.constant 6000 : i32
    %dma_start3A_28 = tpu.memref_slice %arg3[%dma_start3A_27] : memref<480000xi32, #tpu.memory_space<hbm>> -> memref<6000xi32, #tpu.memory_space<hbm>>
    %dma_start3A_29 = arith.constant 6000 : i32
    %dma_start3A_30 = tpu.memref_slice %arg3[%dma_start3A_29] : memref<480000xi32, #tpu.memory_space<hbm>> -> memref<6000xi32, #tpu.memory_space<hbm>>
    tpu.enqueue_dma source(%dma_start3A_30 : memref<6000xi32, #tpu.memory_space<hbm>>) target(%arg6 : memref<6000xi32, #tpu.memory_space<vmem>>) target_semaphore(%arg14 : memref<!tpu.dma_semaphore, #tpu.memory_space<semaphore_mem>>)
    %scan3A_31 = arith.constant 0 : i32
    %scan3A_32 = arith.constant 0 : i32
    %scan3A_33 = arith.constant 40 : i32
    %scan3A_34 = arith.addi %scan3A_32, %scan3A_33 : i32
    %scan3A_35 = arith.constant 1 : i32
    %scan3A_36 = scf.for %scan3A_100 = %scan3A_32 to %scan3A_34 step %scan3A_35 iter_args(%scan3A_101 = %scan3A_31) -> (i32)  : i32 {
      %mul3A_102 = arith.constant 2 : i32
      %mul3A_103 = arith.muli %mul3A_102, %scan3A_100 : i32
      %dma_wait3A_104 = arith.constant 0 : i32
      %dma_wait3A_105 = tpu.memref_slice %arg3[%dma_wait3A_104] : memref<480000xi32, #tpu.memory_space<hbm>> -> memref<6000xi32, #tpu.memory_space<hbm>>
      %dma_wait3A_106 = arith.constant 0 : i32
      %dma_wait3A_107 = tpu.memref_slice %arg3[%dma_wait3A_106] : memref<480000xi32, #tpu.memory_space<hbm>> -> memref<6000xi32, #tpu.memory_space<hbm>>
      tpu.wait_dma2 semaphore(%arg13 : memref<!tpu.dma_semaphore, #tpu.memory_space<semaphore_mem>>) src(%dma_wait3A_107 : memref<6000xi32, #tpu.memory_space<hbm>>) dst(%arg5 : memref<6000xi32, #tpu.memory_space<vmem>>)
      %scan3A_108 = arith.constant 0 : i32
      %scan3A_109 = arith.constant 125 : i32
      %scan3A_110 = arith.addi %scan3A_108, %scan3A_109 : i32
      %scan3A_111 = arith.constant 1 : i32
      %scan3A_112 = scf.for %scan3A_311 = %scan3A_108 to %scan3A_110 step %scan3A_111 iter_args(%scan3A_312 = %scan3A_101) -> (i32)  : i32 {
        %mul3A_313 = arith.constant 48 : i32
        %mul3A_314 = arith.muli %scan3A_311, %mul3A_313 : i32
        %add3A_315 = vector.broadcast %mul3A_314 : i32 to vector<16xi32>
        %add3A_316 = arith.addi %mul3A_7, %add3A_315 : vector<16xi32>
        %gather3A = tpu.vector_load_idx %arg5[%add3A_316] : memref<6000xi32, #tpu.memory_space<vmem>>[vector<16xi32>], vector<16xi32>,
        %ge3A = vector.broadcast %multiple_of3A : i32 to vector<16xi32>
        %ge3A_317 = arith.cmpi sge, %gather3A, %ge3A : vector<16xi32>
        %lt3A_318 = vector.broadcast %add3A_4 : i32 to vector<16xi32>
        %lt3A_319 = arith.cmpi slt, %gather3A, %lt3A_318 : vector<16xi32>
        %and3A_320 = arith.andi %ge3A_317, %lt3A_319 : vector<16xi1>
        %add3A_321 = arith.constant 1 : i32
        %add3A_322 = arith.addi %mul3A_314, %add3A_321 : i32
        %add3A_323 = vector.broadcast %add3A_322 : i32 to vector<16xi32>
        %add3A_324 = arith.addi %mul3A_7, %add3A_323 : vector<16xi32>
        %gather3A_325 = tpu.vector_load_idx %arg5[%add3A_324] : memref<6000xi32, #tpu.memory_space<vmem>>[vector<16xi32>], vector<16xi32>,
        %add3A_326 = arith.constant 2 : i32
        %add3A_327 = arith.addi %mul3A_314, %add3A_326 : i32
        %add3A_328 = vector.broadcast %add3A_327 : i32 to vector<16xi32>
        %add3A_329 = arith.addi %mul3A_7, %add3A_328 : vector<16xi32>
        %gather3A_330 = tpu.vector_load_idx %arg5[%add3A_329] : memref<6000xi32, #tpu.memory_space<vmem>>[vector<16xi32>], vector<16xi32>,
        %bitcast3A = vector.bitcast %gather3A_330 : vector<16xi32> to vector<16xf32>
        %swap3A_331 = arith.index_cast %scan3A_312 : i32 to index
        %swap3A_332 = tpu.vector_load %arg7[%swap3A_331] masked %and3A_320 {strides = array<i32>} : memref<2176xi32, #tpu.memory_space<vmem>>, vector<16xi32>, vector<16xi1>
        tpu.vector_store %arg7[%swap3A_331], %gather3A_325 masked %and3A_320 {strides = array<i32>} : memref<2176xi32, #tpu.memory_space<vmem>>, vector<16xi32>, vector<16xi1>
        %sub3A_333 = vector.broadcast %multiple_of3A : i32 to vector<16xi32>
        %sub3A_334 = arith.subi %gather3A, %sub3A_333 : vector<16xi32>
        %swap3A_335 = arith.index_cast %scan3A_312 : i32 to index
        %swap3A_336 = tpu.vector_load %arg8[%swap3A_335] masked %and3A_320 {strides = array<i32>} : memref<2176xi32, #tpu.memory_space<vmem>>, vector<16xi32>, vector<16xi1>
        tpu.vector_store %arg8[%swap3A_335], %sub3A_334 masked %and3A_320 {strides = array<i32>} : memref<2176xi32, #tpu.memory_space<vmem>>, vector<16xi32>, vector<16xi1>
        %swap3A_337 = arith.index_cast %scan3A_312 : i32 to index
        %swap3A_338 = tpu.vector_load %arg9[%swap3A_337] masked %and3A_320 {strides = array<i32>} : memref<2176xf32, #tpu.memory_space<vmem>>, vector<16xf32>, vector<16xi1>
        tpu.vector_store %arg9[%swap3A_337], %bitcast3A masked %and3A_320 {strides = array<i32>} : memref<2176xf32, #tpu.memory_space<vmem>>, vector<16xf32>, vector<16xi1>
        %all_reduce_population_count3A = tpu.all_reduce %and3A_320 {dim = 0 : i64, kind = #tpu.reduction_kind<sum>} : vector<16xi1> -> vector<16xi32>
        %slice3A = vector.extract_strided_slice %all_reduce_population_count3A {offsets = [0], sizes = [1], strides = [1]} : vector<16xi32> to vector<1xi32>
        %squeeze3A = vector.extract %slice3A[0] : i32 from vector<1xi32>
        %add3A_339 = arith.addi %scan3A_312, %squeeze3A : i32
        scf.yield %add3A_339 : i32
      }
      %scan3A_113 = arith.constant 125 : i32
      %while3A = arith.constant 0 : i32
      %while3A_114:2 = scf.while (%while3A_311 = %while3A, %while3A_312 = %scan3A_112) : (i32, i32) -> (i32, i32) {
        %add3A_313 = arith.constant 80 : i32
        %add3A_314 = arith.addi %while3A_311, %add3A_313 : i32
        %le3A = arith.cmpi sle, %add3A_314, %while3A_312 : i32
        scf.condition(%le3A) %while3A_311, %while3A_312 : i32, i32
      } do {
      ^bb0(%while3A_311: i32, %while3A_312: i32):
        %multiple_of3A_313 = tpu.assume_multiple %while3A_311, 16 : i32
        %dma_start3A_314 = tpu.memref_slice %arg7[%multiple_of3A_313] : memref<2176xi32, #tpu.memory_space<vmem>> -> memref<80xi32, #tpu.memory_space<vmem>>
        %dma_start3A_315 = arith.constant 0 : i32
        %dma_start3A_316 = arith.constant 0 : i32
        %dma_start3A_317 = tpu.memref_slice %arg2[%dma_start3A_315, %dma_start3A_316] : memref<10000x256xf32, #tpu.memory_space<hbm>> -> memref<10000x256xf32, #tpu.memory_space<hbm>>
        tpu.enqueue_indirect_dma source(%dma_start3A_317 : memref<10000x256xf32, #tpu.memory_space<hbm>>) target(%arg10 : memref<80x256xf32, #tpu.memory_space<vmem>>) offsets(%dma_start3A_314 : memref<80xi32, #tpu.memory_space<vmem>>) semaphore(%arg12 : memref<!tpu.dma_semaphore, #tpu.memory_space<semaphore_mem>>)
        %dma_wait3A_318 = tpu.memref_slice %arg7[%multiple_of3A_313] : memref<2176xi32, #tpu.memory_space<vmem>> -> memref<80xi32, #tpu.memory_space<vmem>>
        %dma_wait3A_319 = arith.constant 0 : i32
        %dma_wait3A_320 = arith.constant 0 : i32
        %dma_wait3A_321 = tpu.memref_slice %arg2[%dma_wait3A_319, %dma_wait3A_320] : memref<10000x256xf32, #tpu.memory_space<hbm>> -> memref<10000x256xf32, #tpu.memory_space<hbm>>
        tpu.wait_indirect_dma semaphore(%arg12 : memref<!tpu.dma_semaphore, #tpu.memory_space<semaphore_mem>>) src(%dma_wait3A_321 : memref<10000x256xf32, #tpu.memory_space<hbm>>) dst(%arg10 : memref<80x256xf32, #tpu.memory_space<vmem>>)
        %scan3A_322 = arith.constant 0 : i32
        %scan3A_323 = arith.constant 0 : i32
        %scan3A_324 = arith.constant 80 : i32
        %scan3A_325 = arith.addi %scan3A_323, %scan3A_324 : i32
        %scan3A_326 = arith.constant 1 : i32
        %scan3A_327 = scf.for %scan3A_331 = %scan3A_323 to %scan3A_325 step %scan3A_326 iter_args(%scan3A_332 = %scan3A_322) -> (i32)  : i32 {
          %add3A_333 = vector.broadcast %scan3A_331 : i32 to vector<16xi32>
          %add3A_334 = arith.addi %broadcast_in_dim3A_10, %add3A_333 : vector<16xi32>
          %add3A_335 = vector.broadcast %multiple_of3A_313 : i32 to vector<16xi32>
          %add3A_336 = arith.addi %add3A_334, %add3A_335 : vector<16xi32>
          %gather3A = tpu.vector_load_idx %arg9[%add3A_336] : memref<2176xf32, #tpu.memory_space<vmem>>[vector<16xi32>], vector<16xf32>,
          %gather3A_337 = tpu.vector_load_idx %arg8[%add3A_336] : memref<2176xi32, #tpu.memory_space<vmem>>[vector<16xi32>], vector<16xi32>,
          %add3A_338 = vector.broadcast %scan3A_331 : i32 to vector<16xi32>
          %add3A_339 = arith.addi %broadcast_in_dim3A_10, %add3A_338 : vector<16xi32>
          %add3A_340 = arith.constant 0 : i32
          %add3A_341 = vector.broadcast %add3A_340 : i32 to vector<16xi32>
          %add3A_342 = arith.addi %iota3A, %add3A_341 : vector<16xi32>
          %gather3A_343 = tpu.vector_load_idx %arg10[%add3A_339, %add3A_342] : memref<80x256xf32, #tpu.memory_space<vmem>>[vector<16xi32>, vector<16xi32>], vector<16xf32>,
          %mul3A_344 = arith.mulf %gather3A_343, %gather3A : vector<16xf32>
          tpu.vector_store_idx %arg11[%gather3A_337, %add3A_342], %mul3A_344 {add = true} : memref<320x256xf32, #tpu.memory_space<vmem>>[vector<16xi32>, vector<16xi32>], vector<16xf32>,
          %add3A_345 = arith.constant 16 : i32
          %add3A_346 = vector.broadcast %add3A_345 : i32 to vector<16xi32>
          %add3A_347 = arith.addi %iota3A, %add3A_346 : vector<16xi32>
          %gather3A_348 = tpu.vector_load_idx %arg10[%add3A_339, %add3A_347] : memref<80x256xf32, #tpu.memory_space<vmem>>[vector<16xi32>, vector<16xi32>], vector<16xf32>,
          %mul3A_349 = arith.mulf %gather3A_348, %gather3A : vector<16xf32>
          tpu.vector_store_idx %arg11[%gather3A_337, %add3A_347], %mul3A_349 {add = true} : memref<320x256xf32, #tpu.memory_space<vmem>>[vector<16xi32>, vector<16xi32>], vector<16xf32>,
          %add3A_350 = arith.constant 32 : i32
          %add3A_351 = vector.broadcast %add3A_350 : i32 to vector<16xi32>
          %add3A_352 = arith.addi %iota3A, %add3A_351 : vector<16xi32>
          %gather3A_353 = tpu.vector_load_idx %arg10[%add3A_339, %add3A_352] : memref<80x256xf32, #tpu.memory_space<vmem>>[vector<16xi32>, vector<16xi32>], vector<16xf32>,
          %mul3A_354 = arith.mulf %gather3A_353, %gather3A : vector<16xf32>
          tpu.vector_store_idx %arg11[%gather3A_337, %add3A_352], %mul3A_354 {add = true} : memref<320x256xf32, #tpu.memory_space<vmem>>[vector<16xi32>, vector<16xi32>], vector<16xf32>,
          %add3A_355 = arith.constant 48 : i32
          %add3A_356 = vector.broadcast %add3A_355 : i32 to vector<16xi32>
          %add3A_357 = arith.addi %iota3A, %add3A_356 : vector<16xi32>
          %gather3A_358 = tpu.vector_load_idx %arg10[%add3A_339, %add3A_357] : memref<80x256xf32, #tpu.memory_space<vmem>>[vector<16xi32>, vector<16xi32>], vector<16xf32>,
          %mul3A_359 = arith.mulf %gather3A_358, %gather3A : vector<16xf32>
          tpu.vector_store_idx %arg11[%gather3A_337, %add3A_357], %mul3A_359 {add = true} : memref<320x256xf32, #tpu.memory_space<vmem>>[vector<16xi32>, vector<16xi32>], vector<16xf32>,
          %add3A_360 = arith.constant 64 : i32
          %add3A_361 = vector.broadcast %add3A_360 : i32 to vector<16xi32>
          %add3A_362 = arith.addi %iota3A, %add3A_361 : vector<16xi32>
          %gather3A_363 = tpu.vector_load_idx %arg10[%add3A_339, %add3A_362] : memref<80x256xf32, #tpu.memory_space<vmem>>[vector<16xi32>, vector<16xi32>], vector<16xf32>,
          %mul3A_364 = arith.mulf %gather3A_363, %gather3A : vector<16xf32>
          tpu.vector_store_idx %arg11[%gather3A_337, %add3A_362], %mul3A_364 {add = true} : memref<320x256xf32, #tpu.memory_space<vmem>>[vector<16xi32>, vector<16xi32>], vector<16xf32>,
          %add3A_365 = arith.constant 80 : i32
          %add3A_366 = vector.broadcast %add3A_365 : i32 to vector<16xi32>
          %add3A_367 = arith.addi %iota3A, %add3A_366 : vector<16xi32>
          %gather3A_368 = tpu.vector_load_idx %arg10[%add3A_339, %add3A_367] : memref<80x256xf32, #tpu.memory_space<vmem>>[vector<16xi32>, vector<16xi32>], vector<16xf32>,
          %mul3A_369 = arith.mulf %gather3A_368, %gather3A : vector<16xf32>
          tpu.vector_store_idx %arg11[%gather3A_337, %add3A_367], %mul3A_369 {add = true} : memref<320x256xf32, #tpu.memory_space<vmem>>[vector<16xi32>, vector<16xi32>], vector<16xf32>,
          %add3A_370 = arith.constant 96 : i32
          %add3A_371 = vector.broadcast %add3A_370 : i32 to vector<16xi32>
          %add3A_372 = arith.addi %iota3A, %add3A_371 : vector<16xi32>
          %gather3A_373 = tpu.vector_load_idx %arg10[%add3A_339, %add3A_372] : memref<80x256xf32, #tpu.memory_space<vmem>>[vector<16xi32>, vector<16xi32>], vector<16xf32>,
          %mul3A_374 = arith.mulf %gather3A_373, %gather3A : vector<16xf32>
          tpu.vector_store_idx %arg11[%gather3A_337, %add3A_372], %mul3A_374 {add = true} : memref<320x256xf32, #tpu.memory_space<vmem>>[vector<16xi32>, vector<16xi32>], vector<16xf32>,
          %add3A_375 = arith.constant 112 : i32
          %add3A_376 = vector.broadcast %add3A_375 : i32 to vector<16xi32>
          %add3A_377 = arith.addi %iota3A, %add3A_376 : vector<16xi32>
          %gather3A_378 = tpu.vector_load_idx %arg10[%add3A_339, %add3A_377] : memref<80x256xf32, #tpu.memory_space<vmem>>[vector<16xi32>, vector<16xi32>], vector<16xf32>,
          %mul3A_379 = arith.mulf %gather3A_378, %gather3A : vector<16xf32>
          tpu.vector_store_idx %arg11[%gather3A_337, %add3A_377], %mul3A_379 {add = true} : memref<320x256xf32, #tpu.memory_space<vmem>>[vector<16xi32>, vector<16xi32>], vector<16xf32>,
          %add3A_380 = arith.constant 128 : i32
          %add3A_381 = vector.broadcast %add3A_380 : i32 to vector<16xi32>
          %add3A_382 = arith.addi %iota3A, %add3A_381 : vector<16xi32>
          %gather3A_383 = tpu.vector_load_idx %arg10[%add3A_339, %add3A_382] : memref<80x256xf32, #tpu.memory_space<vmem>>[vector<16xi32>, vector<16xi32>], vector<16xf32>,
          %mul3A_384 = arith.mulf %gather3A_383, %gather3A : vector<16xf32>
          tpu.vector_store_idx %arg11[%gather3A_337, %add3A_382], %mul3A_384 {add = true} : memref<320x256xf32, #tpu.memory_space<vmem>>[vector<16xi32>, vector<16xi32>], vector<16xf32>,
          %add3A_385 = arith.constant 144 : i32
          %add3A_386 = vector.broadcast %add3A_385 : i32 to vector<16xi32>
          %add3A_387 = arith.addi %iota3A, %add3A_386 : vector<16xi32>
          %gather3A_388 = tpu.vector_load_idx %arg10[%add3A_339, %add3A_387] : memref<80x256xf32, #tpu.memory_space<vmem>>[vector<16xi32>, vector<16xi32>], vector<16xf32>,
          %mul3A_389 = arith.mulf %gather3A_388, %gather3A : vector<16xf32>
          tpu.vector_store_idx %arg11[%gather3A_337, %add3A_387], %mul3A_389 {add = true} : memref<320x256xf32, #tpu.memory_space<vmem>>[vector<16xi32>, vector<16xi32>], vector<16xf32>,
          %add3A_390 = arith.constant 160 : i32
          %add3A_391 = vector.broadcast %add3A_390 : i32 to vector<16xi32>
          %add3A_392 = arith.addi %iota3A, %add3A_391 : vector<16xi32>
          %gather3A_393 = tpu.vector_load_idx %arg10[%add3A_339, %add3A_392] : memref<80x256xf32, #tpu.memory_space<vmem>>[vector<16xi32>, vector<16xi32>], vector<16xf32>,
          %mul3A_394 = arith.mulf %gather3A_393, %gather3A : vector<16xf32>
          tpu.vector_store_idx %arg11[%gather3A_337, %add3A_392], %mul3A_394 {add = true} : memref<320x256xf32, #tpu.memory_space<vmem>>[vector<16xi32>, vector<16xi32>], vector<16xf32>,
          %add3A_395 = arith.constant 176 : i32
          %add3A_396 = vector.broadcast %add3A_395 : i32 to vector<16xi32>
          %add3A_397 = arith.addi %iota3A, %add3A_396 : vector<16xi32>
          %gather3A_398 = tpu.vector_load_idx %arg10[%add3A_339, %add3A_397] : memref<80x256xf32, #tpu.memory_space<vmem>>[vector<16xi32>, vector<16xi32>], vector<16xf32>,
          %mul3A_399 = arith.mulf %gather3A_398, %gather3A : vector<16xf32>
          tpu.vector_store_idx %arg11[%gather3A_337, %add3A_397], %mul3A_399 {add = true} : memref<320x256xf32, #tpu.memory_space<vmem>>[vector<16xi32>, vector<16xi32>], vector<16xf32>,
          %add3A_400 = arith.constant 192 : i32
          %add3A_401 = vector.broadcast %add3A_400 : i32 to vector<16xi32>
          %add3A_402 = arith.addi %iota3A, %add3A_401 : vector<16xi32>
          %gather3A_403 = tpu.vector_load_idx %arg10[%add3A_339, %add3A_402] : memref<80x256xf32, #tpu.memory_space<vmem>>[vector<16xi32>, vector<16xi32>], vector<16xf32>,
          %mul3A_404 = arith.mulf %gather3A_403, %gather3A : vector<16xf32>
          tpu.vector_store_idx %arg11[%gather3A_337, %add3A_402], %mul3A_404 {add = true} : memref<320x256xf32, #tpu.memory_space<vmem>>[vector<16xi32>, vector<16xi32>], vector<16xf32>,
          %add3A_405 = arith.constant 208 : i32
          %add3A_406 = vector.broadcast %add3A_405 : i32 to vector<16xi32>
          %add3A_407 = arith.addi %iota3A, %add3A_406 : vector<16xi32>
          %gather3A_408 = tpu.vector_load_idx %arg10[%add3A_339, %add3A_407] : memref<80x256xf32, #tpu.memory_space<vmem>>[vector<16xi32>, vector<16xi32>], vector<16xf32>,
          %mul3A_409 = arith.mulf %gather3A_408, %gather3A : vector<16xf32>
          tpu.vector_store_idx %arg11[%gather3A_337, %add3A_407], %mul3A_409 {add = true} : memref<320x256xf32, #tpu.memory_space<vmem>>[vector<16xi32>, vector<16xi32>], vector<16xf32>,
          %add3A_410 = arith.constant 224 : i32
          %add3A_411 = vector.broadcast %add3A_410 : i32 to vector<16xi32>
          %add3A_412 = arith.addi %iota3A, %add3A_411 : vector<16xi32>
          %gather3A_413 = tpu.vector_load_idx %arg10[%add3A_339, %add3A_412] : memref<80x256xf32, #tpu.memory_space<vmem>>[vector<16xi32>, vector<16xi32>], vector<16xf32>,
          %mul3A_414 = arith.mulf %gather3A_413, %gather3A : vector<16xf32>
          tpu.vector_store_idx %arg11[%gather3A_337, %add3A_412], %mul3A_414 {add = true} : memref<320x256xf32, #tpu.memory_space<vmem>>[vector<16xi32>, vector<16xi32>], vector<16xf32>,
          %add3A_415 = arith.constant 240 : i32
          %add3A_416 = vector.broadcast %add3A_415 : i32 to vector<16xi32>
          %add3A_417 = arith.addi %iota3A, %add3A_416 : vector<16xi32>
          %gather3A_418 = tpu.vector_load_idx %arg10[%add3A_339, %add3A_417] : memref<80x256xf32, #tpu.memory_space<vmem>>[vector<16xi32>, vector<16xi32>], vector<16xf32>,
          %mul3A_419 = arith.mulf %gather3A_418, %gather3A : vector<16xf32>
          tpu.vector_store_idx %arg11[%gather3A_337, %add3A_417], %mul3A_419 {add = true} : memref<320x256xf32, #tpu.memory_space<vmem>>[vector<16xi32>, vector<16xi32>], vector<16xf32>,
          %scan3A_420 = arith.constant 0 : i32
          scf.yield %scan3A_420 : i32
        }
        %scan3A_328 = arith.constant 80 : i32
        %add3A_329 = arith.constant 80 : i32
        %add3A_330 = arith.addi %while3A_311, %add3A_329 : i32
        scf.yield %add3A_330, %while3A_312 : i32, i32
      }
      %multiple_of3A_115 = tpu.assume_multiple %while3A_114#0, 16 : i32
      %add3A_116 = arith.constant 0 : i32
      %add3A_117 = arith.addi %multiple_of3A_115, %add3A_116 : i32
      %get3A_118 = arith.index_cast %add3A_117 : i32 to index
      %get3A_119 = tpu.vector_load %arg7[%get3A_118] {strides = array<i32>} : memref<2176xi32, #tpu.memory_space<vmem>>, vector<16xi32>,
      %swap3A_120 = arith.constant 0 : index
      %swap3A_121 = tpu.vector_load %arg7[%swap3A_120] {strides = array<i32>} : memref<2176xi32, #tpu.memory_space<vmem>>, vector<16xi32>,
      tpu.vector_store %arg7[%swap3A_120], %get3A_119 {strides = array<i32>} : memref<2176xi32, #tpu.memory_space<vmem>>, vector<16xi32>,
      %get3A_122 = arith.index_cast %add3A_117 : i32 to index
      %get3A_123 = tpu.vector_load %arg8[%get3A_122] {strides = array<i32>} : memref<2176xi32, #tpu.memory_space<vmem>>, vector<16xi32>,
      %swap3A_124 = arith.constant 0 : index
      %swap3A_125 = tpu.vector_load %arg8[%swap3A_124] {strides = array<i32>} : memref<2176xi32, #tpu.memory_space<vmem>>, vector<16xi32>,
      tpu.vector_store %arg8[%swap3A_124], %get3A_123 {strides = array<i32>} : memref<2176xi32, #tpu.memory_space<vmem>>, vector<16xi32>,
      %get3A_126 = arith.index_cast %add3A_117 : i32 to index
      %get3A_127 = tpu.vector_load %arg9[%get3A_126] {strides = array<i32>} : memref<2176xf32, #tpu.memory_space<vmem>>, vector<16xf32>,
      %swap3A_128 = arith.constant 0 : index
      %swap3A_129 = tpu.vector_load %arg9[%swap3A_128] {strides = array<i32>} : memref<2176xf32, #tpu.memory_space<vmem>>, vector<16xf32>,
      tpu.vector_store %arg9[%swap3A_128], %get3A_127 {strides = array<i32>} : memref<2176xf32, #tpu.memory_space<vmem>>, vector<16xf32>,
      %add3A_130 = arith.constant 16 : i32
      %add3A_131 = arith.addi %multiple_of3A_115, %add3A_130 : i32
      %get3A_132 = arith.index_cast %add3A_131 : i32 to index
      %get3A_133 = tpu.vector_load %arg7[%get3A_132] {strides = array<i32>} : memref<2176xi32, #tpu.memory_space<vmem>>, vector<16xi32>,
      %swap3A_134 = arith.constant 16 : index
      %swap3A_135 = tpu.vector_load %arg7[%swap3A_134] {strides = array<i32>} : memref<2176xi32, #tpu.memory_space<vmem>>, vector<16xi32>,
      tpu.vector_store %arg7[%swap3A_134], %get3A_133 {strides = array<i32>} : memref<2176xi32, #tpu.memory_space<vmem>>, vector<16xi32>,
      %get3A_136 = arith.index_cast %add3A_131 : i32 to index
      %get3A_137 = tpu.vector_load %arg8[%get3A_136] {strides = array<i32>} : memref<2176xi32, #tpu.memory_space<vmem>>, vector<16xi32>,
      %swap3A_138 = arith.constant 16 : index
      %swap3A_139 = tpu.vector_load %arg8[%swap3A_138] {strides = array<i32>} : memref<2176xi32, #tpu.memory_space<vmem>>, vector<16xi32>,
      tpu.vector_store %arg8[%swap3A_138], %get3A_137 {strides = array<i32>} : memref<2176xi32, #tpu.memory_space<vmem>>, vector<16xi32>,
      %get3A_140 = arith.index_cast %add3A_131 : i32 to index
      %get3A_141 = tpu.vector_load %arg9[%get3A_140] {strides = array<i32>} : memref<2176xf32, #tpu.memory_space<vmem>>, vector<16xf32>,
      %swap3A_142 = arith.constant 16 : index
      %swap3A_143 = tpu.vector_load %arg9[%swap3A_142] {strides = array<i32>} : memref<2176xf32, #tpu.memory_space<vmem>>, vector<16xf32>,
      tpu.vector_store %arg9[%swap3A_142], %get3A_141 {strides = array<i32>} : memref<2176xf32, #tpu.memory_space<vmem>>, vector<16xf32>,
      %add3A_144 = arith.constant 32 : i32
      %add3A_145 = arith.addi %multiple_of3A_115, %add3A_144 : i32
      %get3A_146 = arith.index_cast %add3A_145 : i32 to index
      %get3A_147 = tpu.vector_load %arg7[%get3A_146] {strides = array<i32>} : memref<2176xi32, #tpu.memory_space<vmem>>, vector<16xi32>,
      %swap3A_148 = arith.constant 32 : index
      %swap3A_149 = tpu.vector_load %arg7[%swap3A_148] {strides = array<i32>} : memref<2176xi32, #tpu.memory_space<vmem>>, vector<16xi32>,
      tpu.vector_store %arg7[%swap3A_148], %get3A_147 {strides = array<i32>} : memref<2176xi32, #tpu.memory_space<vmem>>, vector<16xi32>,
      %get3A_150 = arith.index_cast %add3A_145 : i32 to index
      %get3A_151 = tpu.vector_load %arg8[%get3A_150] {strides = array<i32>} : memref<2176xi32, #tpu.memory_space<vmem>>, vector<16xi32>,
      %swap3A_152 = arith.constant 32 : index
      %swap3A_153 = tpu.vector_load %arg8[%swap3A_152] {strides = array<i32>} : memref<2176xi32, #tpu.memory_space<vmem>>, vector<16xi32>,
      tpu.vector_store %arg8[%swap3A_152], %get3A_151 {strides = array<i32>} : memref<2176xi32, #tpu.memory_space<vmem>>, vector<16xi32>,
      %get3A_154 = arith.index_cast %add3A_145 : i32 to index
      %get3A_155 = tpu.vector_load %arg9[%get3A_154] {strides = array<i32>} : memref<2176xf32, #tpu.memory_space<vmem>>, vector<16xf32>,
      %swap3A_156 = arith.constant 32 : index
      %swap3A_157 = tpu.vector_load %arg9[%swap3A_156] {strides = array<i32>} : memref<2176xf32, #tpu.memory_space<vmem>>, vector<16xf32>,
      tpu.vector_store %arg9[%swap3A_156], %get3A_155 {strides = array<i32>} : memref<2176xf32, #tpu.memory_space<vmem>>, vector<16xf32>,
      %add3A_158 = arith.constant 48 : i32
      %add3A_159 = arith.addi %multiple_of3A_115, %add3A_158 : i32
      %get3A_160 = arith.index_cast %add3A_159 : i32 to index
      %get3A_161 = tpu.vector_load %arg7[%get3A_160] {strides = array<i32>} : memref<2176xi32, #tpu.memory_space<vmem>>, vector<16xi32>,
      %swap3A_162 = arith.constant 48 : index
      %swap3A_163 = tpu.vector_load %arg7[%swap3A_162] {strides = array<i32>} : memref<2176xi32, #tpu.memory_space<vmem>>, vector<16xi32>,
      tpu.vector_store %arg7[%swap3A_162], %get3A_161 {strides = array<i32>} : memref<2176xi32, #tpu.memory_space<vmem>>, vector<16xi32>,
      %get3A_164 = arith.index_cast %add3A_159 : i32 to index
      %get3A_165 = tpu.vector_load %arg8[%get3A_164] {strides = array<i32>} : memref<2176xi32, #tpu.memory_space<vmem>>, vector<16xi32>,
      %swap3A_166 = arith.constant 48 : index
      %swap3A_167 = tpu.vector_load %arg8[%swap3A_166] {strides = array<i32>} : memref<2176xi32, #tpu.memory_space<vmem>>, vector<16xi32>,
      tpu.vector_store %arg8[%swap3A_166], %get3A_165 {strides = array<i32>} : memref<2176xi32, #tpu.memory_space<vmem>>, vector<16xi32>,
      %get3A_168 = arith.index_cast %add3A_159 : i32 to index
      %get3A_169 = tpu.vector_load %arg9[%get3A_168] {strides = array<i32>} : memref<2176xf32, #tpu.memory_space<vmem>>, vector<16xf32>,
      %swap3A_170 = arith.constant 48 : index
      %swap3A_171 = tpu.vector_load %arg9[%swap3A_170] {strides = array<i32>} : memref<2176xf32, #tpu.memory_space<vmem>>, vector<16xf32>,
      tpu.vector_store %arg9[%swap3A_170], %get3A_169 {strides = array<i32>} : memref<2176xf32, #tpu.memory_space<vmem>>, vector<16xf32>,
      %add3A_172 = arith.constant 64 : i32
      %add3A_173 = arith.addi %multiple_of3A_115, %add3A_172 : i32
      %get3A_174 = arith.index_cast %add3A_173 : i32 to index
      %get3A_175 = tpu.vector_load %arg7[%get3A_174] {strides = array<i32>} : memref<2176xi32, #tpu.memory_space<vmem>>, vector<16xi32>,
      %swap3A_176 = arith.constant 64 : index
      %swap3A_177 = tpu.vector_load %arg7[%swap3A_176] {strides = array<i32>} : memref<2176xi32, #tpu.memory_space<vmem>>, vector<16xi32>,
      tpu.vector_store %arg7[%swap3A_176], %get3A_175 {strides = array<i32>} : memref<2176xi32, #tpu.memory_space<vmem>>, vector<16xi32>,
      %get3A_178 = arith.index_cast %add3A_173 : i32 to index
      %get3A_179 = tpu.vector_load %arg8[%get3A_178] {strides = array<i32>} : memref<2176xi32, #tpu.memory_space<vmem>>, vector<16xi32>,
      %swap3A_180 = arith.constant 64 : index
      %swap3A_181 = tpu.vector_load %arg8[%swap3A_180] {strides = array<i32>} : memref<2176xi32, #tpu.memory_space<vmem>>, vector<16xi32>,
      tpu.vector_store %arg8[%swap3A_180], %get3A_179 {strides = array<i32>} : memref<2176xi32, #tpu.memory_space<vmem>>, vector<16xi32>,
      %get3A_182 = arith.index_cast %add3A_173 : i32 to index
      %get3A_183 = tpu.vector_load %arg9[%get3A_182] {strides = array<i32>} : memref<2176xf32, #tpu.memory_space<vmem>>, vector<16xf32>,
      %swap3A_184 = arith.constant 64 : index
      %swap3A_185 = tpu.vector_load %arg9[%swap3A_184] {strides = array<i32>} : memref<2176xf32, #tpu.memory_space<vmem>>, vector<16xf32>,
      tpu.vector_store %arg9[%swap3A_184], %get3A_183 {strides = array<i32>} : memref<2176xf32, #tpu.memory_space<vmem>>, vector<16xf32>,
      %add3A_186 = arith.constant 80 : i32
      %add3A_187 = arith.addi %multiple_of3A_115, %add3A_186 : i32
      %get3A_188 = arith.index_cast %add3A_187 : i32 to index
      %get3A_189 = tpu.vector_load %arg7[%get3A_188] {strides = array<i32>} : memref<2176xi32, #tpu.memory_space<vmem>>, vector<16xi32>,
      %swap3A_190 = arith.constant 80 : index
      %swap3A_191 = tpu.vector_load %arg7[%swap3A_190] {strides = array<i32>} : memref<2176xi32, #tpu.memory_space<vmem>>, vector<16xi32>,
      tpu.vector_store %arg7[%swap3A_190], %get3A_189 {strides = array<i32>} : memref<2176xi32, #tpu.memory_space<vmem>>, vector<16xi32>,
      %get3A_192 = arith.index_cast %add3A_187 : i32 to index
      %get3A_193 = tpu.vector_load %arg8[%get3A_192] {strides = array<i32>} : memref<2176xi32, #tpu.memory_space<vmem>>, vector<16xi32>,
      %swap3A_194 = arith.constant 80 : index
      %swap3A_195 = tpu.vector_load %arg8[%swap3A_194] {strides = array<i32>} : memref<2176xi32, #tpu.memory_space<vmem>>, vector<16xi32>,
      tpu.vector_store %arg8[%swap3A_194], %get3A_193 {strides = array<i32>} : memref<2176xi32, #tpu.memory_space<vmem>>, vector<16xi32>,
      %get3A_196 = arith.index_cast %add3A_187 : i32 to index
      %get3A_197 = tpu.vector_load %arg9[%get3A_196] {strides = array<i32>} : memref<2176xf32, #tpu.memory_space<vmem>>, vector<16xf32>,
      %swap3A_198 = arith.constant 80 : index
      %swap3A_199 = tpu.vector_load %arg9[%swap3A_198] {strides = array<i32>} : memref<2176xf32, #tpu.memory_space<vmem>>, vector<16xf32>,
      tpu.vector_store %arg9[%swap3A_198], %get3A_197 {strides = array<i32>} : memref<2176xf32, #tpu.memory_space<vmem>>, vector<16xf32>,
      %sub3A_200 = arith.subi %while3A_114#1, %multiple_of3A_115 : i32
      %add3A_201 = arith.constant 2 : i32
      %add3A_202 = arith.addi %mul3A_103, %add3A_201 : i32
      %lt3A_203 = arith.constant 80 : i32
      %lt3A_204 = arith.cmpi slt, %add3A_202, %lt3A_203 : i32
      %convert_element_type3A = arith.extui %lt3A_204 : i1 to i32
      %cond3A = arith.constant 0 : i32
      %cond3A_205 = arith.cmpi ne, %convert_element_type3A, %cond3A : i32
      scf.if %cond3A_205 {
        %add3A_311 = arith.constant 2 : i32
        %add3A_312 = arith.addi %mul3A_103, %add3A_311 : i32
        %mul3A_313 = arith.constant 6000 : i32
        %mul3A_314 = arith.muli %add3A_312, %mul3A_313 : i32
        %multiple_of3A_315 = tpu.assume_multiple %mul3A_314, 8 : i32
        %dma_start3A_316 = tpu.memref_slice %arg3[%multiple_of3A_315] : memref<480000xi32, #tpu.memory_space<hbm>> -> memref<6000xi32, #tpu.memory_space<hbm>>
        %dma_start3A_317 = tpu.memref_slice %arg3[%multiple_of3A_315] : memref<480000xi32, #tpu.memory_space<hbm>> -> memref<6000xi32, #tpu.memory_space<hbm>>
        tpu.enqueue_dma source(%dma_start3A_317 : memref<6000xi32, #tpu.memory_space<hbm>>) target(%arg5 : memref<6000xi32, #tpu.memory_space<vmem>>) target_semaphore(%arg13 : memref<!tpu.dma_semaphore, #tpu.memory_space<semaphore_mem>>)
      } else {
      }
      %dma_wait3A_206 = arith.constant 0 : i32
      %dma_wait3A_207 = tpu.memref_slice %arg3[%dma_wait3A_206] : memref<480000xi32, #tpu.memory_space<hbm>> -> memref<6000xi32, #tpu.memory_space<hbm>>
      %dma_wait3A_208 = arith.constant 0 : i32
      %dma_wait3A_209 = tpu.memref_slice %arg3[%dma_wait3A_208] : memref<480000xi32, #tpu.memory_space<hbm>> -> memref<6000xi32, #tpu.memory_space<hbm>>
      tpu.wait_dma2 semaphore(%arg14 : memref<!tpu.dma_semaphore, #tpu.memory_space<semaphore_mem>>) src(%dma_wait3A_209 : memref<6000xi32, #tpu.memory_space<hbm>>) dst(%arg6 : memref<6000xi32, #tpu.memory_space<vmem>>)
      %scan3A_210 = arith.constant 0 : i32
      %scan3A_211 = arith.constant 125 : i32
      %scan3A_212 = arith.addi %scan3A_210, %scan3A_211 : i32
      %scan3A_213 = arith.constant 1 : i32
      %scan3A_214 = scf.for %scan3A_311 = %scan3A_210 to %scan3A_212 step %scan3A_213 iter_args(%scan3A_312 = %sub3A_200) -> (i32)  : i32 {
        %mul3A_313 = arith.constant 48 : i32
        %mul3A_314 = arith.muli %scan3A_311, %mul3A_313 : i32
        %add3A_315 = vector.broadcast %mul3A_314 : i32 to vector<16xi32>
        %add3A_316 = arith.addi %mul3A_7, %add3A_315 : vector<16xi32>
        %gather3A = tpu.vector_load_idx %arg6[%add3A_316] : memref<6000xi32, #tpu.memory_space<vmem>>[vector<16xi32>], vector<16xi32>,
        %ge3A = vector.broadcast %multiple_of3A : i32 to vector<16xi32>
        %ge3A_317 = arith.cmpi sge, %gather3A, %ge3A : vector<16xi32>
        %lt3A_318 = vector.broadcast %add3A_4 : i32 to vector<16xi32>
        %lt3A_319 = arith.cmpi slt, %gather3A, %lt3A_318 : vector<16xi32>
        %and3A_320 = arith.andi %ge3A_317, %lt3A_319 : vector<16xi1>
        %add3A_321 = arith.constant 1 : i32
        %add3A_322 = arith.addi %mul3A_314, %add3A_321 : i32
        %add3A_323 = vector.broadcast %add3A_322 : i32 to vector<16xi32>
        %add3A_324 = arith.addi %mul3A_7, %add3A_323 : vector<16xi32>
        %gather3A_325 = tpu.vector_load_idx %arg6[%add3A_324] : memref<6000xi32, #tpu.memory_space<vmem>>[vector<16xi32>], vector<16xi32>,
        %add3A_326 = arith.constant 2 : i32
        %add3A_327 = arith.addi %mul3A_314, %add3A_326 : i32
        %add3A_328 = vector.broadcast %add3A_327 : i32 to vector<16xi32>
        %add3A_329 = arith.addi %mul3A_7, %add3A_328 : vector<16xi32>
        %gather3A_330 = tpu.vector_load_idx %arg6[%add3A_329] : memref<6000xi32, #tpu.memory_space<vmem>>[vector<16xi32>], vector<16xi32>,
        %bitcast3A = vector.bitcast %gather3A_330 : vector<16xi32> to vector<16xf32>
        %swap3A_331 = arith.index_cast %scan3A_312 : i32 to index
        %swap3A_332 = tpu.vector_load %arg7[%swap3A_331] masked %and3A_320 {strides = array<i32>} : memref<2176xi32, #tpu.memory_space<vmem>>, vector<16xi32>, vector<16xi1>
        tpu.vector_store %arg7[%swap3A_331], %gather3A_325 masked %and3A_320 {strides = array<i32>} : memref<2176xi32, #tpu.memory_space<vmem>>, vector<16xi32>, vector<16xi1>
        %sub3A_333 = vector.broadcast %multiple_of3A : i32 to vector<16xi32>
        %sub3A_334 = arith.subi %gather3A, %sub3A_333 : vector<16xi32>
        %swap3A_335 = arith.index_cast %scan3A_312 : i32 to index
        %swap3A_336 = tpu.vector_load %arg8[%swap3A_335] masked %and3A_320 {strides = array<i32>} : memref<2176xi32, #tpu.memory_space<vmem>>, vector<16xi32>, vector<16xi1>
        tpu.vector_store %arg8[%swap3A_335], %sub3A_334 masked %and3A_320 {strides = array<i32>} : memref<2176xi32, #tpu.memory_space<vmem>>, vector<16xi32>, vector<16xi1>
        %swap3A_337 = arith.index_cast %scan3A_312 : i32 to index
        %swap3A_338 = tpu.vector_load %arg9[%swap3A_337] masked %and3A_320 {strides = array<i32>} : memref<2176xf32, #tpu.memory_space<vmem>>, vector<16xf32>, vector<16xi1>
        tpu.vector_store %arg9[%swap3A_337], %bitcast3A masked %and3A_320 {strides = array<i32>} : memref<2176xf32, #tpu.memory_space<vmem>>, vector<16xf32>, vector<16xi1>
        %all_reduce_population_count3A = tpu.all_reduce %and3A_320 {dim = 0 : i64, kind = #tpu.reduction_kind<sum>} : vector<16xi1> -> vector<16xi32>
        %slice3A = vector.extract_strided_slice %all_reduce_population_count3A {offsets = [0], sizes = [1], strides = [1]} : vector<16xi32> to vector<1xi32>
        %squeeze3A = vector.extract %slice3A[0] : i32 from vector<1xi32>
        %add3A_339 = arith.addi %scan3A_312, %squeeze3A : i32
        scf.yield %add3A_339 : i32
      }
      %scan3A_215 = arith.constant 125 : i32
      %while3A_216 = arith.constant 0 : i32
      %while3A_217:2 = scf.while (%while3A_311 = %while3A_216, %while3A_312 = %scan3A_214) : (i32, i32) -> (i32, i32) {
        %add3A_313 = arith.constant 80 : i32
        %add3A_314 = arith.addi %while3A_311, %add3A_313 : i32
        %le3A = arith.cmpi sle, %add3A_314, %while3A_312 : i32
        scf.condition(%le3A) %while3A_311, %while3A_312 : i32, i32
      } do {
      ^bb0(%while3A_311: i32, %while3A_312: i32):
        %multiple_of3A_313 = tpu.assume_multiple %while3A_311, 16 : i32
        %dma_start3A_314 = tpu.memref_slice %arg7[%multiple_of3A_313] : memref<2176xi32, #tpu.memory_space<vmem>> -> memref<80xi32, #tpu.memory_space<vmem>>
        %dma_start3A_315 = arith.constant 0 : i32
        %dma_start3A_316 = arith.constant 0 : i32
        %dma_start3A_317 = tpu.memref_slice %arg2[%dma_start3A_315, %dma_start3A_316] : memref<10000x256xf32, #tpu.memory_space<hbm>> -> memref<10000x256xf32, #tpu.memory_space<hbm>>
        tpu.enqueue_indirect_dma source(%dma_start3A_317 : memref<10000x256xf32, #tpu.memory_space<hbm>>) target(%arg10 : memref<80x256xf32, #tpu.memory_space<vmem>>) offsets(%dma_start3A_314 : memref<80xi32, #tpu.memory_space<vmem>>) semaphore(%arg12 : memref<!tpu.dma_semaphore, #tpu.memory_space<semaphore_mem>>)
        %dma_wait3A_318 = tpu.memref_slice %arg7[%multiple_of3A_313] : memref<2176xi32, #tpu.memory_space<vmem>> -> memref<80xi32, #tpu.memory_space<vmem>>
        %dma_wait3A_319 = arith.constant 0 : i32
        %dma_wait3A_320 = arith.constant 0 : i32
        %dma_wait3A_321 = tpu.memref_slice %arg2[%dma_wait3A_319, %dma_wait3A_320] : memref<10000x256xf32, #tpu.memory_space<hbm>> -> memref<10000x256xf32, #tpu.memory_space<hbm>>
        tpu.wait_indirect_dma semaphore(%arg12 : memref<!tpu.dma_semaphore, #tpu.memory_space<semaphore_mem>>) src(%dma_wait3A_321 : memref<10000x256xf32, #tpu.memory_space<hbm>>) dst(%arg10 : memref<80x256xf32, #tpu.memory_space<vmem>>)
        %scan3A_322 = arith.constant 0 : i32
        %scan3A_323 = arith.constant 0 : i32
        %scan3A_324 = arith.constant 80 : i32
        %scan3A_325 = arith.addi %scan3A_323, %scan3A_324 : i32
        %scan3A_326 = arith.constant 1 : i32
        %scan3A_327 = scf.for %scan3A_331 = %scan3A_323 to %scan3A_325 step %scan3A_326 iter_args(%scan3A_332 = %scan3A_322) -> (i32)  : i32 {
          %add3A_333 = vector.broadcast %scan3A_331 : i32 to vector<16xi32>
          %add3A_334 = arith.addi %broadcast_in_dim3A_10, %add3A_333 : vector<16xi32>
          %add3A_335 = vector.broadcast %multiple_of3A_313 : i32 to vector<16xi32>
          %add3A_336 = arith.addi %add3A_334, %add3A_335 : vector<16xi32>
          %gather3A = tpu.vector_load_idx %arg9[%add3A_336] : memref<2176xf32, #tpu.memory_space<vmem>>[vector<16xi32>], vector<16xf32>,
          %gather3A_337 = tpu.vector_load_idx %arg8[%add3A_336] : memref<2176xi32, #tpu.memory_space<vmem>>[vector<16xi32>], vector<16xi32>,
          %add3A_338 = vector.broadcast %scan3A_331 : i32 to vector<16xi32>
          %add3A_339 = arith.addi %broadcast_in_dim3A_10, %add3A_338 : vector<16xi32>
          %add3A_340 = arith.constant 0 : i32
          %add3A_341 = vector.broadcast %add3A_340 : i32 to vector<16xi32>
          %add3A_342 = arith.addi %iota3A, %add3A_341 : vector<16xi32>
          %gather3A_343 = tpu.vector_load_idx %arg10[%add3A_339, %add3A_342] : memref<80x256xf32, #tpu.memory_space<vmem>>[vector<16xi32>, vector<16xi32>], vector<16xf32>,
          %mul3A_344 = arith.mulf %gather3A_343, %gather3A : vector<16xf32>
          tpu.vector_store_idx %arg11[%gather3A_337, %add3A_342], %mul3A_344 {add = true} : memref<320x256xf32, #tpu.memory_space<vmem>>[vector<16xi32>, vector<16xi32>], vector<16xf32>,
          %add3A_345 = arith.constant 16 : i32
          %add3A_346 = vector.broadcast %add3A_345 : i32 to vector<16xi32>
          %add3A_347 = arith.addi %iota3A, %add3A_346 : vector<16xi32>
          %gather3A_348 = tpu.vector_load_idx %arg10[%add3A_339, %add3A_347] : memref<80x256xf32, #tpu.memory_space<vmem>>[vector<16xi32>, vector<16xi32>], vector<16xf32>,
          %mul3A_349 = arith.mulf %gather3A_348, %gather3A : vector<16xf32>
          tpu.vector_store_idx %arg11[%gather3A_337, %add3A_347], %mul3A_349 {add = true} : memref<320x256xf32, #tpu.memory_space<vmem>>[vector<16xi32>, vector<16xi32>], vector<16xf32>,
          %add3A_350 = arith.constant 32 : i32
          %add3A_351 = vector.broadcast %add3A_350 : i32 to vector<16xi32>
          %add3A_352 = arith.addi %iota3A, %add3A_351 : vector<16xi32>
          %gather3A_353 = tpu.vector_load_idx %arg10[%add3A_339, %add3A_352] : memref<80x256xf32, #tpu.memory_space<vmem>>[vector<16xi32>, vector<16xi32>], vector<16xf32>,
          %mul3A_354 = arith.mulf %gather3A_353, %gather3A : vector<16xf32>
          tpu.vector_store_idx %arg11[%gather3A_337, %add3A_352], %mul3A_354 {add = true} : memref<320x256xf32, #tpu.memory_space<vmem>>[vector<16xi32>, vector<16xi32>], vector<16xf32>,
          %add3A_355 = arith.constant 48 : i32
          %add3A_356 = vector.broadcast %add3A_355 : i32 to vector<16xi32>
          %add3A_357 = arith.addi %iota3A, %add3A_356 : vector<16xi32>
          %gather3A_358 = tpu.vector_load_idx %arg10[%add3A_339, %add3A_357] : memref<80x256xf32, #tpu.memory_space<vmem>>[vector<16xi32>, vector<16xi32>], vector<16xf32>,
          %mul3A_359 = arith.mulf %gather3A_358, %gather3A : vector<16xf32>
          tpu.vector_store_idx %arg11[%gather3A_337, %add3A_357], %mul3A_359 {add = true} : memref<320x256xf32, #tpu.memory_space<vmem>>[vector<16xi32>, vector<16xi32>], vector<16xf32>,
          %add3A_360 = arith.constant 64 : i32
          %add3A_361 = vector.broadcast %add3A_360 : i32 to vector<16xi32>
          %add3A_362 = arith.addi %iota3A, %add3A_361 : vector<16xi32>
          %gather3A_363 = tpu.vector_load_idx %arg10[%add3A_339, %add3A_362] : memref<80x256xf32, #tpu.memory_space<vmem>>[vector<16xi32>, vector<16xi32>], vector<16xf32>,
          %mul3A_364 = arith.mulf %gather3A_363, %gather3A : vector<16xf32>
          tpu.vector_store_idx %arg11[%gather3A_337, %add3A_362], %mul3A_364 {add = true} : memref<320x256xf32, #tpu.memory_space<vmem>>[vector<16xi32>, vector<16xi32>], vector<16xf32>,
          %add3A_365 = arith.constant 80 : i32
          %add3A_366 = vector.broadcast %add3A_365 : i32 to vector<16xi32>
          %add3A_367 = arith.addi %iota3A, %add3A_366 : vector<16xi32>
          %gather3A_368 = tpu.vector_load_idx %arg10[%add3A_339, %add3A_367] : memref<80x256xf32, #tpu.memory_space<vmem>>[vector<16xi32>, vector<16xi32>], vector<16xf32>,
          %mul3A_369 = arith.mulf %gather3A_368, %gather3A : vector<16xf32>
          tpu.vector_store_idx %arg11[%gather3A_337, %add3A_367], %mul3A_369 {add = true} : memref<320x256xf32, #tpu.memory_space<vmem>>[vector<16xi32>, vector<16xi32>], vector<16xf32>,
          %add3A_370 = arith.constant 96 : i32
          %add3A_371 = vector.broadcast %add3A_370 : i32 to vector<16xi32>
          %add3A_372 = arith.addi %iota3A, %add3A_371 : vector<16xi32>
          %gather3A_373 = tpu.vector_load_idx %arg10[%add3A_339, %add3A_372] : memref<80x256xf32, #tpu.memory_space<vmem>>[vector<16xi32>, vector<16xi32>], vector<16xf32>,
          %mul3A_374 = arith.mulf %gather3A_373, %gather3A : vector<16xf32>
          tpu.vector_store_idx %arg11[%gather3A_337, %add3A_372], %mul3A_374 {add = true} : memref<320x256xf32, #tpu.memory_space<vmem>>[vector<16xi32>, vector<16xi32>], vector<16xf32>,
          %add3A_375 = arith.constant 112 : i32
          %add3A_376 = vector.broadcast %add3A_375 : i32 to vector<16xi32>
          %add3A_377 = arith.addi %iota3A, %add3A_376 : vector<16xi32>
          %gather3A_378 = tpu.vector_load_idx %arg10[%add3A_339, %add3A_377] : memref<80x256xf32, #tpu.memory_space<vmem>>[vector<16xi32>, vector<16xi32>], vector<16xf32>,
          %mul3A_379 = arith.mulf %gather3A_378, %gather3A : vector<16xf32>
          tpu.vector_store_idx %arg11[%gather3A_337, %add3A_377], %mul3A_379 {add = true} : memref<320x256xf32, #tpu.memory_space<vmem>>[vector<16xi32>, vector<16xi32>], vector<16xf32>,
          %add3A_380 = arith.constant 128 : i32
          %add3A_381 = vector.broadcast %add3A_380 : i32 to vector<16xi32>
          %add3A_382 = arith.addi %iota3A, %add3A_381 : vector<16xi32>
          %gather3A_383 = tpu.vector_load_idx %arg10[%add3A_339, %add3A_382] : memref<80x256xf32, #tpu.memory_space<vmem>>[vector<16xi32>, vector<16xi32>], vector<16xf32>,
          %mul3A_384 = arith.mulf %gather3A_383, %gather3A : vector<16xf32>
          tpu.vector_store_idx %arg11[%gather3A_337, %add3A_382], %mul3A_384 {add = true} : memref<320x256xf32, #tpu.memory_space<vmem>>[vector<16xi32>, vector<16xi32>], vector<16xf32>,
          %add3A_385 = arith.constant 144 : i32
          %add3A_386 = vector.broadcast %add3A_385 : i32 to vector<16xi32>
          %add3A_387 = arith.addi %iota3A, %add3A_386 : vector<16xi32>
          %gather3A_388 = tpu.vector_load_idx %arg10[%add3A_339, %add3A_387] : memref<80x256xf32, #tpu.memory_space<vmem>>[vector<16xi32>, vector<16xi32>], vector<16xf32>,
          %mul3A_389 = arith.mulf %gather3A_388, %gather3A : vector<16xf32>
          tpu.vector_store_idx %arg11[%gather3A_337, %add3A_387], %mul3A_389 {add = true} : memref<320x256xf32, #tpu.memory_space<vmem>>[vector<16xi32>, vector<16xi32>], vector<16xf32>,
          %add3A_390 = arith.constant 160 : i32
          %add3A_391 = vector.broadcast %add3A_390 : i32 to vector<16xi32>
          %add3A_392 = arith.addi %iota3A, %add3A_391 : vector<16xi32>
          %gather3A_393 = tpu.vector_load_idx %arg10[%add3A_339, %add3A_392] : memref<80x256xf32, #tpu.memory_space<vmem>>[vector<16xi32>, vector<16xi32>], vector<16xf32>,
          %mul3A_394 = arith.mulf %gather3A_393, %gather3A : vector<16xf32>
          tpu.vector_store_idx %arg11[%gather3A_337, %add3A_392], %mul3A_394 {add = true} : memref<320x256xf32, #tpu.memory_space<vmem>>[vector<16xi32>, vector<16xi32>], vector<16xf32>,
          %add3A_395 = arith.constant 176 : i32
          %add3A_396 = vector.broadcast %add3A_395 : i32 to vector<16xi32>
          %add3A_397 = arith.addi %iota3A, %add3A_396 : vector<16xi32>
          %gather3A_398 = tpu.vector_load_idx %arg10[%add3A_339, %add3A_397] : memref<80x256xf32, #tpu.memory_space<vmem>>[vector<16xi32>, vector<16xi32>], vector<16xf32>,
          %mul3A_399 = arith.mulf %gather3A_398, %gather3A : vector<16xf32>
          tpu.vector_store_idx %arg11[%gather3A_337, %add3A_397], %mul3A_399 {add = true} : memref<320x256xf32, #tpu.memory_space<vmem>>[vector<16xi32>, vector<16xi32>], vector<16xf32>,
          %add3A_400 = arith.constant 192 : i32
          %add3A_401 = vector.broadcast %add3A_400 : i32 to vector<16xi32>
          %add3A_402 = arith.addi %iota3A, %add3A_401 : vector<16xi32>
          %gather3A_403 = tpu.vector_load_idx %arg10[%add3A_339, %add3A_402] : memref<80x256xf32, #tpu.memory_space<vmem>>[vector<16xi32>, vector<16xi32>], vector<16xf32>,
          %mul3A_404 = arith.mulf %gather3A_403, %gather3A : vector<16xf32>
          tpu.vector_store_idx %arg11[%gather3A_337, %add3A_402], %mul3A_404 {add = true} : memref<320x256xf32, #tpu.memory_space<vmem>>[vector<16xi32>, vector<16xi32>], vector<16xf32>,
          %add3A_405 = arith.constant 208 : i32
          %add3A_406 = vector.broadcast %add3A_405 : i32 to vector<16xi32>
          %add3A_407 = arith.addi %iota3A, %add3A_406 : vector<16xi32>
          %gather3A_408 = tpu.vector_load_idx %arg10[%add3A_339, %add3A_407] : memref<80x256xf32, #tpu.memory_space<vmem>>[vector<16xi32>, vector<16xi32>], vector<16xf32>,
          %mul3A_409 = arith.mulf %gather3A_408, %gather3A : vector<16xf32>
          tpu.vector_store_idx %arg11[%gather3A_337, %add3A_407], %mul3A_409 {add = true} : memref<320x256xf32, #tpu.memory_space<vmem>>[vector<16xi32>, vector<16xi32>], vector<16xf32>,
          %add3A_410 = arith.constant 224 : i32
          %add3A_411 = vector.broadcast %add3A_410 : i32 to vector<16xi32>
          %add3A_412 = arith.addi %iota3A, %add3A_411 : vector<16xi32>
          %gather3A_413 = tpu.vector_load_idx %arg10[%add3A_339, %add3A_412] : memref<80x256xf32, #tpu.memory_space<vmem>>[vector<16xi32>, vector<16xi32>], vector<16xf32>,
          %mul3A_414 = arith.mulf %gather3A_413, %gather3A : vector<16xf32>
          tpu.vector_store_idx %arg11[%gather3A_337, %add3A_412], %mul3A_414 {add = true} : memref<320x256xf32, #tpu.memory_space<vmem>>[vector<16xi32>, vector<16xi32>], vector<16xf32>,
          %add3A_415 = arith.constant 240 : i32
          %add3A_416 = vector.broadcast %add3A_415 : i32 to vector<16xi32>
          %add3A_417 = arith.addi %iota3A, %add3A_416 : vector<16xi32>
          %gather3A_418 = tpu.vector_load_idx %arg10[%add3A_339, %add3A_417] : memref<80x256xf32, #tpu.memory_space<vmem>>[vector<16xi32>, vector<16xi32>], vector<16xf32>,
          %mul3A_419 = arith.mulf %gather3A_418, %gather3A : vector<16xf32>
          tpu.vector_store_idx %arg11[%gather3A_337, %add3A_417], %mul3A_419 {add = true} : memref<320x256xf32, #tpu.memory_space<vmem>>[vector<16xi32>, vector<16xi32>], vector<16xf32>,
          %scan3A_420 = arith.constant 0 : i32
          scf.yield %scan3A_420 : i32
        }
        %scan3A_328 = arith.constant 80 : i32
        %add3A_329 = arith.constant 80 : i32
        %add3A_330 = arith.addi %while3A_311, %add3A_329 : i32
        scf.yield %add3A_330, %while3A_312 : i32, i32
      }
      %multiple_of3A_218 = tpu.assume_multiple %while3A_217#0, 16 : i32
      %add3A_219 = arith.constant 0 : i32
      %add3A_220 = arith.addi %multiple_of3A_218, %add3A_219 : i32
      %get3A_221 = arith.index_cast %add3A_220 : i32 to index
      %get3A_222 = tpu.vector_load %arg7[%get3A_221] {strides = array<i32>} : memref<2176xi32, #tpu.memory_space<vmem>>, vector<16xi32>,
      %swap3A_223 = arith.constant 0 : index
      %swap3A_224 = tpu.vector_load %arg7[%swap3A_223] {strides = array<i32>} : memref<2176xi32, #tpu.memory_space<vmem>>, vector<16xi32>,
      tpu.vector_store %arg7[%swap3A_223], %get3A_222 {strides = array<i32>} : memref<2176xi32, #tpu.memory_space<vmem>>, vector<16xi32>,
      %get3A_225 = arith.index_cast %add3A_220 : i32 to index
      %get3A_226 = tpu.vector_load %arg8[%get3A_225] {strides = array<i32>} : memref<2176xi32, #tpu.memory_space<vmem>>, vector<16xi32>,
      %swap3A_227 = arith.constant 0 : index
      %swap3A_228 = tpu.vector_load %arg8[%swap3A_227] {strides = array<i32>} : memref<2176xi32, #tpu.memory_space<vmem>>, vector<16xi32>,
      tpu.vector_store %arg8[%swap3A_227], %get3A_226 {strides = array<i32>} : memref<2176xi32, #tpu.memory_space<vmem>>, vector<16xi32>,
      %get3A_229 = arith.index_cast %add3A_220 : i32 to index
      %get3A_230 = tpu.vector_load %arg9[%get3A_229] {strides = array<i32>} : memref<2176xf32, #tpu.memory_space<vmem>>, vector<16xf32>,
      %swap3A_231 = arith.constant 0 : index
      %swap3A_232 = tpu.vector_load %arg9[%swap3A_231] {strides = array<i32>} : memref<2176xf32, #tpu.memory_space<vmem>>, vector<16xf32>,
      tpu.vector_store %arg9[%swap3A_231], %get3A_230 {strides = array<i32>} : memref<2176xf32, #tpu.memory_space<vmem>>, vector<16xf32>,
      %add3A_233 = arith.constant 16 : i32
      %add3A_234 = arith.addi %multiple_of3A_218, %add3A_233 : i32
      %get3A_235 = arith.index_cast %add3A_234 : i32 to index
      %get3A_236 = tpu.vector_load %arg7[%get3A_235] {strides = array<i32>} : memref<2176xi32, #tpu.memory_space<vmem>>, vector<16xi32>,
      %swap3A_237 = arith.constant 16 : index
      %swap3A_238 = tpu.vector_load %arg7[%swap3A_237] {strides = array<i32>} : memref<2176xi32, #tpu.memory_space<vmem>>, vector<16xi32>,
      tpu.vector_store %arg7[%swap3A_237], %get3A_236 {strides = array<i32>} : memref<2176xi32, #tpu.memory_space<vmem>>, vector<16xi32>,
      %get3A_239 = arith.index_cast %add3A_234 : i32 to index
      %get3A_240 = tpu.vector_load %arg8[%get3A_239] {strides = array<i32>} : memref<2176xi32, #tpu.memory_space<vmem>>, vector<16xi32>,
      %swap3A_241 = arith.constant 16 : index
      %swap3A_242 = tpu.vector_load %arg8[%swap3A_241] {strides = array<i32>} : memref<2176xi32, #tpu.memory_space<vmem>>, vector<16xi32>,
      tpu.vector_store %arg8[%swap3A_241], %get3A_240 {strides = array<i32>} : memref<2176xi32, #tpu.memory_space<vmem>>, vector<16xi32>,
      %get3A_243 = arith.index_cast %add3A_234 : i32 to index
      %get3A_244 = tpu.vector_load %arg9[%get3A_243] {strides = array<i32>} : memref<2176xf32, #tpu.memory_space<vmem>>, vector<16xf32>,
      %swap3A_245 = arith.constant 16 : index
      %swap3A_246 = tpu.vector_load %arg9[%swap3A_245] {strides = array<i32>} : memref<2176xf32, #tpu.memory_space<vmem>>, vector<16xf32>,
      tpu.vector_store %arg9[%swap3A_245], %get3A_244 {strides = array<i32>} : memref<2176xf32, #tpu.memory_space<vmem>>, vector<16xf32>,
      %add3A_247 = arith.constant 32 : i32
      %add3A_248 = arith.addi %multiple_of3A_218, %add3A_247 : i32
      %get3A_249 = arith.index_cast %add3A_248 : i32 to index
      %get3A_250 = tpu.vector_load %arg7[%get3A_249] {strides = array<i32>} : memref<2176xi32, #tpu.memory_space<vmem>>, vector<16xi32>,
      %swap3A_251 = arith.constant 32 : index
      %swap3A_252 = tpu.vector_load %arg7[%swap3A_251] {strides = array<i32>} : memref<2176xi32, #tpu.memory_space<vmem>>, vector<16xi32>,
      tpu.vector_store %arg7[%swap3A_251], %get3A_250 {strides = array<i32>} : memref<2176xi32, #tpu.memory_space<vmem>>, vector<16xi32>,
      %get3A_253 = arith.index_cast %add3A_248 : i32 to index
      %get3A_254 = tpu.vector_load %arg8[%get3A_253] {strides = array<i32>} : memref<2176xi32, #tpu.memory_space<vmem>>, vector<16xi32>,
      %swap3A_255 = arith.constant 32 : index
      %swap3A_256 = tpu.vector_load %arg8[%swap3A_255] {strides = array<i32>} : memref<2176xi32, #tpu.memory_space<vmem>>, vector<16xi32>,
      tpu.vector_store %arg8[%swap3A_255], %get3A_254 {strides = array<i32>} : memref<2176xi32, #tpu.memory_space<vmem>>, vector<16xi32>,
      %get3A_257 = arith.index_cast %add3A_248 : i32 to index
      %get3A_258 = tpu.vector_load %arg9[%get3A_257] {strides = array<i32>} : memref<2176xf32, #tpu.memory_space<vmem>>, vector<16xf32>,
      %swap3A_259 = arith.constant 32 : index
      %swap3A_260 = tpu.vector_load %arg9[%swap3A_259] {strides = array<i32>} : memref<2176xf32, #tpu.memory_space<vmem>>, vector<16xf32>,
      tpu.vector_store %arg9[%swap3A_259], %get3A_258 {strides = array<i32>} : memref<2176xf32, #tpu.memory_space<vmem>>, vector<16xf32>,
      %add3A_261 = arith.constant 48 : i32
      %add3A_262 = arith.addi %multiple_of3A_218, %add3A_261 : i32
      %get3A_263 = arith.index_cast %add3A_262 : i32 to index
      %get3A_264 = tpu.vector_load %arg7[%get3A_263] {strides = array<i32>} : memref<2176xi32, #tpu.memory_space<vmem>>, vector<16xi32>,
      %swap3A_265 = arith.constant 48 : index
      %swap3A_266 = tpu.vector_load %arg7[%swap3A_265] {strides = array<i32>} : memref<2176xi32, #tpu.memory_space<vmem>>, vector<16xi32>,
      tpu.vector_store %arg7[%swap3A_265], %get3A_264 {strides = array<i32>} : memref<2176xi32, #tpu.memory_space<vmem>>, vector<16xi32>,
      %get3A_267 = arith.index_cast %add3A_262 : i32 to index
      %get3A_268 = tpu.vector_load %arg8[%get3A_267] {strides = array<i32>} : memref<2176xi32, #tpu.memory_space<vmem>>, vector<16xi32>,
      %swap3A_269 = arith.constant 48 : index
      %swap3A_270 = tpu.vector_load %arg8[%swap3A_269] {strides = array<i32>} : memref<2176xi32, #tpu.memory_space<vmem>>, vector<16xi32>,
      tpu.vector_store %arg8[%swap3A_269], %get3A_268 {strides = array<i32>} : memref<2176xi32, #tpu.memory_space<vmem>>, vector<16xi32>,
      %get3A_271 = arith.index_cast %add3A_262 : i32 to index
      %get3A_272 = tpu.vector_load %arg9[%get3A_271] {strides = array<i32>} : memref<2176xf32, #tpu.memory_space<vmem>>, vector<16xf32>,
      %swap3A_273 = arith.constant 48 : index
      %swap3A_274 = tpu.vector_load %arg9[%swap3A_273] {strides = array<i32>} : memref<2176xf32, #tpu.memory_space<vmem>>, vector<16xf32>,
      tpu.vector_store %arg9[%swap3A_273], %get3A_272 {strides = array<i32>} : memref<2176xf32, #tpu.memory_space<vmem>>, vector<16xf32>,
      %add3A_275 = arith.constant 64 : i32
      %add3A_276 = arith.addi %multiple_of3A_218, %add3A_275 : i32
      %get3A_277 = arith.index_cast %add3A_276 : i32 to index
      %get3A_278 = tpu.vector_load %arg7[%get3A_277] {strides = array<i32>} : memref<2176xi32, #tpu.memory_space<vmem>>, vector<16xi32>,
      %swap3A_279 = arith.constant 64 : index
      %swap3A_280 = tpu.vector_load %arg7[%swap3A_279] {strides = array<i32>} : memref<2176xi32, #tpu.memory_space<vmem>>, vector<16xi32>,
      tpu.vector_store %arg7[%swap3A_279], %get3A_278 {strides = array<i32>} : memref<2176xi32, #tpu.memory_space<vmem>>, vector<16xi32>,
      %get3A_281 = arith.index_cast %add3A_276 : i32 to index
      %get3A_282 = tpu.vector_load %arg8[%get3A_281] {strides = array<i32>} : memref<2176xi32, #tpu.memory_space<vmem>>, vector<16xi32>,
      %swap3A_283 = arith.constant 64 : index
      %swap3A_284 = tpu.vector_load %arg8[%swap3A_283] {strides = array<i32>} : memref<2176xi32, #tpu.memory_space<vmem>>, vector<16xi32>,
      tpu.vector_store %arg8[%swap3A_283], %get3A_282 {strides = array<i32>} : memref<2176xi32, #tpu.memory_space<vmem>>, vector<16xi32>,
      %get3A_285 = arith.index_cast %add3A_276 : i32 to index
      %get3A_286 = tpu.vector_load %arg9[%get3A_285] {strides = array<i32>} : memref<2176xf32, #tpu.memory_space<vmem>>, vector<16xf32>,
      %swap3A_287 = arith.constant 64 : index
      %swap3A_288 = tpu.vector_load %arg9[%swap3A_287] {strides = array<i32>} : memref<2176xf32, #tpu.memory_space<vmem>>, vector<16xf32>,
      tpu.vector_store %arg9[%swap3A_287], %get3A_286 {strides = array<i32>} : memref<2176xf32, #tpu.memory_space<vmem>>, vector<16xf32>,
      %add3A_289 = arith.constant 80 : i32
      %add3A_290 = arith.addi %multiple_of3A_218, %add3A_289 : i32
      %get3A_291 = arith.index_cast %add3A_290 : i32 to index
      %get3A_292 = tpu.vector_load %arg7[%get3A_291] {strides = array<i32>} : memref<2176xi32, #tpu.memory_space<vmem>>, vector<16xi32>,
      %swap3A_293 = arith.constant 80 : index
      %swap3A_294 = tpu.vector_load %arg7[%swap3A_293] {strides = array<i32>} : memref<2176xi32, #tpu.memory_space<vmem>>, vector<16xi32>,
      tpu.vector_store %arg7[%swap3A_293], %get3A_292 {strides = array<i32>} : memref<2176xi32, #tpu.memory_space<vmem>>, vector<16xi32>,
      %get3A_295 = arith.index_cast %add3A_290 : i32 to index
      %get3A_296 = tpu.vector_load %arg8[%get3A_295] {strides = array<i32>} : memref<2176xi32, #tpu.memory_space<vmem>>, vector<16xi32>,
      %swap3A_297 = arith.constant 80 : index
      %swap3A_298 = tpu.vector_load %arg8[%swap3A_297] {strides = array<i32>} : memref<2176xi32, #tpu.memory_space<vmem>>, vector<16xi32>,
      tpu.vector_store %arg8[%swap3A_297], %get3A_296 {strides = array<i32>} : memref<2176xi32, #tpu.memory_space<vmem>>, vector<16xi32>,
      %get3A_299 = arith.index_cast %add3A_290 : i32 to index
      %get3A_300 = tpu.vector_load %arg9[%get3A_299] {strides = array<i32>} : memref<2176xf32, #tpu.memory_space<vmem>>, vector<16xf32>,
      %swap3A_301 = arith.constant 80 : index
      %swap3A_302 = tpu.vector_load %arg9[%swap3A_301] {strides = array<i32>} : memref<2176xf32, #tpu.memory_space<vmem>>, vector<16xf32>,
      tpu.vector_store %arg9[%swap3A_301], %get3A_300 {strides = array<i32>} : memref<2176xf32, #tpu.memory_space<vmem>>, vector<16xf32>,
      %sub3A_303 = arith.subi %while3A_217#1, %multiple_of3A_218 : i32
      %add3A_304 = arith.constant 3 : i32
      %add3A_305 = arith.addi %mul3A_103, %add3A_304 : i32
      %lt3A_306 = arith.constant 80 : i32
      %lt3A_307 = arith.cmpi slt, %add3A_305, %lt3A_306 : i32
      %convert_element_type3A_308 = arith.extui %lt3A_307 : i1 to i32
      %cond3A_309 = arith.constant 0 : i32
      %cond3A_310 = arith.cmpi ne, %convert_element_type3A_308, %cond3A_309 : i32
      scf.if %cond3A_310 {
        %add3A_311 = arith.constant 3 : i32
        %add3A_312 = arith.addi %mul3A_103, %add3A_311 : i32
        %mul3A_313 = arith.constant 6000 : i32
        %mul3A_314 = arith.muli %add3A_312, %mul3A_313 : i32
        %multiple_of3A_315 = tpu.assume_multiple %mul3A_314, 8 : i32
        %dma_start3A_316 = tpu.memref_slice %arg3[%multiple_of3A_315] : memref<480000xi32, #tpu.memory_space<hbm>> -> memref<6000xi32, #tpu.memory_space<hbm>>
        %dma_start3A_317 = tpu.memref_slice %arg3[%multiple_of3A_315] : memref<480000xi32, #tpu.memory_space<hbm>> -> memref<6000xi32, #tpu.memory_space<hbm>>
        tpu.enqueue_dma source(%dma_start3A_317 : memref<6000xi32, #tpu.memory_space<hbm>>) target(%arg6 : memref<6000xi32, #tpu.memory_space<vmem>>) target_semaphore(%arg14 : memref<!tpu.dma_semaphore, #tpu.memory_space<semaphore_mem>>)
      } else {
      }
      scf.yield %sub3A_303 : i32
    }
    %scan3A_37 = arith.constant 40 : i32
    %jit3A = arith.constant 16 : i32
    %div3A = arith.divsi %scan3A_36, %jit3A : i32
    %sign3A = arith.constant 0 : i32
    %sign3A_38 = arith.cmpi sgt, %scan3A_36, %sign3A : i32
    %sign3A_39 = arith.extui %sign3A_38 : i1 to i32
    %sign3A_40 = arith.constant 0 : i32
    %sign3A_41 = arith.cmpi slt, %scan3A_36, %sign3A_40 : i32
    %sign3A_42 = arith.extui %sign3A_41 : i1 to i32
    %sign3A_43 = arith.subi %sign3A_39, %sign3A_42 : i32
    %sign3A_44 = arith.constant 0 : i32
    %sign3A_45 = arith.cmpi sgt, %jit3A, %sign3A_44 : i32
    %sign3A_46 = arith.extui %sign3A_45 : i1 to i32
    %sign3A_47 = arith.constant 0 : i32
    %sign3A_48 = arith.cmpi slt, %jit3A, %sign3A_47 : i32
    %sign3A_49 = arith.extui %sign3A_48 : i1 to i32
    %sign3A_50 = arith.subi %sign3A_46, %sign3A_49 : i32
    %ne3A = arith.cmpi ne, %sign3A_43, %sign3A_50 : i32
    %rem3A = arith.remsi %scan3A_36, %jit3A : i32
    %ne3A_51 = arith.constant 0 : i32
    %ne3A_52 = arith.cmpi ne, %rem3A, %ne3A_51 : i32
    %and3A = arith.andi %ne3A, %ne3A_52 : i1
    %sub3A = arith.constant 1 : i32
    %sub3A_53 = arith.subi %div3A, %sub3A : i32
    %select_n3A = arith.select %and3A, %sub3A_53, %div3A : i32
    %mul3A_54 = arith.constant 16 : i32
    %mul3A_55 = arith.muli %select_n3A, %mul3A_54 : i32
    %multiple_of3A_56 = tpu.assume_multiple %mul3A_55, 16 : i32
    %get3A = arith.index_cast %multiple_of3A_56 : i32 to index
    %get3A_57 = tpu.vector_load %arg9[%get3A] {strides = array<i32>} : memref<2176xf32, #tpu.memory_space<vmem>>, vector<16xf32>,
    %sub3A_58 = arith.subi %scan3A_36, %multiple_of3A_56 : i32
    %lt3A = vector.broadcast %sub3A_58 : i32 to vector<16xi32>
    %lt3A_59 = arith.cmpi slt, %iota3A, %lt3A : vector<16xi32>
    %jit3A_60 = arith.constant 0.000000e+00 : f32
    %broadcast_in_dim3A_61 = vector.broadcast %jit3A_60 : f32 to vector<16xf32>
    %select_n3A_62 = arith.select %lt3A_59, %get3A_57, %broadcast_in_dim3A_61 : vector<16xi1>, vector<16xf32>
    %swap3A = arith.index_cast %multiple_of3A_56 : i32 to index
    %swap3A_63 = tpu.vector_load %arg9[%swap3A] {strides = array<i32>} : memref<2176xf32, #tpu.memory_space<vmem>>, vector<16xf32>,
    tpu.vector_store %arg9[%swap3A], %select_n3A_62 {strides = array<i32>} : memref<2176xf32, #tpu.memory_space<vmem>>, vector<16xf32>,
    %add3A_64 = arith.constant 16 : i32
    %add3A_65 = arith.addi %multiple_of3A_56, %add3A_64 : i32
    %swap3A_66 = arith.index_cast %add3A_65 : i32 to index
    %swap3A_67 = tpu.vector_load %arg9[%swap3A_66] {strides = array<i32>} : memref<2176xf32, #tpu.memory_space<vmem>>, vector<16xf32>,
    tpu.vector_store %arg9[%swap3A_66], %broadcast_in_dim3A_8 {strides = array<i32>} : memref<2176xf32, #tpu.memory_space<vmem>>, vector<16xf32>,
    %add3A_68 = arith.constant 32 : i32
    %add3A_69 = arith.addi %multiple_of3A_56, %add3A_68 : i32
    %swap3A_70 = arith.index_cast %add3A_69 : i32 to index
    %swap3A_71 = tpu.vector_load %arg9[%swap3A_70] {strides = array<i32>} : memref<2176xf32, #tpu.memory_space<vmem>>, vector<16xf32>,
    tpu.vector_store %arg9[%swap3A_70], %broadcast_in_dim3A_8 {strides = array<i32>} : memref<2176xf32, #tpu.memory_space<vmem>>, vector<16xf32>,
    %add3A_72 = arith.constant 48 : i32
    %add3A_73 = arith.addi %multiple_of3A_56, %add3A_72 : i32
    %swap3A_74 = arith.index_cast %add3A_73 : i32 to index
    %swap3A_75 = tpu.vector_load %arg9[%swap3A_74] {strides = array<i32>} : memref<2176xf32, #tpu.memory_space<vmem>>, vector<16xf32>,
    tpu.vector_store %arg9[%swap3A_74], %broadcast_in_dim3A_8 {strides = array<i32>} : memref<2176xf32, #tpu.memory_space<vmem>>, vector<16xf32>,
    %add3A_76 = arith.constant 64 : i32
    %add3A_77 = arith.addi %multiple_of3A_56, %add3A_76 : i32
    %swap3A_78 = arith.index_cast %add3A_77 : i32 to index
    %swap3A_79 = tpu.vector_load %arg9[%swap3A_78] {strides = array<i32>} : memref<2176xf32, #tpu.memory_space<vmem>>, vector<16xf32>,
    tpu.vector_store %arg9[%swap3A_78], %broadcast_in_dim3A_8 {strides = array<i32>} : memref<2176xf32, #tpu.memory_space<vmem>>, vector<16xf32>,
    %add3A_80 = arith.constant 80 : i32
    %add3A_81 = arith.addi %multiple_of3A_56, %add3A_80 : i32
    %swap3A_82 = arith.index_cast %add3A_81 : i32 to index
    %swap3A_83 = tpu.vector_load %arg9[%swap3A_82] {strides = array<i32>} : memref<2176xf32, #tpu.memory_space<vmem>>, vector<16xf32>,
    tpu.vector_store %arg9[%swap3A_82], %broadcast_in_dim3A_8 {strides = array<i32>} : memref<2176xf32, #tpu.memory_space<vmem>>, vector<16xf32>,
    %multiple_of3A_84 = arith.constant 0 : i32
    %multiple_of3A_85 = tpu.assume_multiple %multiple_of3A_84, 16 : i32
    %dma_start3A_86 = tpu.memref_slice %arg7[%multiple_of3A_85] : memref<2176xi32, #tpu.memory_space<vmem>> -> memref<80xi32, #tpu.memory_space<vmem>>
    %dma_start3A_87 = arith.constant 0 : i32
    %dma_start3A_88 = arith.constant 0 : i32
    %dma_start3A_89 = tpu.memref_slice %arg2[%dma_start3A_87, %dma_start3A_88] : memref<10000x256xf32, #tpu.memory_space<hbm>> -> memref<10000x256xf32, #tpu.memory_space<hbm>>
    tpu.enqueue_indirect_dma source(%dma_start3A_89 : memref<10000x256xf32, #tpu.memory_space<hbm>>) target(%arg10 : memref<80x256xf32, #tpu.memory_space<vmem>>) offsets(%dma_start3A_86 : memref<80xi32, #tpu.memory_space<vmem>>) semaphore(%arg12 : memref<!tpu.dma_semaphore, #tpu.memory_space<semaphore_mem>>)
    %dma_wait3A = tpu.memref_slice %arg7[%multiple_of3A_85] : memref<2176xi32, #tpu.memory_space<vmem>> -> memref<80xi32, #tpu.memory_space<vmem>>
    %dma_wait3A_90 = arith.constant 0 : i32
    %dma_wait3A_91 = arith.constant 0 : i32
    %dma_wait3A_92 = tpu.memref_slice %arg2[%dma_wait3A_90, %dma_wait3A_91] : memref<10000x256xf32, #tpu.memory_space<hbm>> -> memref<10000x256xf32, #tpu.memory_space<hbm>>
    tpu.wait_indirect_dma semaphore(%arg12 : memref<!tpu.dma_semaphore, #tpu.memory_space<semaphore_mem>>) src(%dma_wait3A_92 : memref<10000x256xf32, #tpu.memory_space<hbm>>) dst(%arg10 : memref<80x256xf32, #tpu.memory_space<vmem>>)
    %scan3A_93 = arith.constant 0 : i32
    %scan3A_94 = arith.constant 0 : i32
    %scan3A_95 = arith.constant 80 : i32
    %scan3A_96 = arith.addi %scan3A_94, %scan3A_95 : i32
    %scan3A_97 = arith.constant 1 : i32
    %scan3A_98 = scf.for %scan3A_100 = %scan3A_94 to %scan3A_96 step %scan3A_97 iter_args(%scan3A_101 = %scan3A_93) -> (i32)  : i32 {
      %add3A_102 = vector.broadcast %scan3A_100 : i32 to vector<16xi32>
      %add3A_103 = arith.addi %broadcast_in_dim3A_10, %add3A_102 : vector<16xi32>
      %add3A_104 = vector.broadcast %multiple_of3A_85 : i32 to vector<16xi32>
      %add3A_105 = arith.addi %add3A_103, %add3A_104 : vector<16xi32>
      %gather3A = tpu.vector_load_idx %arg9[%add3A_105] : memref<2176xf32, #tpu.memory_space<vmem>>[vector<16xi32>], vector<16xf32>,
      %gather3A_106 = tpu.vector_load_idx %arg8[%add3A_105] : memref<2176xi32, #tpu.memory_space<vmem>>[vector<16xi32>], vector<16xi32>,
      %add3A_107 = vector.broadcast %scan3A_100 : i32 to vector<16xi32>
      %add3A_108 = arith.addi %broadcast_in_dim3A_10, %add3A_107 : vector<16xi32>
      %add3A_109 = arith.constant 0 : i32
      %add3A_110 = vector.broadcast %add3A_109 : i32 to vector<16xi32>
      %add3A_111 = arith.addi %iota3A, %add3A_110 : vector<16xi32>
      %gather3A_112 = tpu.vector_load_idx %arg10[%add3A_108, %add3A_111] : memref<80x256xf32, #tpu.memory_space<vmem>>[vector<16xi32>, vector<16xi32>], vector<16xf32>,
      %mul3A_113 = arith.mulf %gather3A_112, %gather3A : vector<16xf32>
      tpu.vector_store_idx %arg11[%gather3A_106, %add3A_111], %mul3A_113 {add = true} : memref<320x256xf32, #tpu.memory_space<vmem>>[vector<16xi32>, vector<16xi32>], vector<16xf32>,
      %add3A_114 = arith.constant 16 : i32
      %add3A_115 = vector.broadcast %add3A_114 : i32 to vector<16xi32>
      %add3A_116 = arith.addi %iota3A, %add3A_115 : vector<16xi32>
      %gather3A_117 = tpu.vector_load_idx %arg10[%add3A_108, %add3A_116] : memref<80x256xf32, #tpu.memory_space<vmem>>[vector<16xi32>, vector<16xi32>], vector<16xf32>,
      %mul3A_118 = arith.mulf %gather3A_117, %gather3A : vector<16xf32>
      tpu.vector_store_idx %arg11[%gather3A_106, %add3A_116], %mul3A_118 {add = true} : memref<320x256xf32, #tpu.memory_space<vmem>>[vector<16xi32>, vector<16xi32>], vector<16xf32>,
      %add3A_119 = arith.constant 32 : i32
      %add3A_120 = vector.broadcast %add3A_119 : i32 to vector<16xi32>
      %add3A_121 = arith.addi %iota3A, %add3A_120 : vector<16xi32>
      %gather3A_122 = tpu.vector_load_idx %arg10[%add3A_108, %add3A_121] : memref<80x256xf32, #tpu.memory_space<vmem>>[vector<16xi32>, vector<16xi32>], vector<16xf32>,
      %mul3A_123 = arith.mulf %gather3A_122, %gather3A : vector<16xf32>
      tpu.vector_store_idx %arg11[%gather3A_106, %add3A_121], %mul3A_123 {add = true} : memref<320x256xf32, #tpu.memory_space<vmem>>[vector<16xi32>, vector<16xi32>], vector<16xf32>,
      %add3A_124 = arith.constant 48 : i32
      %add3A_125 = vector.broadcast %add3A_124 : i32 to vector<16xi32>
      %add3A_126 = arith.addi %iota3A, %add3A_125 : vector<16xi32>
      %gather3A_127 = tpu.vector_load_idx %arg10[%add3A_108, %add3A_126] : memref<80x256xf32, #tpu.memory_space<vmem>>[vector<16xi32>, vector<16xi32>], vector<16xf32>,
      %mul3A_128 = arith.mulf %gather3A_127, %gather3A : vector<16xf32>
      tpu.vector_store_idx %arg11[%gather3A_106, %add3A_126], %mul3A_128 {add = true} : memref<320x256xf32, #tpu.memory_space<vmem>>[vector<16xi32>, vector<16xi32>], vector<16xf32>,
      %add3A_129 = arith.constant 64 : i32
      %add3A_130 = vector.broadcast %add3A_129 : i32 to vector<16xi32>
      %add3A_131 = arith.addi %iota3A, %add3A_130 : vector<16xi32>
      %gather3A_132 = tpu.vector_load_idx %arg10[%add3A_108, %add3A_131] : memref<80x256xf32, #tpu.memory_space<vmem>>[vector<16xi32>, vector<16xi32>], vector<16xf32>,
      %mul3A_133 = arith.mulf %gather3A_132, %gather3A : vector<16xf32>
      tpu.vector_store_idx %arg11[%gather3A_106, %add3A_131], %mul3A_133 {add = true} : memref<320x256xf32, #tpu.memory_space<vmem>>[vector<16xi32>, vector<16xi32>], vector<16xf32>,
      %add3A_134 = arith.constant 80 : i32
      %add3A_135 = vector.broadcast %add3A_134 : i32 to vector<16xi32>
      %add3A_136 = arith.addi %iota3A, %add3A_135 : vector<16xi32>
      %gather3A_137 = tpu.vector_load_idx %arg10[%add3A_108, %add3A_136] : memref<80x256xf32, #tpu.memory_space<vmem>>[vector<16xi32>, vector<16xi32>], vector<16xf32>,
      %mul3A_138 = arith.mulf %gather3A_137, %gather3A : vector<16xf32>
      tpu.vector_store_idx %arg11[%gather3A_106, %add3A_136], %mul3A_138 {add = true} : memref<320x256xf32, #tpu.memory_space<vmem>>[vector<16xi32>, vector<16xi32>], vector<16xf32>,
      %add3A_139 = arith.constant 96 : i32
      %add3A_140 = vector.broadcast %add3A_139 : i32 to vector<16xi32>
      %add3A_141 = arith.addi %iota3A, %add3A_140 : vector<16xi32>
      %gather3A_142 = tpu.vector_load_idx %arg10[%add3A_108, %add3A_141] : memref<80x256xf32, #tpu.memory_space<vmem>>[vector<16xi32>, vector<16xi32>], vector<16xf32>,
      %mul3A_143 = arith.mulf %gather3A_142, %gather3A : vector<16xf32>
      tpu.vector_store_idx %arg11[%gather3A_106, %add3A_141], %mul3A_143 {add = true} : memref<320x256xf32, #tpu.memory_space<vmem>>[vector<16xi32>, vector<16xi32>], vector<16xf32>,
      %add3A_144 = arith.constant 112 : i32
      %add3A_145 = vector.broadcast %add3A_144 : i32 to vector<16xi32>
      %add3A_146 = arith.addi %iota3A, %add3A_145 : vector<16xi32>
      %gather3A_147 = tpu.vector_load_idx %arg10[%add3A_108, %add3A_146] : memref<80x256xf32, #tpu.memory_space<vmem>>[vector<16xi32>, vector<16xi32>], vector<16xf32>,
      %mul3A_148 = arith.mulf %gather3A_147, %gather3A : vector<16xf32>
      tpu.vector_store_idx %arg11[%gather3A_106, %add3A_146], %mul3A_148 {add = true} : memref<320x256xf32, #tpu.memory_space<vmem>>[vector<16xi32>, vector<16xi32>], vector<16xf32>,
      %add3A_149 = arith.constant 128 : i32
      %add3A_150 = vector.broadcast %add3A_149 : i32 to vector<16xi32>
      %add3A_151 = arith.addi %iota3A, %add3A_150 : vector<16xi32>
      %gather3A_152 = tpu.vector_load_idx %arg10[%add3A_108, %add3A_151] : memref<80x256xf32, #tpu.memory_space<vmem>>[vector<16xi32>, vector<16xi32>], vector<16xf32>,
      %mul3A_153 = arith.mulf %gather3A_152, %gather3A : vector<16xf32>
      tpu.vector_store_idx %arg11[%gather3A_106, %add3A_151], %mul3A_153 {add = true} : memref<320x256xf32, #tpu.memory_space<vmem>>[vector<16xi32>, vector<16xi32>], vector<16xf32>,
      %add3A_154 = arith.constant 144 : i32
      %add3A_155 = vector.broadcast %add3A_154 : i32 to vector<16xi32>
      %add3A_156 = arith.addi %iota3A, %add3A_155 : vector<16xi32>
      %gather3A_157 = tpu.vector_load_idx %arg10[%add3A_108, %add3A_156] : memref<80x256xf32, #tpu.memory_space<vmem>>[vector<16xi32>, vector<16xi32>], vector<16xf32>,
      %mul3A_158 = arith.mulf %gather3A_157, %gather3A : vector<16xf32>
      tpu.vector_store_idx %arg11[%gather3A_106, %add3A_156], %mul3A_158 {add = true} : memref<320x256xf32, #tpu.memory_space<vmem>>[vector<16xi32>, vector<16xi32>], vector<16xf32>,
      %add3A_159 = arith.constant 160 : i32
      %add3A_160 = vector.broadcast %add3A_159 : i32 to vector<16xi32>
      %add3A_161 = arith.addi %iota3A, %add3A_160 : vector<16xi32>
      %gather3A_162 = tpu.vector_load_idx %arg10[%add3A_108, %add3A_161] : memref<80x256xf32, #tpu.memory_space<vmem>>[vector<16xi32>, vector<16xi32>], vector<16xf32>,
      %mul3A_163 = arith.mulf %gather3A_162, %gather3A : vector<16xf32>
      tpu.vector_store_idx %arg11[%gather3A_106, %add3A_161], %mul3A_163 {add = true} : memref<320x256xf32, #tpu.memory_space<vmem>>[vector<16xi32>, vector<16xi32>], vector<16xf32>,
      %add3A_164 = arith.constant 176 : i32
      %add3A_165 = vector.broadcast %add3A_164 : i32 to vector<16xi32>
      %add3A_166 = arith.addi %iota3A, %add3A_165 : vector<16xi32>
      %gather3A_167 = tpu.vector_load_idx %arg10[%add3A_108, %add3A_166] : memref<80x256xf32, #tpu.memory_space<vmem>>[vector<16xi32>, vector<16xi32>], vector<16xf32>,
      %mul3A_168 = arith.mulf %gather3A_167, %gather3A : vector<16xf32>
      tpu.vector_store_idx %arg11[%gather3A_106, %add3A_166], %mul3A_168 {add = true} : memref<320x256xf32, #tpu.memory_space<vmem>>[vector<16xi32>, vector<16xi32>], vector<16xf32>,
      %add3A_169 = arith.constant 192 : i32
      %add3A_170 = vector.broadcast %add3A_169 : i32 to vector<16xi32>
      %add3A_171 = arith.addi %iota3A, %add3A_170 : vector<16xi32>
      %gather3A_172 = tpu.vector_load_idx %arg10[%add3A_108, %add3A_171] : memref<80x256xf32, #tpu.memory_space<vmem>>[vector<16xi32>, vector<16xi32>], vector<16xf32>,
      %mul3A_173 = arith.mulf %gather3A_172, %gather3A : vector<16xf32>
      tpu.vector_store_idx %arg11[%gather3A_106, %add3A_171], %mul3A_173 {add = true} : memref<320x256xf32, #tpu.memory_space<vmem>>[vector<16xi32>, vector<16xi32>], vector<16xf32>,
      %add3A_174 = arith.constant 208 : i32
      %add3A_175 = vector.broadcast %add3A_174 : i32 to vector<16xi32>
      %add3A_176 = arith.addi %iota3A, %add3A_175 : vector<16xi32>
      %gather3A_177 = tpu.vector_load_idx %arg10[%add3A_108, %add3A_176] : memref<80x256xf32, #tpu.memory_space<vmem>>[vector<16xi32>, vector<16xi32>], vector<16xf32>,
      %mul3A_178 = arith.mulf %gather3A_177, %gather3A : vector<16xf32>
      tpu.vector_store_idx %arg11[%gather3A_106, %add3A_176], %mul3A_178 {add = true} : memref<320x256xf32, #tpu.memory_space<vmem>>[vector<16xi32>, vector<16xi32>], vector<16xf32>,
      %add3A_179 = arith.constant 224 : i32
      %add3A_180 = vector.broadcast %add3A_179 : i32 to vector<16xi32>
      %add3A_181 = arith.addi %iota3A, %add3A_180 : vector<16xi32>
      %gather3A_182 = tpu.vector_load_idx %arg10[%add3A_108, %add3A_181] : memref<80x256xf32, #tpu.memory_space<vmem>>[vector<16xi32>, vector<16xi32>], vector<16xf32>,
      %mul3A_183 = arith.mulf %gather3A_182, %gather3A : vector<16xf32>
      tpu.vector_store_idx %arg11[%gather3A_106, %add3A_181], %mul3A_183 {add = true} : memref<320x256xf32, #tpu.memory_space<vmem>>[vector<16xi32>, vector<16xi32>], vector<16xf32>,
      %add3A_184 = arith.constant 240 : i32
      %add3A_185 = vector.broadcast %add3A_184 : i32 to vector<16xi32>
      %add3A_186 = arith.addi %iota3A, %add3A_185 : vector<16xi32>
      %gather3A_187 = tpu.vector_load_idx %arg10[%add3A_108, %add3A_186] : memref<80x256xf32, #tpu.memory_space<vmem>>[vector<16xi32>, vector<16xi32>], vector<16xf32>,
      %mul3A_188 = arith.mulf %gather3A_187, %gather3A : vector<16xf32>
      tpu.vector_store_idx %arg11[%gather3A_106, %add3A_186], %mul3A_188 {add = true} : memref<320x256xf32, #tpu.memory_space<vmem>>[vector<16xi32>, vector<16xi32>], vector<16xf32>,
      %scan3A_189 = arith.constant 0 : i32
      scf.yield %scan3A_189 : i32
    }
    %scan3A_99 = arith.constant 80 : i32
    "tpu.region"() ({
      %run_scoped3A = tpu.sem_alloc : memref<!tpu.dma_semaphore, #tpu.memory_space<semaphore_mem>>
      %dma_start3A_100 = arith.constant 0 : i32
      %dma_start3A_101 = tpu.memref_slice %arg4[%multiple_of3A, %dma_start3A_100] : memref<10240x256xf32, #tpu.memory_space<hbm>> -> memref<320x256xf32, #tpu.memory_space<hbm>>
      %dma_start3A_102 = arith.constant 0 : i32
      %dma_start3A_103 = tpu.memref_slice %arg4[%multiple_of3A, %dma_start3A_102] : memref<10240x256xf32, #tpu.memory_space<hbm>> -> memref<320x256xf32, #tpu.memory_space<hbm>>
      tpu.enqueue_dma source(%arg11 : memref<320x256xf32, #tpu.memory_space<vmem>>) target(%dma_start3A_103 : memref<320x256xf32, #tpu.memory_space<hbm>>) target_semaphore(%run_scoped3A : memref<!tpu.dma_semaphore, #tpu.memory_space<semaphore_mem>>)
      %dma_wait3A_104 = arith.constant 0 : i32
      %dma_wait3A_105 = tpu.memref_slice %arg4[%multiple_of3A, %dma_wait3A_104] : memref<10240x256xf32, #tpu.memory_space<hbm>> -> memref<320x256xf32, #tpu.memory_space<hbm>>
      %dma_wait3A_106 = arith.constant 0 : i32
      %dma_wait3A_107 = tpu.memref_slice %arg4[%multiple_of3A, %dma_wait3A_106] : memref<10240x256xf32, #tpu.memory_space<hbm>> -> memref<320x256xf32, #tpu.memory_space<hbm>>
      tpu.wait_dma2 semaphore(%run_scoped3A : memref<!tpu.dma_semaphore, #tpu.memory_space<semaphore_mem>>) src(%arg11 : memref<320x256xf32, #tpu.memory_space<vmem>>) dst(%dma_wait3A_107 : memref<320x256xf32, #tpu.memory_space<hbm>>)
      tpu.yield
    }) : () -> ()
    return
  }
}

module attributes {stable_mosaic.version = 14 : i64} {
  func.func @_logmap0_body(%arg0: i32, %arg1: memref<400x256xf32, #tpu.memory_space<vmem>>, %arg2: memref<400x256xf32, #tpu.memory_space<vmem>>) attributes {dimension_semantics = [#tpu.dimension_semantics<arbitrary>], iteration_bounds = array<i64: 25>, scalar_prefetch = 0 : i64, scratch_operands = 0 : i64, tpu.core_type = #tpu.core_type<tc>, window_params = [{transform_indices = @transform_0, window_bounds = array<i64: 400, 256>}, {transform_indices = @transform_1, window_bounds = array<i64: 400, 256>}]} {
    %get3A = arith.constant 0 : index
    %get3A_0 = arith.constant 0 : index
    %get3A_1 = vector.load %arg1[%get3A, %get3A_0] : memref<400x256xf32, #tpu.memory_space<vmem>>, vector<400x256xf32>
    %mul3A = arith.mulf %get3A_1, %get3A_1 : vector<400x256xf32>
    %reduce_sum3A = arith.constant dense<0.000000e+00> : vector<400xf32>
    %reduce_sum3A_2 = vector.multi_reduction <add>, %mul3A, %reduce_sum3A [1] : vector<400x256xf32> to vector<400xf32>
    %broadcast_in_dim3A = vector.shape_cast %reduce_sum3A_2 : vector<400xf32> to vector<400x1xf32>
    %sqrt3A = math.sqrt %broadcast_in_dim3A : vector<400x1xf32>
    %jit3A = arith.constant 1.000000e-15 : f32
    %max3A = vector.broadcast %jit3A : f32 to vector<400x1xf32>
    %max3A_3 = arith.maximumf %max3A, %sqrt3A : vector<400x1xf32>
    %jit3A_4 = arith.constant -0.99999988 : f32
    %jit3A_5 = arith.constant 0.99999988 : f32
    %max3A_6 = vector.broadcast %jit3A_4 : f32 to vector<400x1xf32>
    %max3A_7 = arith.maximumf %max3A_6, %max3A_3 : vector<400x1xf32>
    %min3A = vector.broadcast %jit3A_5 : f32 to vector<400x1xf32>
    %min3A_8 = arith.minimumf %min3A, %max3A_7 : vector<400x1xf32>
    %add3A = arith.constant 1.000000e+00 : f32
    %add3A_9 = vector.broadcast %add3A : f32 to vector<400x1xf32>
    %add3A_10 = arith.addf %add3A_9, %min3A_8 : vector<400x1xf32>
    %sub3A = arith.constant 1.000000e+00 : f32
    %sub3A_11 = vector.broadcast %sub3A : f32 to vector<400x1xf32>
    %sub3A_12 = arith.subf %sub3A_11, %min3A_8 : vector<400x1xf32>
    %div3A = arith.divf %add3A_10, %sub3A_12 : vector<400x1xf32>
    %log3A = math.log %div3A : vector<400x1xf32>
    %mul3A_13 = arith.constant 5.000000e-01 : f32
    %mul3A_14 = vector.broadcast %mul3A_13 : f32 to vector<400x1xf32>
    %mul3A_15 = arith.mulf %mul3A_14, %log3A : vector<400x1xf32>
    %div3A_16 = arith.divf %mul3A_15, %max3A_3 : vector<400x1xf32>
    %mul3A_17 = vector.broadcast %div3A_16 : vector<400x1xf32> to vector<400x256xf32>
    %mul3A_18 = arith.mulf %get3A_1, %mul3A_17 : vector<400x256xf32>
    %swap3A = arith.constant 0 : index
    %swap3A_19 = arith.constant 0 : index
    %swap3A_20 = vector.load %arg2[%swap3A, %swap3A_19] : memref<400x256xf32, #tpu.memory_space<vmem>>, vector<400x256xf32>
    tpu.vector_store %arg2[%swap3A, %swap3A_19], %mul3A_18 {strides = array<i32>} : memref<400x256xf32, #tpu.memory_space<vmem>>, vector<400x256xf32>,
    return
  }
  func.func @transform_0(%arg0: i32) -> (i32, i32) {
    %c0_i32 = arith.constant 0 : i32
    %c0_i32_0 = arith.constant 0 : i32
    return %arg0, %c0_i32 : i32, i32
  }
  func.func @transform_1(%arg0: i32) -> (i32, i32) {
    %c0_i32 = arith.constant 0 : i32
    %c0_i32_0 = arith.constant 0 : i32
    return %arg0, %c0_i32 : i32, i32
  }
}

module attributes {stable_mosaic.version = 14 : i64} {
  func.func @_expmap0_proj_body(%arg0: i32, %arg1: memref<400x256xf32, #tpu.memory_space<vmem>>, %arg2: memref<400x256xf32, #tpu.memory_space<vmem>>) attributes {dimension_semantics = [#tpu.dimension_semantics<arbitrary>], iteration_bounds = array<i64: 25>, scalar_prefetch = 0 : i64, scratch_operands = 0 : i64, tpu.core_type = #tpu.core_type<tc>, window_params = [{transform_indices = @transform_0, window_bounds = array<i64: 400, 256>}, {transform_indices = @transform_1, window_bounds = array<i64: 400, 256>}]} {
    %get3A = arith.constant 0 : index
    %get3A_0 = arith.constant 0 : index
    %get3A_1 = vector.load %arg1[%get3A, %get3A_0] : memref<400x256xf32, #tpu.memory_space<vmem>>, vector<400x256xf32>
    %mul3A = arith.mulf %get3A_1, %get3A_1 : vector<400x256xf32>
    %reduce_sum3A = arith.constant dense<0.000000e+00> : vector<400xf32>
    %reduce_sum3A_2 = vector.multi_reduction <add>, %mul3A, %reduce_sum3A [1] : vector<400x256xf32> to vector<400xf32>
    %broadcast_in_dim3A = vector.shape_cast %reduce_sum3A_2 : vector<400xf32> to vector<400x1xf32>
    %sqrt3A = math.sqrt %broadcast_in_dim3A : vector<400x1xf32>
    %jit3A = arith.constant 1.000000e-15 : f32
    %max3A = vector.broadcast %jit3A : f32 to vector<400x1xf32>
    %max3A_3 = arith.maximumf %max3A, %sqrt3A : vector<400x1xf32>
    %jit3A_4 = arith.constant -1.500000e+01 : f32
    %jit3A_5 = arith.constant 1.500000e+01 : f32
    %max3A_6 = vector.broadcast %jit3A_4 : f32 to vector<400x1xf32>
    %max3A_7 = arith.maximumf %max3A_6, %max3A_3 : vector<400x1xf32>
    %min3A = vector.broadcast %jit3A_5 : f32 to vector<400x1xf32>
    %min3A_8 = arith.minimumf %min3A, %max3A_7 : vector<400x1xf32>
    %tanh3A = math.tanh %min3A_8 : vector<400x1xf32>
    %mul3A_9 = vector.broadcast %tanh3A : vector<400x1xf32> to vector<400x256xf32>
    %mul3A_10 = arith.mulf %mul3A_9, %get3A_1 : vector<400x256xf32>
    %div3A = vector.broadcast %max3A_3 : vector<400x1xf32> to vector<400x256xf32>
    %div3A_11 = arith.divf %mul3A_10, %div3A : vector<400x256xf32>
    %mul3A_12 = arith.mulf %div3A_11, %div3A_11 : vector<400x256xf32>
    %reduce_sum3A_13 = arith.constant dense<0.000000e+00> : vector<400xf32>
    %reduce_sum3A_14 = vector.multi_reduction <add>, %mul3A_12, %reduce_sum3A_13 [1] : vector<400x256xf32> to vector<400xf32>
    %broadcast_in_dim3A_15 = vector.shape_cast %reduce_sum3A_14 : vector<400xf32> to vector<400x1xf32>
    %sqrt3A_16 = math.sqrt %broadcast_in_dim3A_15 : vector<400x1xf32>
    %jit3A_17 = arith.constant 1.000000e-15 : f32
    %max3A_18 = vector.broadcast %jit3A_17 : f32 to vector<400x1xf32>
    %max3A_19 = arith.maximumf %max3A_18, %sqrt3A_16 : vector<400x1xf32>
    %gt3A = arith.constant 0.995999991 : f32
    %gt3A_20 = vector.broadcast %gt3A : f32 to vector<400x1xf32>
    %gt3A_21 = arith.cmpf ogt, %max3A_19, %gt3A_20 : vector<400x1xf32>
    %div3A_22 = vector.broadcast %max3A_19 : vector<400x1xf32> to vector<400x256xf32>
    %div3A_23 = arith.divf %div3A_11, %div3A_22 : vector<400x256xf32>
    %mul3A_24 = arith.constant 0.995999991 : f32
    %mul3A_25 = vector.broadcast %mul3A_24 : f32 to vector<400x256xf32>
    %mul3A_26 = arith.mulf %div3A_23, %mul3A_25 : vector<400x256xf32>
    %broadcast_in_dim3A_27 = vector.shape_cast %gt3A_21 : vector<400x1xi1> to vector<400x1xi1>
    %broadcast_in_dim3A_28 = vector.broadcast %broadcast_in_dim3A_27 : vector<400x1xi1> to vector<400x256xi1>
    %select_n3A = arith.select %broadcast_in_dim3A_28, %mul3A_26, %div3A_11 : vector<400x256xi1>, vector<400x256xf32>
    %swap3A = arith.constant 0 : index
    %swap3A_29 = arith.constant 0 : index
    %swap3A_30 = vector.load %arg2[%swap3A, %swap3A_29] : memref<400x256xf32, #tpu.memory_space<vmem>>, vector<400x256xf32>
    tpu.vector_store %arg2[%swap3A, %swap3A_29], %select_n3A {strides = array<i32>} : memref<400x256xf32, #tpu.memory_space<vmem>>, vector<400x256xf32>,
    return
  }
  func.func @transform_0(%arg0: i32) -> (i32, i32) {
    %c0_i32 = arith.constant 0 : i32
    %c0_i32_0 = arith.constant 0 : i32
    return %arg0, %c0_i32 : i32, i32
  }
  func.func @transform_1(%arg0: i32) -> (i32, i32) {
    %c0_i32 = arith.constant 0 : i32
    %c0_i32_0 = arith.constant 0 : i32
    return %arg0, %c0_i32 : i32, i32
  }
}

</mosaic_0001>

<sc_bundles>
// kernel: kernel.5.cloned.1.call-start
scs
__scs_entry_jumppad:
0x0: {  	(pc) =	sbr.rel $0x88, $3  }
0x1: {  	(tag) =	ssettag $0x0;
	lr =	simm.s32 $0x1  }
0x2: {  	[smem:$0x3F9E] =	sst lr;
	_ =	strace $0xD0000000  }
0x3: {  	_ = 	snop  }
0x4: {  	_ = 	snop  }
0x5: {  	_ = 	snop  }
0x6: {  	_ = 	snop  }
0x7: {  	_ = 	snop  }
__scs_overlays_trampoline_lowered:
0x8: {  	[smem:$0x3FAD] =	sst s0  }
0x9: {  	[smem:$0x3FAE] =	sst s1  }
0xa: {  	[smem:$0x3FAF] =	sst s2  }
0xb: {  	[smem:$0x3FB0] =	sst s3  }
0xc: {  	[smem:$0x3FB1] =	sst s4  }
0xd: {  	[smem:$0x3FB2] =	sst s5  }
0xe: {  	[smem:$0x3FB3] =	sst s6  }
0xf: {  	[smem:$0x3FB4] =	sst s7  }
0x10: {  	[smem:$0x3FB5] =	sst s8  }
0x11: {  	[smem:$0x3FB6] =	sst s9;
	s0 =	simm.s32 @!p0 $0x0  }
0x12: {  	s1 =	sld [smem:$0x3F9C];
	s0 =	simm.s32 @p0 $0x1  }
0x13: {  	[smem:$0x3FB7] =	sst s0;
	s0 =	simm.s32 @!p1 $0x0  }
0x14: {  	s2 =	sld [smem:$0x3F9B];
	s0 =	simm.s32 @p1 $0x1  }
0x15: {  	[smem:$0x3FB8] =	sst s0;
	s0 =	simm.s32 @!p2 $0x0  }
0x16: {  	s3 =	sld [smem:$0x3FDB];
	s0 =	simm.s32 @p2 $0x1  }
0x17: {  	s4 =	simm.s32 $0x1BF5;
	[smem:$0x3FBA] =	sst s0  }
0x18: {  	s0 =	sld [smem:$0x3F9D];
	_ =	swait.ge [sflag:s4], $0x0  }
0x19: {  	s7 =	sld [smem:$0x3F9E]  }
0x1a: {  	s8 =	sadd.s32 $0xFFFFE003, lr  }
0x1b: {  	s9 =	sadd.s32 $0xFFFFFEF7, lr;
	s5 =	simm.s32 $0xFFFFFFFF;
	p2 =	slt.u32 s8, $0xFFFFF086  }
0x1c: {  	p1 =	slt.u32 s9, $0xF7A;
	s5 =	simm.s32 @!p2 $0x0  }
0x1d: {  	s5 =	simm.s32 @p1 $0x1;
	p0 =	seq.s32 s7, s2  }
0x1e: {  	s7 =	smul.u32 @!p0 $0xF7A, s2;
	p2 =	seq.s32 @!p0 s5, $0x0  }
0x1f: {  	s9 =	smul.u32 $0xF7A, s1;
	s8 =	simm.s32 @!p0 $0x1BF5;
	p2 =	por !p2, p0  }
0x20: {  	[sflag:s8] =	ssyncset.s32 @!p0 $0xFFFFF086;
	s6 =	sadd.s32 @!p0 s3, s7;
	s7 =	simm.s32 @!p0 $0x108  }
0x21: {  	s3 =	sadd.s32 s3, s9;
	s6 =	sadd.s32 @!p0 $0x88, s6;
	s7 =	simm.s32 @p2 $0x1082  }
0x22: {  	[simem:s7], [sflag:s8] =	dma.local @!p0 [hbm:s6], $0xF7A  }
0x23: {  	s9 =	sor.u32 $0xD0000000, s2;
	s6 =	simm.s32 $0x108;
	_ =	swait.ge @!p0 [sflag:s8], $0x0  }
0x24: {  	s3 =	sadd.s32 $0x88, s3;
	s6 =	simm.s32 @!p1 $0x1082;
	[sflag:s4] =	ssyncset.s32 $0xFFFFF086  }
0x25: {  	[simem:s6], [sflag:s4] =	dma.local [hbm:s3], $0xF7A  }
0x26: {  	[smem:$0x3F9E] =	sst s1;
	(tag) =	ssettag s2;
	_ =	strace s9  }
0x27: {  	s1 =	sld [smem:$0x3FAE]  }
0x28: {  	s2 =	sld [smem:$0x3FAF]  }
0x29: {  	s4 =	sld [smem:$0x3FB1]  }
0x2a: {  	p0 =	seq.s32 s5, $0x0;
	s5 =	sld [smem:$0x3FB2]  }
0x2b: {  	s6 =	sld [smem:$0x3FB3]  }
0x2c: {  	s7 =	sld [smem:$0x3FB4]  }
0x2d: {  	s3 =	simm.s32 $0x108;
	s8 =	sld [smem:$0x3FB5]  }
0x2e: {  	s3 =	simm.s32 @!p0 $0x1082;
	s9 =	sld [smem:$0x3FB6]  }
0x2f: {  	lr =	sadd.s32 s0, s3;
	s0 =	sld [smem:$0x3FAD]  }
0x30: {  	s3 =	sld [smem:$0x3FB0]  }
0x31: {  	[smem:$0x3FB9] =	sst s10  }
0x32: {  	s10 =	sld [smem:$0x3FB7];
	_ =	sdelay $0x3  }
0x33: {  	p0 =	seq.s32 s10, $0x1;
	s10 =	sld [smem:$0x3FB9];
	_ =	sdelay $0x3  }
0x34: {  	[smem:$0x3FB9] =	sst s10  }
0x35: {  	s10 =	sld [smem:$0x3FB8];
	_ =	sdelay $0x3  }
0x36: {  	p1 =	seq.s32 s10, $0x1;
	s10 =	sld [smem:$0x3FB9];
	_ =	sdelay $0x3  }
0x37: {  	[smem:$0x3FB9] =	sst s10  }
0x38: {  	s10 =	sld [smem:$0x3FBA]  }
0x39: {  	_ = 	snop;
	(pc) =	sbr.ind lr, $3  }
0x3a: {  	_ = 	snop  }
0x3b: {  	_ = 	snop  }
0x3c: {  	p2 =	seq.s32 s10, $0x1;
	s10 =	sld [smem:$0x3FB9]  }
0x3d: {  	_ =	shalt  }
0x3e: {  	_ =	shalt  }
0x3f: {  	_ =	shalt  }
0x40: {  	_ =	shalt  }
0x41: {  	_ =	shalt  }
0x42: {  	_ =	shalt  }
0x43: {  	_ =	shalt  }
0x44: {  	_ =	shalt  }
0x45: {  	_ =	shalt  }
0x46: {  	_ =	shalt  }
0x47: {  	_ =	shalt  }
0x48: {  	_ =	shalt  }
0x49: {  	_ =	shalt  }
0x4a: {  	_ =	shalt  }
0x4b: {  	_ =	shalt  }
0x4c: {  	_ =	shalt  }
0x4d: {  	_ =	shalt  }
0x4e: {  	_ =	shalt  }
0x4f: {  	_ =	shalt  }
0x50: {  	_ =	shalt  }
0x51: {  	_ =	shalt  }
0x52: {  	_ =	shalt  }
0x53: {  	_ =	shalt  }
0x54: {  	_ =	shalt  }
0x55: {  	_ =	shalt  }
0x56: {  	_ =	shalt  }
0x57: {  	_ =	shalt  }
0x58: {  	_ =	shalt  }
0x59: {  	_ =	shalt  }
0x5a: {  	_ =	shalt  }
0x5b: {  	_ =	shalt  }
0x5c: {  	_ =	shalt  }
0x5d: {  	_ =	shalt  }
0x5e: {  	_ =	shalt  }
0x5f: {  	_ =	shalt  }
0x60: {  	_ =	shalt  }
0x61: {  	_ =	shalt  }
0x62: {  	_ =	shalt  }
0x63: {  	_ =	shalt  }
0x64: {  	_ =	shalt  }
0x65: {  	_ =	shalt  }
0x66: {  	_ =	shalt  }
0x67: {  	_ =	shalt  }
0x68: {  	_ =	shalt  }
0x69: {  	_ =	shalt  }
0x6a: {  	_ =	shalt  }
0x6b: {  	_ =	shalt  }
0x6c: {  	_ =	shalt  }
0x6d: {  	_ =	shalt  }
0x6e: {  	_ =	shalt  }
0x6f: {  	_ =	shalt  }
0x70: {  	_ =	shalt  }
0x71: {  	_ =	shalt  }
0x72: {  	_ =	shalt  }
0x73: {  	_ =	shalt  }
0x74: {  	_ =	shalt  }
0x75: {  	_ =	shalt  }
0x76: {  	_ =	shalt  }
0x77: {  	_ =	shalt  }
0x78: {  	_ =	shalt  }
0x79: {  	_ =	shalt  }
0x7a: {  	_ =	shalt  }
0x7b: {  	_ =	shalt  }
0x7c: {  	_ =	shalt  }
0x7d: {  	_ =	shalt  }
0x7e: {  	_ =	shalt  }
0x7f: {  	_ =	shalt  }
0x80: {  	_ =	shalt  }
0x81: {  	_ =	shalt  }
0x82: {  	_ =	shalt  }
0x83: {  	_ =	shalt  }
0x84: {  	_ =	shalt  }
0x85: {  	_ =	shalt  }
0x86: {  	_ =	shalt  }
0x87: {  	_ =	shalt  }
.Lfunc_end0:
.L_simem_size_0:
called_computation_lowered:
.L_overlay_start_0:
0x88: {  	s2 =	sld [smem:$0x3FD9]  }
0x89: {  	s3 =	sld [smem:$0x3FFE];
	_ =	sdelay $0x1  }
0x8a: {  	s1 =	srdreg.scid  }
0x8b: {  	s0 =	sand.u32 $0x1, s1  }
0x8c: {  	s17 =	sshll.u32 s0, $0xA;
	s2 =	sadd.s32 s3, s2  }
0x8d: {  	s2 =	sadd.s32 s2, s17  }
0x8e: {  	[smem:$0x3FC5] =	sst s2  }
0x8f: {  	_ = 	snop  }
0x90: {  	s2 =	sld [smem:$0x3FD0];
	(tm) =	ssettm $0x1  }
0x91: {  	s18 =	sld [smem:$0x3FFB];
	_ =	sdelay $0x3  }
0x92: {  	_ =	strace s18  }
0x93: {  	s3 =	sld [smem:$0x3FFC];
	_ =	sdelay $0x3  }
0x94: {  	_ =	strace s3  }
0x95: {  	s3 =	sld [smem:$0x3FFD];
	_ =	sdelay $0x3  }
0x96: {  	_ =	strace s3  }
0x97: {  	_ =	strace $0x8FFFFFFF  }
0x98: {  	s19 =	sld [smem:$0x3FDB];
	_ =	sdelay $0x1  }
0x99: {  	s4 =	simm.s32 $_scs_section_size  }
0x9a: {  	s5 =	simm.s32 $_size__tile_overlayer_lowered;
	s6 =	simm.s32 $_tile_overlayer_lowered  }
0x9b: {  	s22 =	simm.s32 $0x1BFF;
	s21 =	sshll.u32 s6, $0x1;
	s3 =	sadd.s32 s4, s19  }
0x9c: {  	s7 =	simm.s32 $0x0;
	s20 =	sshll.u32 s5, $0x1;
	s5 =	sadd.s32 s21, s3  }
0x9d: {  	[timem:s7], [sflag:s22] =	dma.local [hbm:s5], s20  }
0x9e: {  	_ =	swait.ge [sflag:s22], s20  }
0x9f: {  	s4 =	ssub.s32 $0x0, s20;
	[sflag:s22] =	ssyncset.done $0x0  }
0xa0: {  	[sflag:s22] =	ssyncadd.s32 s4;
	_ =	sdelay $0x1  }
0xa1: {  	s23 =	simm.s32 $0x1B8B  }
0xa2: {  	_ =	swait.ge [sflag:s23], $0x1  }
0xa3: {  	[sflag:s23] =	ssyncset.done $0x0  }
0xa4: {  	s25 =	simm.s32 $0x1B8E;
	s24 =	sld [smem:$0x3FFE];
	[sflag:s23] =	ssyncadd.s32 $0xFFFFFFFF  }
0xa5: {  	s26 =	simm.s32 $execute0_lowered;
	[smem:$0x3FD2] =	sst s25  }
0xa6: {  	s5 =	sshll.u32 s26, $0x1;
	_ =	strace $0x80000046;
	[dreg:$0x1] =	wrdreg $0xFFFFFFFF  }
0xa7: {  	s28 =	simm.s32 $_size_execute0_lowered;
	s3 =	sadd.s32 s3, s5;
	[dreg:$0x0] =	wrdreg $0x0  }
0xa8: {  	s5 =	sshll.u32 s28, $0x1;
	[dreg:$0x2] =	wrdreg s3  }
0xa9: {  	[dreg:$0x3] =	wrdreg s5  }
0xaa: {  	[dreg:$0x4] =	wrdreg $0xC0  }
0xab: {  	_ =	task [dreg:s7], $0x5FFFF  }
0xac: {  	[dreg:$0x1] =	wrdreg $0xFFFFFFFF  }
0xad: {  	[dreg:$0x0] =	wrdreg $0x60  }
0xae: {  	[dreg:$0x2] =	wrdreg s2  }
0xaf: {  	[dreg:$0x3] =	wrdreg s24  }
0xb0: {  	[dreg:$0x4] =	wrdreg $0x9  }
0xb1: {  	_ =	task.clear_ibuf [dreg:s7], $0x5FFFF;
	_ =	strace $0x90000046  }
0xb2: {  	s29 =	simm.s32 $0x9;
	_ =	strace $0x80000048  }
0xb3: {  	_ =	swait.ge [sflag:s29], $0x1  }
0xb4: {  	[sflag:s29] =	ssyncadd.s32 $0xFFFFFFFF  }
0xb5: {  	_ =	strace $0x90000048  }
0xb6: {  	_ =	sfence  }
0xb7: {  	s30 =	sld [smem:$0x0];
	_ =	sdelay $0x2  }
0xb8: {  	s31 =	sshll.u32 s1, $0xD;
	s1 =	sshrl.u32 s1, $0x2  }
0xb9: {  	s3 =	sand.u32 $0x4000, s31;
	s1 =	sadd.s32 s1, s30  }
0xba: {  	s0 =	sor.u32 s3, s0;
	s1 =	sshll.u32 s1, $0x11  }
0xbb: {  	s0 =	sor.u32 s1, s0  }
0xbc: {  	s0 =	sadd.s32 $0x8F2B, s0  }
0xbd: {  	[sflag:s0] =	ssyncadd.remote.s32 $0x1  }
0xbe: {  	_ =	sfence.sel $0xFFFF  }
0xbf: {  	[dreg:$0x0] =	wrdreg $0xFFFFFFFF;
	(pc) =	sbr.abs _section_cstart, $3  }
0xc0: {  	[dreg:$0x1] =	wrdreg $0xFFFFFFFF  }
0xc1: {  	_ =	task.clear_ibuf [dreg:s7], $0x2FFFF;
	_ =	strace $0x9FFFFFFF  }
0xc2: {  	(tm) =	ssettm $0x7FFFFFFF  }
0xc3: {  	_ =	shalt  }
tec
execute0_lowered:
.L_overlay_start_1:
0x0: {  	(tag) =	ssettag $0x1  }
0x1: {  	s0 =	srdreg.scid;
	s2 =	rddreg [dreg:$0x0]  }
0x2: {  	s1 =	stileid.u32;
	s5 =	rddreg [dreg:$0x1]  }
0x3: {  	s3 =	simm.s32 $0x0;
	s8 =	simm.s32 $0x1780;
	s9 =	simm.s32 $0x3  }
0x4: {  	s10 =	simm.s32 $0x1;
	s11 =	simm.s32 $0x4880;
	s12 =	simm.s32 $0x5080  }
0x5: {  	s13 =	simm.s32 $0x5880;
	s14 =	simm.s32 $0x6080;
	s15 =	simm.s32 $0x6880  }
0x6: {  	v2 =	vimm.f32 $0.0e+00;
	v4 =	vlaneseq.u32;
	s16 =	simm.s32 $0x7080;
	s17 =	simm.s32 $0x7880;
	s18 =	simm.s32 $0x8080  }
0x7: {  	v3 =	vimm.s32 $0x0;
	vm0 =	vmmov $0xffff;
	s19 =	simm.s32 $0x8880;
	s20 =	simm.s32 $0x9080;
	s21 =	simm.s32 $0x4000;
	v5 =	vmul.u32 $0x3, v4  }
0x8: {  	s22 =	simm.s32 $0x3780;
	s0 =	sand.u32 $0x1, s0;
	s1 =	sshll.u32 s1, $0x1;
	v6 =	vand.u32 $0x7, v4;
	v7 =	vshrl.u32 v4, $0x3;
	v8 =	vor.u32 $0x8, v4  }
0x9: {  	s23 =	simm.s32 $0x9880;
	s24 =	simm.s32 $0x4;
	v9 =	vor.u32 $0x10, v4;
	v10 =	vor.u32 $0x20, v4;
	v11 =	vor.u32 $0x30, v4;
	s1 =	sor.u32 s0, s1  }
0xa: {  	s25 =	simm.s32 $0x0;
	v12 =	vor.u32 $0x40, v4;
	v13 =	vor.u32 $0x50, v4;
	v14 =	vor.u32 $0x60, v4;
	s0 =	ssub.s32 $0x2, s0;
	s4 =	smul.u32 $0x140, s1  }
0xb: {  	[smem:$0x7FF] =	sst s3;
	v15 =	vor.u32 $0x70, v4;
	v16 =	vor.u32 $0x400, v4;
	v17 =	vor.u32 $0x410, v4;
	s1 =	smul.u32 $0x2800, s1;
	s7 =	sshrl.u32 s0, $0x1  }
0xc: {  	v18 =	vor.u32 $0x420, v4;
	v19 =	vor.u32 $0x430, v4;
	v20 =	vor.u32 $0x440, v4;
	_ =	strace $0x80000047;
	s0 =	ssub.s32 s0, s7;
	s6 =	sadd.s32 $0x140, s4  }
0xd: {  	v21 =	vor.u32 $0x450, v4;
	v22 =	vor.u32 $0x460, v4;
	v0 =	vmov s4;
	s4 =	sadd.s32 $0x272800, s5;
	s1 =	sadd.s32 s1, s5;
	s5 =	sadd.s32 $0x272AEE, s5  }
0xe: {  	v23 =	vor.u32 $0x470, v4;
	v7 =	vmul.u32 $0x8, v7;
	s7 =	smax.u32 s0, $0x1;
	v1 =	vmov s6;
	[dreg:$0x3] =	wrdreg s5;
	s6 =	sadd.s32 $0x1800, s1  }
.LBB2_1:
0xf: {  	s0 =	sand.u32 $0x1F800, s3;
	s1 =	sand.u32 $0x380, s3  }
0x10: {  	s0 =	sor.u32 s1, s0  }
0x11: {  	[tilespmem:s0+$0x9CF0] =	vst v2  }
0x12: {  	[tilespmem:s0+$0x9880] =	vst v2  }
0x13: {  	[tilespmem:s0+$0x9890] =	vst v2  }
0x14: {  	[tilespmem:s0+$0x98A0] =	vst v2  }
0x15: {  	[tilespmem:s0+$0x98B0] =	vst v2  }
0x16: {  	[tilespmem:s0+$0x98C0] =	vst v2  }
0x17: {  	[tilespmem:s0+$0x98D0] =	vst v2  }
0x18: {  	[tilespmem:s0+$0x98E0] =	vst v2  }
0x19: {  	[tilespmem:s0+$0x98F0] =	vst v2  }
0x1a: {  	[tilespmem:s0+$0x9C80] =	vst v2  }
0x1b: {  	[tilespmem:s0+$0x9C90] =	vst v2  }
0x1c: {  	[tilespmem:s0+$0x9CA0] =	vst v2  }
0x1d: {  	[tilespmem:s0+$0x9CB0] =	vst v2  }
0x1e: {  	s26 =	simm.s32 $0x100;
	s1 =	simm.s32 $0x80;
	[tilespmem:s0+$0x9CC0] =	vst v2  }
0x1f: {  	s28 =	sand.u32 $0x1F800, s26;
	s26 =	simm.s32 $0x200;
	s29 =	sand.u32 $0x380, s1;
	[tilespmem:s0+$0x9CD0] =	vst v2  }
.LBB2_2:
0x20: {  	p0 =	sne.s32 s26, $0x13F00;
	[tilespmem:s0+$0x9CE0] =	vst v2;
	s0 =	sor.u32 s29, s28  }
0x21: {  	[tilespmem:s0+$0x9CF0] =	vst v2  }
0x22: {  	[tilespmem:s0+$0x9880] =	vst v2  }
0x23: {  	[tilespmem:s0+$0x9890] =	vst v2  }
0x24: {  	[tilespmem:s0+$0x98A0] =	vst v2  }
0x25: {  	[tilespmem:s0+$0x98B0] =	vst v2  }
0x26: {  	[tilespmem:s0+$0x98C0] =	vst v2  }
0x27: {  	[tilespmem:s0+$0x98D0] =	vst v2  }
0x28: {  	[tilespmem:s0+$0x98E0] =	vst v2  }
0x29: {  	[tilespmem:s0+$0x98F0] =	vst v2  }
0x2a: {  	[tilespmem:s0+$0x9C80] =	vst v2  }
.Ltmp0:
0x2b: {  	[tilespmem:s0+$0x9C90] =	vst v2;
	(pc) =	sbr.rel @p0 .LBB2_2-.Ltmp0, $4  }
0x2c: {  	[tilespmem:s0+$0x9CA0] =	vst v2  }
0x2d: {  	[tilespmem:s0+$0x9CB0] =	vst v2  }
0x2e: {  	s1 =	sadd.s32 $0x80, s1;
	[tilespmem:s0+$0x9CC0] =	vst v2  }
0x2f: {  	s28 =	sand.u32 $0x1F800, s26;
	s26 =	sadd.s32 $0x100, s26;
	s29 =	sand.u32 $0x380, s1;
	[tilespmem:s0+$0x9CD0] =	vst v2  }
0x30: {  	s1 =	sor.u32 s29, s28;
	[tilespmem:s0+$0x9CE0] =	vst v2  }
0x31: {  	[tilespmem:s1+$0x9CF0] =	vst v2  }
0x32: {  	[tilespmem:s1+$0x9880] =	vst v2  }
0x33: {  	[tilespmem:s1+$0x9890] =	vst v2  }
0x34: {  	[tilespmem:s1+$0x98A0] =	vst v2  }
0x35: {  	[tilespmem:s1+$0x98B0] =	vst v2  }
0x36: {  	[tilespmem:s1+$0x98C0] =	vst v2  }
0x37: {  	[tilespmem:s1+$0x98D0] =	vst v2  }
0x38: {  	[tilespmem:s1+$0x98E0] =	vst v2  }
0x39: {  	[tilespmem:s1+$0x98F0] =	vst v2  }
0x3a: {  	[tilespmem:s1+$0x9C80] =	vst v2  }
0x3b: {  	[tilespmem:s1+$0x9C90] =	vst v2  }
0x3c: {  	[tilespmem:s1+$0x9CA0] =	vst v2  }
0x3d: {  	[tilespmem:s1+$0x9CB0] =	vst v2  }
0x3e: {  	[tilespmem:s1+$0x9CC0] =	vst v2  }
0x3f: {  	[tilespmem:s1+$0x9CD0] =	vst v2  }
0x40: {  	s0 =	simm.s32 $0x40;
	[tilespmem:s1+$0x9CE0] =	vst v2;
	s1 =	simm.s32 $0x0  }
.LBB2_4:
0x41: {  	p0 =	sne.s32 s0, $0x21C0;
	[tilespmem:s1+$0x4000] =	vst v2;
	s26 =	smov.u32 s0;
	s0 =	sadd.s32 $0x40, s0  }
.Ltmp1:
0x42: {  	[tilespmem:s1+$0x2F00] =	vst v3;
	(pc) =	sbr.rel @p0 .LBB2_4-.Ltmp1, $2  }
0x43: {  	[tilespmem:s1+$0x3780] =	vst v3;
	_ =	sdelay $0x2  }
0x44: {  	s1 =	sshra.s32 s26, $0x2  }
0x45: {  	[tilespmem:s1+$0x4000] =	vst v2  }
0x46: {  	[tilespmem:s1+$0x2F00] =	vst v3  }
0x47: {  	[tilespmem:s1+$0x3780] =	vst v3;
	s0 =	simm.s32 $0x0  }
0x48: {  	[tilespmem:s0], [sflag:$0x2] =	stream.linear.gather [hbm4b:s4+s0], $0x1770, $0x38;
	[tilespmem:$0x1D880] =	vst v63  }
0x49: {  	s31 =	rddreg [dreg:$0x3];
	s26 =	simm.s32 $0x0  }
0x4a: {  	[tilespmem:s8], [sflag:$0x3] =	stream.linear.gather [hbm4b:s31+s0], $0x1770, $0x38;
	[tilespmem:$0x1D880] =	vst v63  }
.LBB2_6:
0x4b: {  	s28 =	simm.s32 $0x0  }
0x4c: {  	v24 =	vadd.s32 s28, v5  }
0x4d: {  	s1 =	simm.s32 $0x2  }
0x4e: {  	_ =	swait.ge [sflag:s1], $0x1770  }
0x4f: {  	[sflag:s1] =	ssyncset.done $0x0  }
0x50: {  	s28 =	simm.s32 $0x1;
	[sflag:s1] =	ssyncadd.s32 $0xFFFFE890  }
0x51: {  	v26 =	vadd.s32 s28, v5;
	v25 =	vld.idx.msk [tilespmem:v24+s3+$0x0], $0xffff;
	_ =	sdelay $0x1  }
0x52: {  	v24 =	vadd.s32 s1, v5;
	_ =	sdelay $0x2  }
0x53: {  	vm1 =	vge.s32 v25, v0;
	vm2 =	vlt.s32 v25, v1;
	v27 =	vsub.s32 v25, v0;
	v25 =	vld.idx.msk [tilespmem:v26+s3+$0x0], $0xffff  }
0x54: {  	vm1 =	vmand vm1, vm2  }
0x55: {  	s31 =	simm.s32 $0x32;
	v24 =	vld.idx.msk [tilespmem:v24+s3+$0x0], $0xffff;
	v29 =	vmpcnt.ones.xlane vm1  }
0x56: {  	s29 =	simm.s32 $0x31;
	v26 =	vadd.s32 s31, v5  }
0x57: {  	v28 =	vadd.s32 s29, v5;
	s28 =	simm.s32 $0x30;
	s1 =	simm.s32 $0x62;
	(v2sf) =	vpush v29, $0x0  }
.LBB2_7:
0x58: {  	p0 =	seq.s32 s1, $0x1742;
	v29 =	vadd.s32 s28, v5;
	[tilespmem:s0+$0x2F00] =	vst.msk vm1, v25  }
0x59: {  	[tilespmem:s0+$0x3780] =	vst.msk vm1, v27  }
0x5a: {  	[tilespmem:s0+$0x4000] =	vst.msk vm1, v24  }
0x5b: {  	v24 =	vld.idx.msk [tilespmem:v26+s3+$0x0], $0xffff  }
0x5c: {  	v25 =	vld.idx.msk [tilespmem:v28+s3+$0x0], $0xffff  }
0x5d: {  	v26 =	vld.idx.msk [tilespmem:v29+s3+$0x0], $0xffff;
	_ =	sdelay $0x5  }
.Ltmp2:
0x5e: {  	vm1 =	vge.s32 v26, v0;
	vm2 =	vlt.s32 v26, v1;
	v27 =	vsub.s32 v26, v0;
	(pc) =	sbr.rel @!p0 .LBB2_7-.Ltmp2, $4  }
0x5f: {  	vm1 =	vmand vm1, vm2  }
0x60: {  	v29 =	vmpcnt.ones.xlane vm1  }
0x61: {  	s29 =	sadd.s32 $0xFFFFFFFF, s1;
	v26 =	vadd.s32 s1, v5;
	s30 =	spop (v2sf)  }
0x62: {  	s28 =	sadd.s32 $0xFFFFFFFE, s1;
	v28 =	vadd.s32 s29, v5;
	s1 =	sadd.s32 $0x30, s1;
	(v2sf) =	vpush v29, $0x0;
	s0 =	sadd.s32 s0, s30  }
0x63: {  	v29 =	vadd.s32 s28, v5;
	_ =	sdelay $0x1  }
0x64: {  	[tilespmem:s0+$0x2F00] =	vst.msk vm1, v25  }
0x65: {  	[tilespmem:s0+$0x3780] =	vst.msk vm1, v27  }
0x66: {  	[tilespmem:s0+$0x4000] =	vst.msk vm1, v24  }
0x67: {  	v24 =	vld.idx.msk [tilespmem:v29+s3+$0x0], $0xffff;
	_ =	sdelay $0x4  }
0x68: {  	vm1 =	vge.s32 v24, v0;
	vm2 =	vlt.s32 v24, v1  }
0x69: {  	vm1 =	vmand vm1, vm2  }
0x6a: {  	v62 =	vmpcnt.ones.xlane vm1;
	_ =	sdelay $0x1  }
0x6b: {  	(v2sf) =	vpush v62, $0x0;
	_ =	sdelay $0xd  }
0x6c: {  	s1 =	spop (v2sf)  }
0x6d: {  	v63 =	vld.idx.msk [tilespmem:v28+s3+$0x0], $0xffff;
	s5 =	sadd.s32 s0, s1;
	s30 =	spop (v2sf)  }
0x6e: {  	s28 =	sadd.s32 s5, s30  }
0x6f: {  	v26 =	vld.idx.msk [tilespmem:v26+s3+$0x0], $0xffff;
	p0 =	slt.s32 s28, $0x50  }
.Ltmp3:
0x70: {  	_ = 	snop;
	(pc) =	sbr.rel @!p0 .LBB2_17-.Ltmp3, $4  }
0x71: {  	_ = 	snop  }
0x72: {  	v24 =	vsub.s32 v24, v0;
	[tilespmem:s5+$0x2F00] =	vst.msk vm1, v63  }
0x73: {  	[tilespmem:s5+$0x3780] =	vst.msk vm1, v24  }
0x74: {  	s29 =	simm.s32 $0x0;
	s31 =	simm.s32 $0x0;
	s0 =	simm.s32 $0x50;
	[tilespmem:s5+$0x4000] =	vst.msk vm1, v26  }
.Ltmp4:
0x75: {  	(pc) =	sbr.rel .LBB2_10-.Ltmp4, $2  }
0x76: {  	_ =	sdelay $0x2  }
0x77: {  	s31 =	simm.s32 $0x0  }
.LBB2_17:
0x78: {  	v24 =	vld [tilespmem:s31+$0x2F00];
	_ =	sdelay $0x4  }
0x79: {  	v25 =	vshll.u32 v24, $0x1  }
0x7a: {  	v24 =	vand.u32 $0x7, v24;
	v25 =	vand.u32 $0xFFFFFFF0, v25  }
0x7b: {  	v24 =	vor.u32 v24, v25  }
0x7c: {  	v25 =	vperm.xlane v24, v6;
	_ =	sdelay $0x1  }
0x7d: {  	v24 =	vperm.xlane v24, v8;
	v25 =	vadd.s32 v7, v25;
	_ =	sdelay $0x1  }
0x7e: {  	v24 =	vadd.s32 v7, v24;
	_ =	sdelay $0x2  }
0x7f: {  	[tilespmem:s11], [sflag:$0x1] =	stream.indirect_vreg.gather [hbm4b:s2+s29], $0x80, v25, vm0, $0xb8;
	[tilespmem:$0x1D880] =	vst v63  }
0x80: {  	_ = 	snop  }
0x81: {  	[tilespmem:s12], [sflag:$0x1] =	stream.indirect_vreg.gather [hbm4b:s2+s29], $0x80, v24, vm0, $0xb8;
	[tilespmem:$0x1D880] =	vst v63  }
0x82: {  	v24 =	vld [tilespmem:s31+$0x2F10];
	_ =	sdelay $0x4  }
0x83: {  	v25 =	vshll.u32 v24, $0x1  }
0x84: {  	v24 =	vand.u32 $0x7, v24;
	v25 =	vand.u32 $0xFFFFFFF0, v25  }
0x85: {  	v24 =	vor.u32 v24, v25  }
0x86: {  	v25 =	vperm.xlane v24, v6;
	_ =	sdelay $0x1  }
0x87: {  	v24 =	vperm.xlane v24, v8;
	v25 =	vadd.s32 v7, v25;
	_ =	sdelay $0x1  }
0x88: {  	v24 =	vadd.s32 v7, v24;
	_ =	sdelay $0x2  }
0x89: {  	[tilespmem:s13], [sflag:$0x1] =	stream.indirect_vreg.gather [hbm4b:s2+s29], $0x80, v25, vm0, $0xb8;
	[tilespmem:$0x1D880] =	vst v63  }
0x8a: {  	_ = 	snop  }
0x8b: {  	[tilespmem:s14], [sflag:$0x1] =	stream.indirect_vreg.gather [hbm4b:s2+s29], $0x80, v24, vm0, $0xb8;
	[tilespmem:$0x1D880] =	vst v63  }
0x8c: {  	v24 =	vld [tilespmem:s31+$0x2F20];
	_ =	sdelay $0x4  }
0x8d: {  	v25 =	vshll.u32 v24, $0x1  }
0x8e: {  	v24 =	vand.u32 $0x7, v24;
	v25 =	vand.u32 $0xFFFFFFF0, v25  }
0x8f: {  	v24 =	vor.u32 v24, v25  }
0x90: {  	v25 =	vperm.xlane v24, v6;
	_ =	sdelay $0x1  }
0x91: {  	v24 =	vperm.xlane v24, v8;
	v25 =	vadd.s32 v7, v25;
	_ =	sdelay $0x1  }
0x92: {  	v24 =	vadd.s32 v7, v24;
	_ =	sdelay $0x2  }
0x93: {  	[tilespmem:s15], [sflag:$0x1] =	stream.indirect_vreg.gather [hbm4b:s2+s29], $0x80, v25, vm0, $0xb8;
	[tilespmem:$0x1D880] =	vst v63  }
0x94: {  	_ = 	snop  }
0x95: {  	[tilespmem:s16], [sflag:$0x1] =	stream.indirect_vreg.gather [hbm4b:s2+s29], $0x80, v24, vm0, $0xb8;
	[tilespmem:$0x1D880] =	vst v63  }
0x96: {  	v24 =	vld [tilespmem:s31+$0x2F30];
	_ =	sdelay $0x4  }
0x97: {  	v25 =	vshll.u32 v24, $0x1  }
0x98: {  	v24 =	vand.u32 $0x7, v24;
	v25 =	vand.u32 $0xFFFFFFF0, v25  }
0x99: {  	v24 =	vor.u32 v24, v25  }
0x9a: {  	v25 =	vperm.xlane v24, v6;
	_ =	sdelay $0x1  }
0x9b: {  	v24 =	vperm.xlane v24, v8;
	v25 =	vadd.s32 v7, v25;
	_ =	sdelay $0x1  }
0x9c: {  	v24 =	vadd.s32 v7, v24;
	_ =	sdelay $0x2  }
0x9d: {  	[tilespmem:s17], [sflag:$0x1] =	stream.indirect_vreg.gather [hbm4b:s2+s29], $0x80, v25, vm0, $0xb8;
	[tilespmem:$0x1D880] =	vst v63  }
0x9e: {  	_ = 	snop  }
0x9f: {  	[tilespmem:s18], [sflag:$0x1] =	stream.indirect_vreg.gather [hbm4b:s2+s29], $0x80, v24, vm0, $0xb8;
	[tilespmem:$0x1D880] =	vst v63  }
0xa0: {  	v24 =	vld [tilespmem:s31+$0x2F40];
	_ =	sdelay $0x4  }
0xa1: {  	v25 =	vshll.u32 v24, $0x1  }
0xa2: {  	v24 =	vand.u32 $0x7, v24;
	v25 =	vand.u32 $0xFFFFFFF0, v25  }
0xa3: {  	v24 =	vor.u32 v24, v25  }
0xa4: {  	v25 =	vperm.xlane v24, v6;
	_ =	sdelay $0x1  }
0xa5: {  	v24 =	vperm.xlane v24, v8;
	v25 =	vadd.s32 v7, v25;
	_ =	sdelay $0x1  }
0xa6: {  	v24 =	vadd.s32 v7, v24;
	_ =	sdelay $0x1  }
0xa7: {  	s1 =	sadd.s32 $0x0, s31  }
0xa8: {  	[tilespmem:s19], [sflag:$0x1] =	stream.indirect_vreg.gather [hbm4b:s2+s29], $0x80, v25, vm0, $0xb8;
	[tilespmem:$0x1D880] =	vst v63  }
0xa9: {  	v25 =	vmov s1  }
0xaa: {  	[tilespmem:s20], [sflag:$0x1] =	stream.indirect_vreg.gather [hbm4b:s2+s29], $0x80, v24, vm0, $0xb8;
	[tilespmem:$0x1D880] =	vst v63  }
0xab: {  	v24 =	vmov s29;
	_ =	swait.ge [sflag:s10], $0x5000  }
0xac: {  	v26 =	vshll.u32 v24, $0x8;
	v24 =	vshll.u32 v24, $0x7;
	[sflag:s10] =	ssyncset.done $0x0  }
0xad: {  	v26 =	vand.u32 $0x7800, v26;
	v24 =	vand.u32 $0x380, v24;
	[sflag:s10] =	ssyncadd.s32 $0xFFFFB000  }
0xae: {  	v24 =	vor.u32 v24, v26;
	v26 =	vld.idx.msk [tilespmem:v25+s22+$0x0], $0xffff  }
0xaf: {  	v27 =	vor.u32 v4, v24;
	_ =	sdelay $0x3  }
0xb0: {  	v25 =	vld.idx.msk [tilespmem:v25+s21+$0x0], $0xffff;
	v28 =	vshll.u32 v26, $0x8;
	v26 =	vshll.u32 v26, $0x7  }
0xb1: {  	v27 =	vld.idx.msk [tilespmem:v27+s11+$0x0], $0xffff;
	v28 =	vand.u32 $0xFFFFF800, v28;
	v26 =	vand.u32 $0x380, v26  }
0xb2: {  	v26 =	vor.u32 v26, v28  }
0xb3: {  	v28 =	vor.u32 v4, v26  }
0xb4: {  	v29 =	vor.u32 v9, v24;
	_ =	sdelay $0x1  }
0xb5: {  	v27 =	vmul.f32 v27, v25;
	_ =	sdelay $0x1  }
0xb6: {  	[tilespmem:v28+s23+$0x0] =	vst.idx.add.f32.msk $0xffff, v27  }
0xb7: {  	v27 =	vld.idx.msk [tilespmem:v29+s11+$0x0], $0xffff;
	_ =	sdelay $0x1  }
0xb8: {  	v28 =	vor.u32 v9, v26  }
0xb9: {  	v29 =	vor.u32 v10, v24;
	_ =	sdelay $0x1  }
0xba: {  	v27 =	vmul.f32 v27, v25;
	_ =	sdelay $0x1  }
0xbb: {  	[tilespmem:v28+s23+$0x0] =	vst.idx.add.f32.msk $0xffff, v27  }
0xbc: {  	v27 =	vld.idx.msk [tilespmem:v29+s11+$0x0], $0xffff;
	_ =	sdelay $0x1  }
0xbd: {  	v28 =	vor.u32 v10, v26  }
0xbe: {  	v29 =	vor.u32 v11, v24;
	_ =	sdelay $0x1  }
0xbf: {  	v27 =	vmul.f32 v27, v25;
	_ =	sdelay $0x1  }
0xc0: {  	[tilespmem:v28+s23+$0x0] =	vst.idx.add.f32.msk $0xffff, v27  }
0xc1: {  	v27 =	vld.idx.msk [tilespmem:v29+s11+$0x0], $0xffff;
	_ =	sdelay $0x1  }
0xc2: {  	v28 =	vor.u32 v11, v26  }
0xc3: {  	v29 =	vor.u32 v12, v24;
	_ =	sdelay $0x1  }
0xc4: {  	v27 =	vmul.f32 v27, v25;
	_ =	sdelay $0x1  }
0xc5: {  	[tilespmem:v28+s23+$0x0] =	vst.idx.add.f32.msk $0xffff, v27  }
0xc6: {  	v27 =	vld.idx.msk [tilespmem:v29+s11+$0x0], $0xffff;
	_ =	sdelay $0x1  }
0xc7: {  	v28 =	vor.u32 v12, v26  }
0xc8: {  	v29 =	vor.u32 v13, v24;
	_ =	sdelay $0x1  }
0xc9: {  	v27 =	vmul.f32 v27, v25;
	_ =	sdelay $0x1  }
0xca: {  	[tilespmem:v28+s23+$0x0] =	vst.idx.add.f32.msk $0xffff, v27  }
0xcb: {  	v27 =	vld.idx.msk [tilespmem:v29+s11+$0x0], $0xffff;
	_ =	sdelay $0x1  }
0xcc: {  	v28 =	vor.u32 v13, v26  }
0xcd: {  	v29 =	vor.u32 v14, v24;
	_ =	sdelay $0x1  }
0xce: {  	v27 =	vmul.f32 v27, v25;
	_ =	sdelay $0x1  }
0xcf: {  	[tilespmem:v28+s23+$0x0] =	vst.idx.add.f32.msk $0xffff, v27  }
0xd0: {  	v27 =	vld.idx.msk [tilespmem:v29+s11+$0x0], $0xffff;
	_ =	sdelay $0x1  }
0xd1: {  	v28 =	vor.u32 v14, v26  }
0xd2: {  	v29 =	vor.u32 v15, v24;
	_ =	sdelay $0x1  }
0xd3: {  	v27 =	vmul.f32 v27, v25;
	_ =	sdelay $0x1  }
0xd4: {  	[tilespmem:v28+s23+$0x0] =	vst.idx.add.f32.msk $0xffff, v27  }
0xd5: {  	v27 =	vld.idx.msk [tilespmem:v29+s11+$0x0], $0xffff;
	_ =	sdelay $0x1  }
0xd6: {  	v28 =	vor.u32 v15, v26  }
0xd7: {  	v29 =	vor.u32 v16, v24;
	_ =	sdelay $0x1  }
0xd8: {  	v27 =	vmul.f32 v27, v25;
	_ =	sdelay $0x1  }
0xd9: {  	[tilespmem:v28+s23+$0x0] =	vst.idx.add.f32.msk $0xffff, v27  }
0xda: {  	v27 =	vld.idx.msk [tilespmem:v29+s11+$0x0], $0xffff;
	_ =	sdelay $0x1  }
0xdb: {  	v28 =	vor.u32 v16, v26  }
0xdc: {  	v29 =	vor.u32 v17, v24;
	_ =	sdelay $0x1  }
0xdd: {  	v27 =	vmul.f32 v27, v25;
	_ =	sdelay $0x1  }
0xde: {  	[tilespmem:v28+s23+$0x0] =	vst.idx.add.f32.msk $0xffff, v27  }
0xdf: {  	v27 =	vld.idx.msk [tilespmem:v29+s11+$0x0], $0xffff;
	_ =	sdelay $0x1  }
0xe0: {  	v28 =	vor.u32 v17, v26  }
0xe1: {  	v29 =	vor.u32 v18, v24;
	_ =	sdelay $0x1  }
0xe2: {  	v27 =	vmul.f32 v27, v25;
	_ =	sdelay $0x1  }
0xe3: {  	[tilespmem:v28+s23+$0x0] =	vst.idx.add.f32.msk $0xffff, v27  }
0xe4: {  	v27 =	vld.idx.msk [tilespmem:v29+s11+$0x0], $0xffff;
	_ =	sdelay $0x1  }
0xe5: {  	v28 =	vor.u32 v18, v26  }
0xe6: {  	v29 =	vor.u32 v19, v24;
	_ =	sdelay $0x1  }
0xe7: {  	v27 =	vmul.f32 v27, v25;
	_ =	sdelay $0x1  }
0xe8: {  	[tilespmem:v28+s23+$0x0] =	vst.idx.add.f32.msk $0xffff, v27  }
0xe9: {  	v27 =	vld.idx.msk [tilespmem:v29+s11+$0x0], $0xffff;
	_ =	sdelay $0x1  }
0xea: {  	v28 =	vor.u32 v19, v26  }
0xeb: {  	v29 =	vor.u32 v20, v24;
	_ =	sdelay $0x1  }
0xec: {  	v27 =	vmul.f32 v27, v25;
	_ =	sdelay $0x1  }
0xed: {  	[tilespmem:v28+s23+$0x0] =	vst.idx.add.f32.msk $0xffff, v27  }
0xee: {  	v27 =	vld.idx.msk [tilespmem:v29+s11+$0x0], $0xffff;
	_ =	sdelay $0x1  }
0xef: {  	v28 =	vor.u32 v20, v26  }
0xf0: {  	v29 =	vor.u32 v21, v24;
	_ =	sdelay $0x1  }
0xf1: {  	v27 =	vmul.f32 v27, v25;
	_ =	sdelay $0x1  }
0xf2: {  	[tilespmem:v28+s23+$0x0] =	vst.idx.add.f32.msk $0xffff, v27  }
0xf3: {  	v27 =	vld.idx.msk [tilespmem:v29+s11+$0x0], $0xffff;
	_ =	sdelay $0x1  }
0xf4: {  	v28 =	vor.u32 v21, v26  }
0xf5: {  	v29 =	vor.u32 v22, v24;
	_ =	sdelay $0x1  }
0xf6: {  	v27 =	vmul.f32 v27, v25;
	_ =	sdelay $0x1  }
0xf7: {  	[tilespmem:v28+s23+$0x0] =	vst.idx.add.f32.msk $0xffff, v27  }
0xf8: {  	v27 =	vld.idx.msk [tilespmem:v29+s11+$0x0], $0xffff;
	_ =	sdelay $0x1  }
0xf9: {  	v28 =	vor.u32 v22, v26  }
0xfa: {  	v24 =	vor.u32 v23, v24;
	_ =	sdelay $0x1  }
0xfb: {  	v27 =	vmul.f32 v27, v25;
	_ =	sdelay $0x1  }
0xfc: {  	[tilespmem:v28+s23+$0x0] =	vst.idx.add.f32.msk $0xffff, v27  }
0xfd: {  	v24 =	vld.idx.msk [tilespmem:v24+s11+$0x0], $0xffff;
	_ =	sdelay $0x1  }
0xfe: {  	s30 =	smov.u32 s31;
	s31 =	sadd.s32 $0x1, s31;
	v27 =	vor.u32 v23, v26  }
0xff: {  	s5 =	simm.s32 $0x1;
	v26 =	vmov s31  }
0x100: {  	v28 =	vmov s5  }
0x101: {  	v29 =	vshll.u32 v28, $0x8;
	v28 =	vshll.u32 v28, $0x7;
	v24 =	vmul.f32 v24, v25  }
0x102: {  	s1 =	simm.s32 $0x2;
	s31 =	smov.u32 s0;
	v28 =	vand.u32 $0x380, v28;
	v25 =	vand.u32 $0x7800, v29  }
.LBB2_18:
0x103: {  	p0 =	seq.s32 s1, $0x4F;
	v25 =	vor.u32 v28, v25;
	[tilespmem:v27+s23+$0x0] =	vst.idx.add.f32.msk $0xffff, v24;
	s0 =	smov.u32 s1;
	s1 =	sadd.s32 $0x1, s1  }
0x104: {  	v27 =	vld.idx.msk [tilespmem:v26+s22+$0x0], $0xffff;
	v24 =	vor.u32 v4, v25;
	_ =	sdelay $0x4  }
0x105: {  	v28 =	vld.idx.msk [tilespmem:v24+s11+$0x0], $0xffff  }
0x106: {  	v24 =	vld.idx.msk [tilespmem:v26+s21+$0x0], $0xffff;
	v26 =	vshll.u32 v27, $0x8;
	v27 =	vshll.u32 v27, $0x7  }
0x107: {  	v26 =	vand.u32 $0xFFFFF800, v26;
	v27 =	vand.u32 $0x380, v27  }
0x108: {  	v26 =	vor.u32 v27, v26  }
0x109: {  	v27 =	vor.u32 v4, v26  }
0x10a: {  	v29 =	vor.u32 v9, v25;
	_ =	sdelay $0x1  }
0x10b: {  	v28 =	vmul.f32 v28, v24;
	_ =	sdelay $0x1  }
0x10c: {  	[tilespmem:v27+s23+$0x0] =	vst.idx.add.f32.msk $0xffff, v28  }
0x10d: {  	v27 =	vld.idx.msk [tilespmem:v29+s11+$0x0], $0xffff;
	_ =	sdelay $0x2  }
0x10e: {  	v28 =	vor.u32 v9, v26  }
0x10f: {  	v29 =	vor.u32 v10, v25;
	_ =	sdelay $0x1  }
0x110: {  	v27 =	vmul.f32 v27, v24;
	_ =	sdelay $0x1  }
0x111: {  	[tilespmem:v28+s23+$0x0] =	vst.idx.add.f32.msk $0xffff, v27  }
0x112: {  	v27 =	vld.idx.msk [tilespmem:v29+s11+$0x0], $0xffff;
	_ =	sdelay $0x2  }
0x113: {  	v28 =	vor.u32 v10, v26  }
0x114: {  	v29 =	vor.u32 v11, v25;
	_ =	sdelay $0x1  }
0x115: {  	v27 =	vmul.f32 v27, v24;
	_ =	sdelay $0x1  }
0x116: {  	[tilespmem:v28+s23+$0x0] =	vst.idx.add.f32.msk $0xffff, v27  }
0x117: {  	v27 =	vld.idx.msk [tilespmem:v29+s11+$0x0], $0xffff;
	_ =	sdelay $0x2  }
0x118: {  	v28 =	vor.u32 v11, v26  }
0x119: {  	v29 =	vor.u32 v12, v25;
	_ =	sdelay $0x1  }
0x11a: {  	v27 =	vmul.f32 v27, v24;
	_ =	sdelay $0x1  }
0x11b: {  	[tilespmem:v28+s23+$0x0] =	vst.idx.add.f32.msk $0xffff, v27  }
0x11c: {  	v27 =	vld.idx.msk [tilespmem:v29+s11+$0x0], $0xffff;
	_ =	sdelay $0x2  }
0x11d: {  	v28 =	vor.u32 v12, v26  }
0x11e: {  	v29 =	vor.u32 v13, v25;
	_ =	sdelay $0x1  }
0x11f: {  	v27 =	vmul.f32 v27, v24;
	_ =	sdelay $0x1  }
0x120: {  	[tilespmem:v28+s23+$0x0] =	vst.idx.add.f32.msk $0xffff, v27  }
0x121: {  	v27 =	vld.idx.msk [tilespmem:v29+s11+$0x0], $0xffff;
	_ =	sdelay $0x2  }
0x122: {  	v28 =	vor.u32 v13, v26  }
0x123: {  	v29 =	vor.u32 v14, v25;
	_ =	sdelay $0x1  }
0x124: {  	v27 =	vmul.f32 v27, v24;
	_ =	sdelay $0x1  }
0x125: {  	[tilespmem:v28+s23+$0x0] =	vst.idx.add.f32.msk $0xffff, v27  }
0x126: {  	v27 =	vld.idx.msk [tilespmem:v29+s11+$0x0], $0xffff;
	_ =	sdelay $0x2  }
0x127: {  	v28 =	vor.u32 v14, v26  }
0x128: {  	v29 =	vor.u32 v15, v25;
	_ =	sdelay $0x1  }
0x129: {  	v27 =	vmul.f32 v27, v24;
	_ =	sdelay $0x1  }
0x12a: {  	[tilespmem:v28+s23+$0x0] =	vst.idx.add.f32.msk $0xffff, v27  }
0x12b: {  	v27 =	vld.idx.msk [tilespmem:v29+s11+$0x0], $0xffff;
	_ =	sdelay $0x2  }
0x12c: {  	v28 =	vor.u32 v15, v26  }
0x12d: {  	v29 =	vor.u32 v16, v25;
	_ =	sdelay $0x1  }
0x12e: {  	v27 =	vmul.f32 v27, v24;
	_ =	sdelay $0x1  }
0x12f: {  	[tilespmem:v28+s23+$0x0] =	vst.idx.add.f32.msk $0xffff, v27  }
0x130: {  	v27 =	vld.idx.msk [tilespmem:v29+s11+$0x0], $0xffff;
	_ =	sdelay $0x2  }
0x131: {  	v28 =	vor.u32 v16, v26  }
0x132: {  	v29 =	vor.u32 v17, v25;
	_ =	sdelay $0x1  }
0x133: {  	v27 =	vmul.f32 v27, v24;
	_ =	sdelay $0x1  }
0x134: {  	[tilespmem:v28+s23+$0x0] =	vst.idx.add.f32.msk $0xffff, v27  }
0x135: {  	v27 =	vld.idx.msk [tilespmem:v29+s11+$0x0], $0xffff;
	_ =	sdelay $0x2  }
0x136: {  	v28 =	vor.u32 v17, v26  }
0x137: {  	v29 =	vor.u32 v18, v25;
	_ =	sdelay $0x1  }
0x138: {  	v27 =	vmul.f32 v27, v24;
	_ =	sdelay $0x1  }
0x139: {  	[tilespmem:v28+s23+$0x0] =	vst.idx.add.f32.msk $0xffff, v27  }
0x13a: {  	v27 =	vld.idx.msk [tilespmem:v29+s11+$0x0], $0xffff;
	_ =	sdelay $0x2  }
0x13b: {  	v28 =	vor.u32 v18, v26  }
0x13c: {  	v29 =	vor.u32 v19, v25;
	_ =	sdelay $0x1  }
0x13d: {  	v27 =	vmul.f32 v27, v24;
	_ =	sdelay $0x1  }
0x13e: {  	[tilespmem:v28+s23+$0x0] =	vst.idx.add.f32.msk $0xffff, v27  }
0x13f: {  	v27 =	vld.idx.msk [tilespmem:v29+s11+$0x0], $0xffff;
	_ =	sdelay $0x2  }
0x140: {  	v28 =	vor.u32 v19, v26  }
0x141: {  	v29 =	vor.u32 v20, v25;
	_ =	sdelay $0x1  }
0x142: {  	v27 =	vmul.f32 v27, v24;
	_ =	sdelay $0x1  }
0x143: {  	[tilespmem:v28+s23+$0x0] =	vst.idx.add.f32.msk $0xffff, v27  }
0x144: {  	v27 =	vld.idx.msk [tilespmem:v29+s11+$0x0], $0xffff;
	_ =	sdelay $0x2  }
0x145: {  	v28 =	vor.u32 v20, v26  }
0x146: {  	v29 =	vor.u32 v21, v25;
	_ =	sdelay $0x1  }
0x147: {  	v27 =	vmul.f32 v27, v24;
	_ =	sdelay $0x1  }
0x148: {  	[tilespmem:v28+s23+$0x0] =	vst.idx.add.f32.msk $0xffff, v27  }
0x149: {  	v27 =	vld.idx.msk [tilespmem:v29+s11+$0x0], $0xffff;
	_ =	sdelay $0x2  }
0x14a: {  	v28 =	vor.u32 v21, v26  }
0x14b: {  	v29 =	vor.u32 v22, v25;
	_ =	sdelay $0x1  }
0x14c: {  	v27 =	vmul.f32 v27, v24;
	_ =	sdelay $0x1  }
0x14d: {  	[tilespmem:v28+s23+$0x0] =	vst.idx.add.f32.msk $0xffff, v27  }
0x14e: {  	v27 =	vld.idx.msk [tilespmem:v29+s11+$0x0], $0xffff;
	_ =	sdelay $0x2  }
0x14f: {  	v28 =	vor.u32 v22, v26  }
0x150: {  	v25 =	vor.u32 v23, v25;
	_ =	sdelay $0x1  }
0x151: {  	v27 =	vmul.f32 v27, v24;
	_ =	sdelay $0x1  }
0x152: {  	[tilespmem:v28+s23+$0x0] =	vst.idx.add.f32.msk $0xffff, v27  }
0x153: {  	v25 =	vld.idx.msk [tilespmem:v25+s11+$0x0], $0xffff;
	_ =	sdelay $0x2  }
.Ltmp5:
0x154: {  	s5 =	sadd.s32 s30, s0;
	v27 =	vor.u32 v23, v26;
	(pc) =	sbr.rel @!p0 .LBB2_18-.Ltmp5, $4  }
0x155: {  	v26 =	vmov s5  }
0x156: {  	v28 =	vmov s0  }
0x157: {  	v29 =	vshll.u32 v28, $0x8;
	v28 =	vshll.u32 v28, $0x7;
	v24 =	vmul.f32 v25, v24  }
0x158: {  	v28 =	vand.u32 $0x380, v28;
	v25 =	vand.u32 $0x7800, v29  }
0x159: {  	_ =	sdelay $0x3  }
0x15a: {  	[tilespmem:v27+s23+$0x0] =	vst.idx.add.f32.msk $0xffff, v24  }
0x15b: {  	v25 =	vor.u32 v28, v25;
	v24 =	vld.idx.msk [tilespmem:v26+s22+$0x0], $0xffff  }
0x15c: {  	v34 =	vor.u32 v4, v25;
	_ =	sdelay $0x3  }
0x15d: {  	v36 =	vld.idx.msk [tilespmem:v26+s21+$0x0], $0xffff;
	v35 =	vshll.u32 v24, $0x8;
	v24 =	vshll.u32 v24, $0x7  }
0x15e: {  	v27 =	vld.idx.msk [tilespmem:v34+s11+$0x0], $0xffff;
	v28 =	vand.u32 $0xFFFFF800, v35;
	v24 =	vand.u32 $0x380, v24  }
0x15f: {  	v24 =	vor.u32 v24, v28  }
0x160: {  	v28 =	vor.u32 v4, v24  }
0x161: {  	v29 =	vor.u32 v9, v25;
	_ =	sdelay $0x1  }
0x162: {  	v27 =	vmul.f32 v27, v36;
	_ =	sdelay $0x1  }
0x163: {  	[tilespmem:v28+s23+$0x0] =	vst.idx.add.f32.msk $0xffff, v27  }
0x164: {  	v27 =	vld.idx.msk [tilespmem:v29+s11+$0x0], $0xffff;
	_ =	sdelay $0x1  }
0x165: {  	v37 =	vor.u32 v9, v24  }
0x166: {  	v38 =	vor.u32 v10, v25;
	_ =	sdelay $0x1  }
0x167: {  	v27 =	vmul.f32 v27, v36;
	_ =	sdelay $0x1  }
0x168: {  	[tilespmem:v37+s23+$0x0] =	vst.idx.add.f32.msk $0xffff, v27  }
0x169: {  	v27 =	vld.idx.msk [tilespmem:v38+s11+$0x0], $0xffff;
	_ =	sdelay $0x1  }
0x16a: {  	v39 =	vor.u32 v10, v24  }
0x16b: {  	v40 =	vor.u32 v11, v25;
	_ =	sdelay $0x1  }
0x16c: {  	v27 =	vmul.f32 v27, v36;
	_ =	sdelay $0x1  }
0x16d: {  	[tilespmem:v39+s23+$0x0] =	vst.idx.add.f32.msk $0xffff, v27  }
0x16e: {  	v27 =	vld.idx.msk [tilespmem:v40+s11+$0x0], $0xffff;
	_ =	sdelay $0x1  }
0x16f: {  	v41 =	vor.u32 v11, v24  }
0x170: {  	v42 =	vor.u32 v12, v25;
	_ =	sdelay $0x1  }
0x171: {  	v27 =	vmul.f32 v27, v36;
	_ =	sdelay $0x1  }
0x172: {  	[tilespmem:v41+s23+$0x0] =	vst.idx.add.f32.msk $0xffff, v27  }
0x173: {  	v27 =	vld.idx.msk [tilespmem:v42+s11+$0x0], $0xffff;
	_ =	sdelay $0x1  }
0x174: {  	v43 =	vor.u32 v12, v24  }
0x175: {  	v44 =	vor.u32 v13, v25;
	_ =	sdelay $0x1  }
0x176: {  	v27 =	vmul.f32 v27, v36;
	_ =	sdelay $0x1  }
0x177: {  	[tilespmem:v43+s23+$0x0] =	vst.idx.add.f32.msk $0xffff, v27  }
0x178: {  	v27 =	vld.idx.msk [tilespmem:v44+s11+$0x0], $0xffff;
	_ =	sdelay $0x1  }
0x179: {  	v45 =	vor.u32 v13, v24  }
0x17a: {  	v46 =	vor.u32 v14, v25;
	_ =	sdelay $0x1  }
0x17b: {  	v27 =	vmul.f32 v27, v36;
	_ =	sdelay $0x1  }
0x17c: {  	[tilespmem:v45+s23+$0x0] =	vst.idx.add.f32.msk $0xffff, v27  }
0x17d: {  	v27 =	vld.idx.msk [tilespmem:v46+s11+$0x0], $0xffff;
	_ =	sdelay $0x1  }
0x17e: {  	v47 =	vor.u32 v14, v24  }
0x17f: {  	v48 =	vor.u32 v15, v25;
	_ =	sdelay $0x1  }
0x180: {  	v27 =	vmul.f32 v27, v36;
	_ =	sdelay $0x1  }
0x181: {  	[tilespmem:v47+s23+$0x0] =	vst.idx.add.f32.msk $0xffff, v27  }
0x182: {  	v27 =	vld.idx.msk [tilespmem:v48+s11+$0x0], $0xffff;
	_ =	sdelay $0x1  }
0x183: {  	v49 =	vor.u32 v15, v24  }
0x184: {  	v50 =	vor.u32 v16, v25;
	_ =	sdelay $0x1  }
0x185: {  	v27 =	vmul.f32 v27, v36;
	_ =	sdelay $0x1  }
0x186: {  	[tilespmem:v49+s23+$0x0] =	vst.idx.add.f32.msk $0xffff, v27  }
0x187: {  	v27 =	vld.idx.msk [tilespmem:v50+s11+$0x0], $0xffff;
	_ =	sdelay $0x1  }
0x188: {  	v51 =	vor.u32 v16, v24  }
0x189: {  	v52 =	vor.u32 v17, v25;
	_ =	sdelay $0x1  }
0x18a: {  	v27 =	vmul.f32 v27, v36;
	_ =	sdelay $0x1  }
0x18b: {  	[tilespmem:v51+s23+$0x0] =	vst.idx.add.f32.msk $0xffff, v27  }
0x18c: {  	v27 =	vld.idx.msk [tilespmem:v52+s11+$0x0], $0xffff;
	_ =	sdelay $0x1  }
0x18d: {  	v53 =	vor.u32 v17, v24  }
0x18e: {  	v54 =	vor.u32 v18, v25;
	_ =	sdelay $0x1  }
0x18f: {  	v27 =	vmul.f32 v27, v36;
	_ =	sdelay $0x1  }
0x190: {  	[tilespmem:v53+s23+$0x0] =	vst.idx.add.f32.msk $0xffff, v27  }
0x191: {  	v27 =	vld.idx.msk [tilespmem:v54+s11+$0x0], $0xffff;
	_ =	sdelay $0x1  }
0x192: {  	v55 =	vor.u32 v18, v24  }
0x193: {  	v56 =	vor.u32 v19, v25;
	_ =	sdelay $0x1  }
0x194: {  	v27 =	vmul.f32 v27, v36;
	_ =	sdelay $0x1  }
0x195: {  	[tilespmem:v55+s23+$0x0] =	vst.idx.add.f32.msk $0xffff, v27  }
0x196: {  	v27 =	vld.idx.msk [tilespmem:v56+s11+$0x0], $0xffff;
	_ =	sdelay $0x1  }
0x197: {  	v57 =	vor.u32 v19, v24  }
0x198: {  	v58 =	vor.u32 v20, v25;
	_ =	sdelay $0x1  }
0x199: {  	v27 =	vmul.f32 v27, v36;
	_ =	sdelay $0x1  }
0x19a: {  	[tilespmem:v57+s23+$0x0] =	vst.idx.add.f32.msk $0xffff, v27  }
0x19b: {  	v27 =	vld.idx.msk [tilespmem:v58+s11+$0x0], $0xffff;
	_ =	sdelay $0x1  }
0x19c: {  	v59 =	vor.u32 v20, v24  }
0x19d: {  	v60 =	vor.u32 v21, v25;
	_ =	sdelay $0x1  }
0x19e: {  	v27 =	vmul.f32 v27, v36;
	_ =	sdelay $0x1  }
0x19f: {  	[tilespmem:v59+s23+$0x0] =	vst.idx.add.f32.msk $0xffff, v27  }
0x1a0: {  	v27 =	vld.idx.msk [tilespmem:v60+s11+$0x0], $0xffff;
	_ =	sdelay $0x1  }
0x1a1: {  	v61 =	vor.u32 v21, v24  }
0x1a2: {  	v62 =	vor.u32 v22, v25;
	_ =	sdelay $0x1  }
0x1a3: {  	v27 =	vmul.f32 v27, v36;
	_ =	sdelay $0x1  }
0x1a4: {  	[tilespmem:v61+s23+$0x0] =	vst.idx.add.f32.msk $0xffff, v27  }
0x1a5: {  	v27 =	vld.idx.msk [tilespmem:v62+s11+$0x0], $0xffff;
	_ =	sdelay $0x1  }
0x1a6: {  	v63 =	vor.u32 v22, v24  }
0x1a7: {  	v25 =	vor.u32 v23, v25;
	_ =	sdelay $0x1  }
0x1a8: {  	v27 =	vmul.f32 v27, v36;
	_ =	sdelay $0x1  }
0x1a9: {  	[tilespmem:v63+s23+$0x0] =	vst.idx.add.f32.msk $0xffff, v27  }
0x1aa: {  	v25 =	vld.idx.msk [tilespmem:v25+s11+$0x0], $0xffff;
	_ =	sdelay $0x1  }
0x1ab: {  	v24 =	vor.u32 v23, v24;
	_ =	sdelay $0x2  }
0x1ac: {  	v25 =	vmul.f32 v25, v36;
	_ =	sdelay $0x1  }
0x1ad: {  	[tilespmem:v24+s23+$0x0] =	vst.idx.add.f32.msk $0xffff, v25  }
0x1ae: {  	s0 =	sadd.s32 $0x50, s31  }
0x1af: {  	p0 =	sgt.s32 s0, s28  }
.Ltmp6:
0x1b0: {  	_ = 	snop;
	(pc) =	sbr.rel @!p0 .LBB2_17-.Ltmp6, $1  }
0x1b1: {  	_ =	sdelay $0x3  }
.LBB2_10:
0x1b2: {  	v24 =	vld [tilespmem:s31+$0x2F00];
	_ =	sdelay $0x4  }
0x1b3: {  	[tilespmem:$0x2F00] =	vst v24  }
0x1b4: {  	v24 =	vld [tilespmem:s31+$0x3780];
	_ =	sdelay $0x4  }
0x1b5: {  	[tilespmem:$0x3780] =	vst v24  }
0x1b6: {  	v24 =	vld [tilespmem:s31+$0x4000];
	_ =	sdelay $0x4  }
0x1b7: {  	[tilespmem:$0x4000] =	vst v24  }
0x1b8: {  	v24 =	vld [tilespmem:s31+$0x2F10];
	_ =	sdelay $0x4  }
0x1b9: {  	[tilespmem:$0x2F10] =	vst v24  }
0x1ba: {  	v24 =	vld [tilespmem:s31+$0x3790];
	_ =	sdelay $0x4  }
0x1bb: {  	[tilespmem:$0x3790] =	vst v24  }
0x1bc: {  	v24 =	vld [tilespmem:s31+$0x4010];
	_ =	sdelay $0x4  }
0x1bd: {  	[tilespmem:$0x4010] =	vst v24  }
0x1be: {  	v24 =	vld [tilespmem:s31+$0x2F20];
	_ =	sdelay $0x4  }
0x1bf: {  	[tilespmem:$0x2F20] =	vst v24  }
0x1c0: {  	v24 =	vld [tilespmem:s31+$0x37A0];
	_ =	sdelay $0x4  }
0x1c1: {  	[tilespmem:$0x37A0] =	vst v24  }
0x1c2: {  	v24 =	vld [tilespmem:s31+$0x4020];
	_ =	sdelay $0x4  }
0x1c3: {  	[tilespmem:$0x4020] =	vst v24  }
0x1c4: {  	v24 =	vld [tilespmem:s31+$0x2F30];
	_ =	sdelay $0x4  }
0x1c5: {  	[tilespmem:$0x2F30] =	vst v24  }
0x1c6: {  	v24 =	vld [tilespmem:s31+$0x37B0];
	_ =	sdelay $0x4  }
0x1c7: {  	[tilespmem:$0x37B0] =	vst v24  }
0x1c8: {  	v24 =	vld [tilespmem:s31+$0x4030];
	_ =	sdelay $0x4  }
0x1c9: {  	[tilespmem:$0x4030] =	vst v24  }
0x1ca: {  	v24 =	vld [tilespmem:s31+$0x2F40];
	_ =	sdelay $0x4  }
0x1cb: {  	[tilespmem:$0x2F40] =	vst v24  }
0x1cc: {  	v24 =	vld [tilespmem:s31+$0x37C0];
	_ =	sdelay $0x4  }
0x1cd: {  	[tilespmem:$0x37C0] =	vst v24  }
0x1ce: {  	v24 =	vld [tilespmem:s31+$0x4040];
	_ =	sdelay $0x4  }
0x1cf: {  	[tilespmem:$0x4040] =	vst v24  }
0x1d0: {  	v24 =	vld [tilespmem:s0+$0x2F00];
	_ =	sdelay $0x4  }
0x1d1: {  	[tilespmem:$0x2F50] =	vst v24  }
0x1d2: {  	v24 =	vld [tilespmem:s0+$0x3780];
	_ =	sdelay $0x4  }
0x1d3: {  	[tilespmem:$0x37D0] =	vst v24  }
0x1d4: {  	p0 =	seq.s32 s26, $0x27;
	v24 =	vld [tilespmem:s0+$0x4000]  }
0x1d5: {  	s0 =	smul.u32 @!p0 $0x2EE0, s26;
	_ =	sdelay $0x1  }
0x1d6: {  	s0 =	sshrl.u32 @!p0 s0, $0x3  }
0x1d7: {  	s5 =	simm.s32 $0x0;
	s0 =	sadd.s32 @!p0 s4, s0  }
0x1d8: {  	s1 =	simm.s32 @!p0 $0x0;
	s0 =	sadd.s32 @!p0 $0x5DC, s0;
	[tilespmem:$0x4050] =	vst v24;
	v24 =	vadd.s32 s5, v5  }
0x1d9: {  	[tilespmem:s1], [sflag:$0x2] =	stream.linear.gather @!p0 [hbm4b:s0+s1], $0x1770, $0x38;
	[tilespmem:$0x1D880] =	vst v63  }
0x1da: {  	_ =	swait.ge [sflag:s9], $0x1770  }
0x1db: {  	[sflag:s9] =	ssyncset.done $0x0  }
0x1dc: {  	s29 =	simm.s32 $0x1;
	[sflag:s9] =	ssyncadd.s32 $0xFFFFE890  }
0x1dd: {  	v26 =	vadd.s32 s29, v5;
	v25 =	vld.idx.msk [tilespmem:v24+s8+$0x0], $0xffff  }
0x1de: {  	s0 =	ssub.s32 s28, s31;
	s31 =	simm.s32 $0x2  }
0x1df: {  	v24 =	vadd.s32 s31, v5;
	_ =	sdelay $0x2  }
0x1e0: {  	vm1 =	vge.s32 v25, v0;
	vm2 =	vlt.s32 v25, v1;
	v27 =	vsub.s32 v25, v0;
	v25 =	vld.idx.msk [tilespmem:v26+s8+$0x0], $0xffff  }
0x1e1: {  	vm1 =	vmand vm1, vm2  }
0x1e2: {  	s30 =	simm.s32 $0x32;
	v24 =	vld.idx.msk [tilespmem:v24+s8+$0x0], $0xffff;
	v29 =	vmpcnt.ones.xlane vm1  }
0x1e3: {  	s31 =	simm.s32 $0x31;
	v26 =	vadd.s32 s30, v5  }
0x1e4: {  	s28 =	simm.s32 $0x30;
	s1 =	simm.s32 $0x62;
	v28 =	vadd.s32 s31, v5;
	(v2sf) =	vpush v29, $0x0  }
.LBB2_11:
0x1e5: {  	p1 =	seq.s32 s1, $0x1742;
	v29 =	vadd.s32 s28, v5;
	[tilespmem:s0+$0x2F00] =	vst.msk vm1, v25  }
0x1e6: {  	[tilespmem:s0+$0x3780] =	vst.msk vm1, v27  }
0x1e7: {  	[tilespmem:s0+$0x4000] =	vst.msk vm1, v24  }
0x1e8: {  	v24 =	vld.idx.msk [tilespmem:v26+s8+$0x0], $0xffff  }
0x1e9: {  	v25 =	vld.idx.msk [tilespmem:v28+s8+$0x0], $0xffff  }
0x1ea: {  	v26 =	vld.idx.msk [tilespmem:v29+s8+$0x0], $0xffff;
	_ =	sdelay $0x5  }
.Ltmp7:
0x1eb: {  	vm1 =	vge.s32 v26, v0;
	vm2 =	vlt.s32 v26, v1;
	v27 =	vsub.s32 v26, v0;
	(pc) =	sbr.rel @!p1 .LBB2_11-.Ltmp7, $4  }
0x1ec: {  	vm1 =	vmand vm1, vm2  }
0x1ed: {  	v29 =	vmpcnt.ones.xlane vm1  }
0x1ee: {  	s5 =	sadd.s32 $0xFFFFFFFF, s1;
	v26 =	vadd.s32 s1, v5;
	s29 =	spop (v2sf)  }
0x1ef: {  	s28 =	sadd.s32 $0xFFFFFFFE, s1;
	v28 =	vadd.s32 s5, v5;
	s1 =	sadd.s32 $0x30, s1;
	(v2sf) =	vpush v29, $0x0;
	s0 =	sadd.s32 s0, s29  }
0x1f0: {  	v29 =	vadd.s32 s28, v5;
	_ =	sdelay $0x1  }
0x1f1: {  	[tilespmem:s0+$0x2F00] =	vst.msk vm1, v25  }
0x1f2: {  	[tilespmem:s0+$0x3780] =	vst.msk vm1, v27  }
0x1f3: {  	[tilespmem:s0+$0x4000] =	vst.msk vm1, v24  }
0x1f4: {  	v24 =	vld.idx.msk [tilespmem:v29+s8+$0x0], $0xffff;
	_ =	sdelay $0x4  }
0x1f5: {  	vm1 =	vge.s32 v24, v0;
	vm2 =	vlt.s32 v24, v1  }
0x1f6: {  	vm1 =	vmand vm1, vm2  }
0x1f7: {  	v62 =	vmpcnt.ones.xlane vm1;
	_ =	sdelay $0x1  }
0x1f8: {  	(v2sf) =	vpush v62, $0x0;
	_ =	sdelay $0xd  }
0x1f9: {  	s1 =	spop (v2sf)  }
0x1fa: {  	v63 =	vld.idx.msk [tilespmem:v28+s8+$0x0], $0xffff;
	s5 =	sadd.s32 s0, s1;
	s30 =	spop (v2sf)  }
0x1fb: {  	s28 =	sadd.s32 s5, s30  }
0x1fc: {  	v26 =	vld.idx.msk [tilespmem:v26+s8+$0x0], $0xffff;
	p1 =	slt.s32 s28, $0x50  }
.Ltmp8:
0x1fd: {  	_ = 	snop;
	(pc) =	sbr.rel @!p1 .LBB2_21-.Ltmp8, $4  }
0x1fe: {  	_ = 	snop  }
0x1ff: {  	v24 =	vsub.s32 v24, v0;
	[tilespmem:s5+$0x2F00] =	vst.msk vm1, v63  }
0x200: {  	[tilespmem:s5+$0x3780] =	vst.msk vm1, v24  }
0x201: {  	s29 =	simm.s32 $0x0;
	s31 =	simm.s32 $0x0;
	s0 =	simm.s32 $0x50;
	[tilespmem:s5+$0x4000] =	vst.msk vm1, v26  }
.Ltmp9:
0x202: {  	(pc) =	sbr.rel .LBB2_14-.Ltmp9, $2  }
0x203: {  	_ =	sdelay $0x2  }
0x204: {  	s31 =	simm.s32 $0x0  }
.LBB2_21:
0x205: {  	v24 =	vld [tilespmem:s31+$0x2F00];
	_ =	sdelay $0x4  }
0x206: {  	v25 =	vshll.u32 v24, $0x1  }
0x207: {  	v24 =	vand.u32 $0x7, v24;
	v25 =	vand.u32 $0xFFFFFFF0, v25  }
0x208: {  	v24 =	vor.u32 v24, v25  }
0x209: {  	v25 =	vperm.xlane v24, v6;
	_ =	sdelay $0x1  }
0x20a: {  	v24 =	vperm.xlane v24, v8;
	v25 =	vadd.s32 v7, v25;
	_ =	sdelay $0x1  }
0x20b: {  	v24 =	vadd.s32 v7, v24;
	_ =	sdelay $0x2  }
0x20c: {  	[tilespmem:s11], [sflag:$0x1] =	stream.indirect_vreg.gather [hbm4b:s2+s29], $0x80, v25, vm0, $0xb8;
	[tilespmem:$0x1D880] =	vst v63  }
0x20d: {  	_ = 	snop  }
0x20e: {  	[tilespmem:s12], [sflag:$0x1] =	stream.indirect_vreg.gather [hbm4b:s2+s29], $0x80, v24, vm0, $0xb8;
	[tilespmem:$0x1D880] =	vst v63  }
0x20f: {  	v24 =	vld [tilespmem:s31+$0x2F10];
	_ =	sdelay $0x4  }
0x210: {  	v25 =	vshll.u32 v24, $0x1  }
0x211: {  	v24 =	vand.u32 $0x7, v24;
	v25 =	vand.u32 $0xFFFFFFF0, v25  }
0x212: {  	v24 =	vor.u32 v24, v25  }
0x213: {  	v25 =	vperm.xlane v24, v6;
	_ =	sdelay $0x1  }
0x214: {  	v24 =	vperm.xlane v24, v8;
	v25 =	vadd.s32 v7, v25;
	_ =	sdelay $0x1  }
0x215: {  	v24 =	vadd.s32 v7, v24;
	_ =	sdelay $0x2  }
0x216: {  	[tilespmem:s13], [sflag:$0x1] =	stream.indirect_vreg.gather [hbm4b:s2+s29], $0x80, v25, vm0, $0xb8;
	[tilespmem:$0x1D880] =	vst v63  }
0x217: {  	_ = 	snop  }
0x218: {  	[tilespmem:s14], [sflag:$0x1] =	stream.indirect_vreg.gather [hbm4b:s2+s29], $0x80, v24, vm0, $0xb8;
	[tilespmem:$0x1D880] =	vst v63  }
0x219: {  	v24 =	vld [tilespmem:s31+$0x2F20];
	_ =	sdelay $0x4  }
0x21a: {  	v25 =	vshll.u32 v24, $0x1  }
0x21b: {  	v24 =	vand.u32 $0x7, v24;
	v25 =	vand.u32 $0xFFFFFFF0, v25  }
0x21c: {  	v24 =	vor.u32 v24, v25  }
0x21d: {  	v25 =	vperm.xlane v24, v6;
	_ =	sdelay $0x1  }
0x21e: {  	v24 =	vperm.xlane v24, v8;
	v25 =	vadd.s32 v7, v25;
	_ =	sdelay $0x1  }
0x21f: {  	v24 =	vadd.s32 v7, v24;
	_ =	sdelay $0x2  }
0x220: {  	[tilespmem:s15], [sflag:$0x1] =	stream.indirect_vreg.gather [hbm4b:s2+s29], $0x80, v25, vm0, $0xb8;
	[tilespmem:$0x1D880] =	vst v63  }
0x221: {  	_ = 	snop  }
0x222: {  	[tilespmem:s16], [sflag:$0x1] =	stream.indirect_vreg.gather [hbm4b:s2+s29], $0x80, v24, vm0, $0xb8;
	[tilespmem:$0x1D880] =	vst v63  }
0x223: {  	v24 =	vld [tilespmem:s31+$0x2F30];
	_ =	sdelay $0x4  }
0x224: {  	v25 =	vshll.u32 v24, $0x1  }
0x225: {  	v24 =	vand.u32 $0x7, v24;
	v25 =	vand.u32 $0xFFFFFFF0, v25  }
0x226: {  	v24 =	vor.u32 v24, v25  }
0x227: {  	v25 =	vperm.xlane v24, v6;
	_ =	sdelay $0x1  }
0x228: {  	v24 =	vperm.xlane v24, v8;
	v25 =	vadd.s32 v7, v25;
	_ =	sdelay $0x1  }
0x229: {  	v24 =	vadd.s32 v7, v24;
	_ =	sdelay $0x2  }
0x22a: {  	[tilespmem:s17], [sflag:$0x1] =	stream.indirect_vreg.gather [hbm4b:s2+s29], $0x80, v25, vm0, $0xb8;
	[tilespmem:$0x1D880] =	vst v63  }
0x22b: {  	_ = 	snop  }
0x22c: {  	[tilespmem:s18], [sflag:$0x1] =	stream.indirect_vreg.gather [hbm4b:s2+s29], $0x80, v24, vm0, $0xb8;
	[tilespmem:$0x1D880] =	vst v63  }
0x22d: {  	v24 =	vld [tilespmem:s31+$0x2F40];
	_ =	sdelay $0x4  }
0x22e: {  	v25 =	vshll.u32 v24, $0x1  }
0x22f: {  	v24 =	vand.u32 $0x7, v24;
	v25 =	vand.u32 $0xFFFFFFF0, v25  }
0x230: {  	v24 =	vor.u32 v24, v25  }
0x231: {  	v25 =	vperm.xlane v24, v6;
	_ =	sdelay $0x1  }
0x232: {  	v24 =	vperm.xlane v24, v8;
	v25 =	vadd.s32 v7, v25;
	_ =	sdelay $0x1  }
0x233: {  	v24 =	vadd.s32 v7, v24;
	_ =	sdelay $0x1  }
0x234: {  	s1 =	sadd.s32 $0x0, s31  }
0x235: {  	[tilespmem:s19], [sflag:$0x1] =	stream.indirect_vreg.gather [hbm4b:s2+s29], $0x80, v25, vm0, $0xb8;
	[tilespmem:$0x1D880] =	vst v63  }
0x236: {  	v25 =	vmov s1  }
0x237: {  	[tilespmem:s20], [sflag:$0x1] =	stream.indirect_vreg.gather [hbm4b:s2+s29], $0x80, v24, vm0, $0xb8;
	[tilespmem:$0x1D880] =	vst v63  }
0x238: {  	v24 =	vmov s29;
	_ =	swait.ge [sflag:s10], $0x5000  }
0x239: {  	v26 =	vshll.u32 v24, $0x8;
	v24 =	vshll.u32 v24, $0x7;
	[sflag:s10] =	ssyncset.done $0x0  }
0x23a: {  	v26 =	vand.u32 $0x7800, v26;
	v24 =	vand.u32 $0x380, v24;
	[sflag:s10] =	ssyncadd.s32 $0xFFFFB000  }
0x23b: {  	v24 =	vor.u32 v24, v26;
	v26 =	vld.idx.msk [tilespmem:v25+s22+$0x0], $0xffff  }
0x23c: {  	v27 =	vor.u32 v4, v24;
	_ =	sdelay $0x3  }
0x23d: {  	v25 =	vld.idx.msk [tilespmem:v25+s21+$0x0], $0xffff;
	v28 =	vshll.u32 v26, $0x8;
	v26 =	vshll.u32 v26, $0x7  }
0x23e: {  	v27 =	vld.idx.msk [tilespmem:v27+s11+$0x0], $0xffff;
	v28 =	vand.u32 $0xFFFFF800, v28;
	v26 =	vand.u32 $0x380, v26  }
0x23f: {  	v26 =	vor.u32 v26, v28  }
0x240: {  	v28 =	vor.u32 v4, v26  }
0x241: {  	v29 =	vor.u32 v9, v24;
	_ =	sdelay $0x1  }
0x242: {  	v27 =	vmul.f32 v27, v25;
	_ =	sdelay $0x1  }
0x243: {  	[tilespmem:v28+s23+$0x0] =	vst.idx.add.f32.msk $0xffff, v27  }
0x244: {  	v27 =	vld.idx.msk [tilespmem:v29+s11+$0x0], $0xffff;
	_ =	sdelay $0x1  }
0x245: {  	v28 =	vor.u32 v9, v26  }
0x246: {  	v29 =	vor.u32 v10, v24;
	_ =	sdelay $0x1  }
0x247: {  	v27 =	vmul.f32 v27, v25;
	_ =	sdelay $0x1  }
0x248: {  	[tilespmem:v28+s23+$0x0] =	vst.idx.add.f32.msk $0xffff, v27  }
0x249: {  	v27 =	vld.idx.msk [tilespmem:v29+s11+$0x0], $0xffff;
	_ =	sdelay $0x1  }
0x24a: {  	v28 =	vor.u32 v10, v26  }
0x24b: {  	v29 =	vor.u32 v11, v24;
	_ =	sdelay $0x1  }
0x24c: {  	v27 =	vmul.f32 v27, v25;
	_ =	sdelay $0x1  }
0x24d: {  	[tilespmem:v28+s23+$0x0] =	vst.idx.add.f32.msk $0xffff, v27  }
0x24e: {  	v27 =	vld.idx.msk [tilespmem:v29+s11+$0x0], $0xffff;
	_ =	sdelay $0x1  }
0x24f: {  	v28 =	vor.u32 v11, v26  }
0x250: {  	v29 =	vor.u32 v12, v24;
	_ =	sdelay $0x1  }
0x251: {  	v27 =	vmul.f32 v27, v25;
	_ =	sdelay $0x1  }
0x252: {  	[tilespmem:v28+s23+$0x0] =	vst.idx.add.f32.msk $0xffff, v27  }
0x253: {  	v27 =	vld.idx.msk [tilespmem:v29+s11+$0x0], $0xffff;
	_ =	sdelay $0x1  }
0x254: {  	v28 =	vor.u32 v12, v26  }
0x255: {  	v29 =	vor.u32 v13, v24;
	_ =	sdelay $0x1  }
0x256: {  	v27 =	vmul.f32 v27, v25;
	_ =	sdelay $0x1  }
0x257: {  	[tilespmem:v28+s23+$0x0] =	vst.idx.add.f32.msk $0xffff, v27  }
0x258: {  	v27 =	vld.idx.msk [tilespmem:v29+s11+$0x0], $0xffff;
	_ =	sdelay $0x1  }
0x259: {  	v28 =	vor.u32 v13, v26  }
0x25a: {  	v29 =	vor.u32 v14, v24;
	_ =	sdelay $0x1  }
0x25b: {  	v27 =	vmul.f32 v27, v25;
	_ =	sdelay $0x1  }
0x25c: {  	[tilespmem:v28+s23+$0x0] =	vst.idx.add.f32.msk $0xffff, v27  }
0x25d: {  	v27 =	vld.idx.msk [tilespmem:v29+s11+$0x0], $0xffff;
	_ =	sdelay $0x1  }
0x25e: {  	v28 =	vor.u32 v14, v26  }
0x25f: {  	v29 =	vor.u32 v15, v24;
	_ =	sdelay $0x1  }
0x260: {  	v27 =	vmul.f32 v27, v25;
	_ =	sdelay $0x1  }
0x261: {  	[tilespmem:v28+s23+$0x0] =	vst.idx.add.f32.msk $0xffff, v27  }
0x262: {  	v27 =	vld.idx.msk [tilespmem:v29+s11+$0x0], $0xffff;
	_ =	sdelay $0x1  }
0x263: {  	v28 =	vor.u32 v15, v26  }
0x264: {  	v29 =	vor.u32 v16, v24;
	_ =	sdelay $0x1  }
0x265: {  	v27 =	vmul.f32 v27, v25;
	_ =	sdelay $0x1  }
0x266: {  	[tilespmem:v28+s23+$0x0] =	vst.idx.add.f32.msk $0xffff, v27  }
0x267: {  	v27 =	vld.idx.msk [tilespmem:v29+s11+$0x0], $0xffff;
	_ =	sdelay $0x1  }
0x268: {  	v28 =	vor.u32 v16, v26  }
0x269: {  	v29 =	vor.u32 v17, v24;
	_ =	sdelay $0x1  }
0x26a: {  	v27 =	vmul.f32 v27, v25;
	_ =	sdelay $0x1  }
0x26b: {  	[tilespmem:v28+s23+$0x0] =	vst.idx.add.f32.msk $0xffff, v27  }
0x26c: {  	v27 =	vld.idx.msk [tilespmem:v29+s11+$0x0], $0xffff;
	_ =	sdelay $0x1  }
0x26d: {  	v28 =	vor.u32 v17, v26  }
0x26e: {  	v29 =	vor.u32 v18, v24;
	_ =	sdelay $0x1  }
0x26f: {  	v27 =	vmul.f32 v27, v25;
	_ =	sdelay $0x1  }
0x270: {  	[tilespmem:v28+s23+$0x0] =	vst.idx.add.f32.msk $0xffff, v27  }
0x271: {  	v27 =	vld.idx.msk [tilespmem:v29+s11+$0x0], $0xffff;
	_ =	sdelay $0x1  }
0x272: {  	v28 =	vor.u32 v18, v26  }
0x273: {  	v29 =	vor.u32 v19, v24;
	_ =	sdelay $0x1  }
0x274: {  	v27 =	vmul.f32 v27, v25;
	_ =	sdelay $0x1  }
0x275: {  	[tilespmem:v28+s23+$0x0] =	vst.idx.add.f32.msk $0xffff, v27  }
0x276: {  	v27 =	vld.idx.msk [tilespmem:v29+s11+$0x0], $0xffff;
	_ =	sdelay $0x1  }
0x277: {  	v28 =	vor.u32 v19, v26  }
0x278: {  	v29 =	vor.u32 v20, v24;
	_ =	sdelay $0x1  }
0x279: {  	v27 =	vmul.f32 v27, v25;
	_ =	sdelay $0x1  }
0x27a: {  	[tilespmem:v28+s23+$0x0] =	vst.idx.add.f32.msk $0xffff, v27  }
0x27b: {  	v27 =	vld.idx.msk [tilespmem:v29+s11+$0x0], $0xffff;
	_ =	sdelay $0x1  }
0x27c: {  	v28 =	vor.u32 v20, v26  }
0x27d: {  	v29 =	vor.u32 v21, v24;
	_ =	sdelay $0x1  }
0x27e: {  	v27 =	vmul.f32 v27, v25;
	_ =	sdelay $0x1  }
0x27f: {  	[tilespmem:v28+s23+$0x0] =	vst.idx.add.f32.msk $0xffff, v27  }
0x280: {  	v27 =	vld.idx.msk [tilespmem:v29+s11+$0x0], $0xffff;
	_ =	sdelay $0x1  }
0x281: {  	v28 =	vor.u32 v21, v26  }
0x282: {  	v29 =	vor.u32 v22, v24;
	_ =	sdelay $0x1  }
0x283: {  	v27 =	vmul.f32 v27, v25;
	_ =	sdelay $0x1  }
0x284: {  	[tilespmem:v28+s23+$0x0] =	vst.idx.add.f32.msk $0xffff, v27  }
0x285: {  	v27 =	vld.idx.msk [tilespmem:v29+s11+$0x0], $0xffff;
	_ =	sdelay $0x1  }
0x286: {  	v28 =	vor.u32 v22, v26  }
0x287: {  	v24 =	vor.u32 v23, v24;
	_ =	sdelay $0x1  }
0x288: {  	v27 =	vmul.f32 v27, v25;
	_ =	sdelay $0x1  }
0x289: {  	[tilespmem:v28+s23+$0x0] =	vst.idx.add.f32.msk $0xffff, v27  }
0x28a: {  	v24 =	vld.idx.msk [tilespmem:v24+s11+$0x0], $0xffff;
	_ =	sdelay $0x1  }
0x28b: {  	s5 =	sadd.s32 $0x1, s31;
	v27 =	vor.u32 v23, v26  }
0x28c: {  	s1 =	simm.s32 $0x1;
	v26 =	vmov s5  }
0x28d: {  	v28 =	vmov s1  }
0x28e: {  	v29 =	vshll.u32 v28, $0x8;
	v28 =	vshll.u32 v28, $0x7;
	v24 =	vmul.f32 v24, v25  }
0x28f: {  	s30 =	smov.u32 s31;
	s31 =	smov.u32 s0;
	s1 =	simm.s32 $0x2;
	v28 =	vand.u32 $0x380, v28;
	v25 =	vand.u32 $0x7800, v29  }
.LBB2_22:
0x290: {  	p1 =	seq.s32 s1, $0x4F;
	v25 =	vor.u32 v28, v25;
	[tilespmem:v27+s23+$0x0] =	vst.idx.add.f32.msk $0xffff, v24;
	s0 =	smov.u32 s1;
	s1 =	sadd.s32 $0x1, s1  }
0x291: {  	v27 =	vld.idx.msk [tilespmem:v26+s22+$0x0], $0xffff;
	v24 =	vor.u32 v4, v25;
	_ =	sdelay $0x4  }
0x292: {  	v28 =	vld.idx.msk [tilespmem:v24+s11+$0x0], $0xffff  }
0x293: {  	v24 =	vld.idx.msk [tilespmem:v26+s21+$0x0], $0xffff;
	v26 =	vshll.u32 v27, $0x8;
	v27 =	vshll.u32 v27, $0x7  }
0x294: {  	v26 =	vand.u32 $0xFFFFF800, v26;
	v27 =	vand.u32 $0x380, v27  }
0x295: {  	v26 =	vor.u32 v27, v26  }
0x296: {  	v27 =	vor.u32 v4, v26  }
0x297: {  	v29 =	vor.u32 v9, v25;
	_ =	sdelay $0x1  }
0x298: {  	v28 =	vmul.f32 v28, v24;
	_ =	sdelay $0x1  }
0x299: {  	[tilespmem:v27+s23+$0x0] =	vst.idx.add.f32.msk $0xffff, v28  }
0x29a: {  	v27 =	vld.idx.msk [tilespmem:v29+s11+$0x0], $0xffff;
	_ =	sdelay $0x2  }
0x29b: {  	v28 =	vor.u32 v9, v26  }
0x29c: {  	v29 =	vor.u32 v10, v25;
	_ =	sdelay $0x1  }
0x29d: {  	v27 =	vmul.f32 v27, v24;
	_ =	sdelay $0x1  }
0x29e: {  	[tilespmem:v28+s23+$0x0] =	vst.idx.add.f32.msk $0xffff, v27  }
0x29f: {  	v27 =	vld.idx.msk [tilespmem:v29+s11+$0x0], $0xffff;
	_ =	sdelay $0x2  }
0x2a0: {  	v28 =	vor.u32 v10, v26  }
0x2a1: {  	v29 =	vor.u32 v11, v25;
	_ =	sdelay $0x1  }
0x2a2: {  	v27 =	vmul.f32 v27, v24;
	_ =	sdelay $0x1  }
0x2a3: {  	[tilespmem:v28+s23+$0x0] =	vst.idx.add.f32.msk $0xffff, v27  }
0x2a4: {  	v27 =	vld.idx.msk [tilespmem:v29+s11+$0x0], $0xffff;
	_ =	sdelay $0x2  }
0x2a5: {  	v28 =	vor.u32 v11, v26  }
0x2a6: {  	v29 =	vor.u32 v12, v25;
	_ =	sdelay $0x1  }
0x2a7: {  	v27 =	vmul.f32 v27, v24;
	_ =	sdelay $0x1  }
0x2a8: {  	[tilespmem:v28+s23+$0x0] =	vst.idx.add.f32.msk $0xffff, v27  }
0x2a9: {  	v27 =	vld.idx.msk [tilespmem:v29+s11+$0x0], $0xffff;
	_ =	sdelay $0x2  }
0x2aa: {  	v28 =	vor.u32 v12, v26  }
0x2ab: {  	v29 =	vor.u32 v13, v25;
	_ =	sdelay $0x1  }
0x2ac: {  	v27 =	vmul.f32 v27, v24;
	_ =	sdelay $0x1  }
0x2ad: {  	[tilespmem:v28+s23+$0x0] =	vst.idx.add.f32.msk $0xffff, v27  }
0x2ae: {  	v27 =	vld.idx.msk [tilespmem:v29+s11+$0x0], $0xffff;
	_ =	sdelay $0x2  }
0x2af: {  	v28 =	vor.u32 v13, v26  }
0x2b0: {  	v29 =	vor.u32 v14, v25;
	_ =	sdelay $0x1  }
0x2b1: {  	v27 =	vmul.f32 v27, v24;
	_ =	sdelay $0x1  }
0x2b2: {  	[tilespmem:v28+s23+$0x0] =	vst.idx.add.f32.msk $0xffff, v27  }
0x2b3: {  	v27 =	vld.idx.msk [tilespmem:v29+s11+$0x0], $0xffff;
	_ =	sdelay $0x2  }
0x2b4: {  	v28 =	vor.u32 v14, v26  }
0x2b5: {  	v29 =	vor.u32 v15, v25;
	_ =	sdelay $0x1  }
0x2b6: {  	v27 =	vmul.f32 v27, v24;
	_ =	sdelay $0x1  }
0x2b7: {  	[tilespmem:v28+s23+$0x0] =	vst.idx.add.f32.msk $0xffff, v27  }
0x2b8: {  	v27 =	vld.idx.msk [tilespmem:v29+s11+$0x0], $0xffff;
	_ =	sdelay $0x2  }
0x2b9: {  	v28 =	vor.u32 v15, v26  }
0x2ba: {  	v29 =	vor.u32 v16, v25;
	_ =	sdelay $0x1  }
0x2bb: {  	v27 =	vmul.f32 v27, v24;
	_ =	sdelay $0x1  }
0x2bc: {  	[tilespmem:v28+s23+$0x0] =	vst.idx.add.f32.msk $0xffff, v27  }
0x2bd: {  	v27 =	vld.idx.msk [tilespmem:v29+s11+$0x0], $0xffff;
	_ =	sdelay $0x2  }
0x2be: {  	v28 =	vor.u32 v16, v26  }
0x2bf: {  	v29 =	vor.u32 v17, v25;
	_ =	sdelay $0x1  }
0x2c0: {  	v27 =	vmul.f32 v27, v24;
	_ =	sdelay $0x1  }
0x2c1: {  	[tilespmem:v28+s23+$0x0] =	vst.idx.add.f32.msk $0xffff, v27  }
0x2c2: {  	v27 =	vld.idx.msk [tilespmem:v29+s11+$0x0], $0xffff;
	_ =	sdelay $0x2  }
0x2c3: {  	v28 =	vor.u32 v17, v26  }
0x2c4: {  	v29 =	vor.u32 v18, v25;
	_ =	sdelay $0x1  }
0x2c5: {  	v27 =	vmul.f32 v27, v24;
	_ =	sdelay $0x1  }
0x2c6: {  	[tilespmem:v28+s23+$0x0] =	vst.idx.add.f32.msk $0xffff, v27  }
0x2c7: {  	v27 =	vld.idx.msk [tilespmem:v29+s11+$0x0], $0xffff;
	_ =	sdelay $0x2  }
0x2c8: {  	v28 =	vor.u32 v18, v26  }
0x2c9: {  	v29 =	vor.u32 v19, v25;
	_ =	sdelay $0x1  }
0x2ca: {  	v27 =	vmul.f32 v27, v24;
	_ =	sdelay $0x1  }
0x2cb: {  	[tilespmem:v28+s23+$0x0] =	vst.idx.add.f32.msk $0xffff, v27  }
0x2cc: {  	v27 =	vld.idx.msk [tilespmem:v29+s11+$0x0], $0xffff;
	_ =	sdelay $0x2  }
0x2cd: {  	v28 =	vor.u32 v19, v26  }
0x2ce: {  	v29 =	vor.u32 v20, v25;
	_ =	sdelay $0x1  }
0x2cf: {  	v27 =	vmul.f32 v27, v24;
	_ =	sdelay $0x1  }
0x2d0: {  	[tilespmem:v28+s23+$0x0] =	vst.idx.add.f32.msk $0xffff, v27  }
0x2d1: {  	v27 =	vld.idx.msk [tilespmem:v29+s11+$0x0], $0xffff;
	_ =	sdelay $0x2  }
0x2d2: {  	v28 =	vor.u32 v20, v26  }
0x2d3: {  	v29 =	vor.u32 v21, v25;
	_ =	sdelay $0x1  }
0x2d4: {  	v27 =	vmul.f32 v27, v24;
	_ =	sdelay $0x1  }
0x2d5: {  	[tilespmem:v28+s23+$0x0] =	vst.idx.add.f32.msk $0xffff, v27  }
0x2d6: {  	v27 =	vld.idx.msk [tilespmem:v29+s11+$0x0], $0xffff;
	_ =	sdelay $0x2  }
0x2d7: {  	v28 =	vor.u32 v21, v26  }
0x2d8: {  	v29 =	vor.u32 v22, v25;
	_ =	sdelay $0x1  }
0x2d9: {  	v27 =	vmul.f32 v27, v24;
	_ =	sdelay $0x1  }
0x2da: {  	[tilespmem:v28+s23+$0x0] =	vst.idx.add.f32.msk $0xffff, v27  }
0x2db: {  	v27 =	vld.idx.msk [tilespmem:v29+s11+$0x0], $0xffff;
	_ =	sdelay $0x2  }
0x2dc: {  	v28 =	vor.u32 v22, v26  }
0x2dd: {  	v25 =	vor.u32 v23, v25;
	_ =	sdelay $0x1  }
0x2de: {  	v27 =	vmul.f32 v27, v24;
	_ =	sdelay $0x1  }
0x2df: {  	[tilespmem:v28+s23+$0x0] =	vst.idx.add.f32.msk $0xffff, v27  }
0x2e0: {  	v25 =	vld.idx.msk [tilespmem:v25+s11+$0x0], $0xffff;
	_ =	sdelay $0x2  }
.Ltmp10:
0x2e1: {  	s5 =	sadd.s32 s30, s0;
	v27 =	vor.u32 v23, v26;
	(pc) =	sbr.rel @!p1 .LBB2_22-.Ltmp10, $4  }
0x2e2: {  	v26 =	vmov s5  }
0x2e3: {  	v28 =	vmov s0  }
0x2e4: {  	v29 =	vshll.u32 v28, $0x8;
	v28 =	vshll.u32 v28, $0x7;
	v24 =	vmul.f32 v25, v24  }
0x2e5: {  	v28 =	vand.u32 $0x380, v28;
	v25 =	vand.u32 $0x7800, v29  }
0x2e6: {  	_ =	sdelay $0x3  }
0x2e7: {  	[tilespmem:v27+s23+$0x0] =	vst.idx.add.f32.msk $0xffff, v24  }
0x2e8: {  	v25 =	vor.u32 v28, v25;
	v24 =	vld.idx.msk [tilespmem:v26+s22+$0x0], $0xffff  }
0x2e9: {  	v34 =	vor.u32 v4, v25;
	_ =	sdelay $0x3  }
0x2ea: {  	v36 =	vld.idx.msk [tilespmem:v26+s21+$0x0], $0xffff;
	v35 =	vshll.u32 v24, $0x8;
	v24 =	vshll.u32 v24, $0x7  }
0x2eb: {  	v27 =	vld.idx.msk [tilespmem:v34+s11+$0x0], $0xffff;
	v28 =	vand.u32 $0xFFFFF800, v35;
	v24 =	vand.u32 $0x380, v24  }
0x2ec: {  	v24 =	vor.u32 v24, v28  }
0x2ed: {  	v28 =	vor.u32 v4, v24  }
0x2ee: {  	v29 =	vor.u32 v9, v25;
	_ =	sdelay $0x1  }
0x2ef: {  	v27 =	vmul.f32 v27, v36;
	_ =	sdelay $0x1  }
0x2f0: {  	[tilespmem:v28+s23+$0x0] =	vst.idx.add.f32.msk $0xffff, v27  }
0x2f1: {  	v27 =	vld.idx.msk [tilespmem:v29+s11+$0x0], $0xffff;
	_ =	sdelay $0x1  }
0x2f2: {  	v37 =	vor.u32 v9, v24  }
0x2f3: {  	v38 =	vor.u32 v10, v25;
	_ =	sdelay $0x1  }
0x2f4: {  	v27 =	vmul.f32 v27, v36;
	_ =	sdelay $0x1  }
0x2f5: {  	[tilespmem:v37+s23+$0x0] =	vst.idx.add.f32.msk $0xffff, v27  }
0x2f6: {  	v27 =	vld.idx.msk [tilespmem:v38+s11+$0x0], $0xffff;
	_ =	sdelay $0x1  }
0x2f7: {  	v39 =	vor.u32 v10, v24  }
0x2f8: {  	v40 =	vor.u32 v11, v25;
	_ =	sdelay $0x1  }
0x2f9: {  	v27 =	vmul.f32 v27, v36;
	_ =	sdelay $0x1  }
0x2fa: {  	[tilespmem:v39+s23+$0x0] =	vst.idx.add.f32.msk $0xffff, v27  }
0x2fb: {  	v27 =	vld.idx.msk [tilespmem:v40+s11+$0x0], $0xffff;
	_ =	sdelay $0x1  }
0x2fc: {  	v41 =	vor.u32 v11, v24  }
0x2fd: {  	v42 =	vor.u32 v12, v25;
	_ =	sdelay $0x1  }
0x2fe: {  	v27 =	vmul.f32 v27, v36;
	_ =	sdelay $0x1  }
0x2ff: {  	[tilespmem:v41+s23+$0x0] =	vst.idx.add.f32.msk $0xffff, v27  }
0x300: {  	v27 =	vld.idx.msk [tilespmem:v42+s11+$0x0], $0xffff;
	_ =	sdelay $0x1  }
0x301: {  	v43 =	vor.u32 v12, v24  }
0x302: {  	v44 =	vor.u32 v13, v25;
	_ =	sdelay $0x1  }
0x303: {  	v27 =	vmul.f32 v27, v36;
	_ =	sdelay $0x1  }
0x304: {  	[tilespmem:v43+s23+$0x0] =	vst.idx.add.f32.msk $0xffff, v27  }
0x305: {  	v27 =	vld.idx.msk [tilespmem:v44+s11+$0x0], $0xffff;
	_ =	sdelay $0x1  }
0x306: {  	v45 =	vor.u32 v13, v24  }
0x307: {  	v46 =	vor.u32 v14, v25;
	_ =	sdelay $0x1  }
0x308: {  	v27 =	vmul.f32 v27, v36;
	_ =	sdelay $0x1  }
0x309: {  	[tilespmem:v45+s23+$0x0] =	vst.idx.add.f32.msk $0xffff, v27  }
0x30a: {  	v27 =	vld.idx.msk [tilespmem:v46+s11+$0x0], $0xffff;
	_ =	sdelay $0x1  }
0x30b: {  	v47 =	vor.u32 v14, v24  }
0x30c: {  	v48 =	vor.u32 v15, v25;
	_ =	sdelay $0x1  }
0x30d: {  	v27 =	vmul.f32 v27, v36;
	_ =	sdelay $0x1  }
0x30e: {  	[tilespmem:v47+s23+$0x0] =	vst.idx.add.f32.msk $0xffff, v27  }
0x30f: {  	v27 =	vld.idx.msk [tilespmem:v48+s11+$0x0], $0xffff;
	_ =	sdelay $0x1  }
0x310: {  	v49 =	vor.u32 v15, v24  }
0x311: {  	v50 =	vor.u32 v16, v25;
	_ =	sdelay $0x1  }
0x312: {  	v27 =	vmul.f32 v27, v36;
	_ =	sdelay $0x1  }
0x313: {  	[tilespmem:v49+s23+$0x0] =	vst.idx.add.f32.msk $0xffff, v27  }
0x314: {  	v27 =	vld.idx.msk [tilespmem:v50+s11+$0x0], $0xffff;
	_ =	sdelay $0x1  }
0x315: {  	v51 =	vor.u32 v16, v24  }
0x316: {  	v52 =	vor.u32 v17, v25;
	_ =	sdelay $0x1  }
0x317: {  	v27 =	vmul.f32 v27, v36;
	_ =	sdelay $0x1  }
0x318: {  	[tilespmem:v51+s23+$0x0] =	vst.idx.add.f32.msk $0xffff, v27  }
0x319: {  	v27 =	vld.idx.msk [tilespmem:v52+s11+$0x0], $0xffff;
	_ =	sdelay $0x1  }
0x31a: {  	v53 =	vor.u32 v17, v24  }
0x31b: {  	v54 =	vor.u32 v18, v25;
	_ =	sdelay $0x1  }
0x31c: {  	v27 =	vmul.f32 v27, v36;
	_ =	sdelay $0x1  }
0x31d: {  	[tilespmem:v53+s23+$0x0] =	vst.idx.add.f32.msk $0xffff, v27  }
0x31e: {  	v27 =	vld.idx.msk [tilespmem:v54+s11+$0x0], $0xffff;
	_ =	sdelay $0x1  }
0x31f: {  	v55 =	vor.u32 v18, v24  }
0x320: {  	v56 =	vor.u32 v19, v25;
	_ =	sdelay $0x1  }
0x321: {  	v27 =	vmul.f32 v27, v36;
	_ =	sdelay $0x1  }
0x322: {  	[tilespmem:v55+s23+$0x0] =	vst.idx.add.f32.msk $0xffff, v27  }
0x323: {  	v27 =	vld.idx.msk [tilespmem:v56+s11+$0x0], $0xffff;
	_ =	sdelay $0x1  }
0x324: {  	v57 =	vor.u32 v19, v24  }
0x325: {  	v58 =	vor.u32 v20, v25;
	_ =	sdelay $0x1  }
0x326: {  	v27 =	vmul.f32 v27, v36;
	_ =	sdelay $0x1  }
0x327: {  	[tilespmem:v57+s23+$0x0] =	vst.idx.add.f32.msk $0xffff, v27  }
0x328: {  	v27 =	vld.idx.msk [tilespmem:v58+s11+$0x0], $0xffff;
	_ =	sdelay $0x1  }
0x329: {  	v59 =	vor.u32 v20, v24  }
0x32a: {  	v60 =	vor.u32 v21, v25;
	_ =	sdelay $0x1  }
0x32b: {  	v27 =	vmul.f32 v27, v36;
	_ =	sdelay $0x1  }
0x32c: {  	[tilespmem:v59+s23+$0x0] =	vst.idx.add.f32.msk $0xffff, v27  }
0x32d: {  	v27 =	vld.idx.msk [tilespmem:v60+s11+$0x0], $0xffff;
	_ =	sdelay $0x1  }
0x32e: {  	v61 =	vor.u32 v21, v24  }
0x32f: {  	v62 =	vor.u32 v22, v25;
	_ =	sdelay $0x1  }
0x330: {  	v27 =	vmul.f32 v27, v36;
	_ =	sdelay $0x1  }
0x331: {  	[tilespmem:v61+s23+$0x0] =	vst.idx.add.f32.msk $0xffff, v27  }
0x332: {  	v27 =	vld.idx.msk [tilespmem:v62+s11+$0x0], $0xffff;
	_ =	sdelay $0x1  }
0x333: {  	v63 =	vor.u32 v22, v24  }
0x334: {  	v25 =	vor.u32 v23, v25;
	_ =	sdelay $0x1  }
0x335: {  	v27 =	vmul.f32 v27, v36;
	_ =	sdelay $0x1  }
0x336: {  	[tilespmem:v63+s23+$0x0] =	vst.idx.add.f32.msk $0xffff, v27  }
0x337: {  	v25 =	vld.idx.msk [tilespmem:v25+s11+$0x0], $0xffff;
	_ =	sdelay $0x1  }
0x338: {  	v24 =	vor.u32 v23, v24;
	_ =	sdelay $0x2  }
0x339: {  	v25 =	vmul.f32 v25, v36;
	_ =	sdelay $0x1  }
0x33a: {  	[tilespmem:v24+s23+$0x0] =	vst.idx.add.f32.msk $0xffff, v25  }
0x33b: {  	s0 =	sadd.s32 $0x50, s31  }
0x33c: {  	p1 =	sgt.s32 s0, s28  }
.Ltmp11:
0x33d: {  	_ = 	snop;
	(pc) =	sbr.rel @!p1 .LBB2_21-.Ltmp11, $1  }
0x33e: {  	_ =	sdelay $0x3  }
.LBB2_14:
0x33f: {  	v24 =	vld [tilespmem:s31+$0x2F00];
	_ =	sdelay $0x4  }
0x340: {  	[tilespmem:$0x2F00] =	vst v24  }
0x341: {  	v24 =	vld [tilespmem:s31+$0x3780];
	_ =	sdelay $0x4  }
0x342: {  	[tilespmem:$0x3780] =	vst v24  }
0x343: {  	v24 =	vld [tilespmem:s31+$0x4000];
	_ =	sdelay $0x4  }
0x344: {  	[tilespmem:$0x4000] =	vst v24  }
0x345: {  	v24 =	vld [tilespmem:s31+$0x2F10];
	_ =	sdelay $0x4  }
0x346: {  	[tilespmem:$0x2F10] =	vst v24  }
0x347: {  	v24 =	vld [tilespmem:s31+$0x3790];
	_ =	sdelay $0x4  }
0x348: {  	[tilespmem:$0x3790] =	vst v24  }
0x349: {  	v24 =	vld [tilespmem:s31+$0x4010];
	_ =	sdelay $0x4  }
0x34a: {  	[tilespmem:$0x4010] =	vst v24  }
0x34b: {  	v24 =	vld [tilespmem:s31+$0x2F20];
	_ =	sdelay $0x4  }
0x34c: {  	[tilespmem:$0x2F20] =	vst v24  }
0x34d: {  	v24 =	vld [tilespmem:s31+$0x37A0];
	_ =	sdelay $0x4  }
0x34e: {  	[tilespmem:$0x37A0] =	vst v24  }
0x34f: {  	v24 =	vld [tilespmem:s31+$0x4020];
	_ =	sdelay $0x4  }
0x350: {  	[tilespmem:$0x4020] =	vst v24  }
0x351: {  	v24 =	vld [tilespmem:s31+$0x2F30];
	_ =	sdelay $0x4  }
0x352: {  	[tilespmem:$0x2F30] =	vst v24  }
0x353: {  	v24 =	vld [tilespmem:s31+$0x37B0];
	_ =	sdelay $0x4  }
0x354: {  	[tilespmem:$0x37B0] =	vst v24  }
0x355: {  	v24 =	vld [tilespmem:s31+$0x4030];
	_ =	sdelay $0x4  }
0x356: {  	[tilespmem:$0x4030] =	vst v24  }
0x357: {  	v24 =	vld [tilespmem:s31+$0x2F40];
	_ =	sdelay $0x4  }
0x358: {  	[tilespmem:$0x2F40] =	vst v24  }
0x359: {  	v24 =	vld [tilespmem:s31+$0x37C0];
	_ =	sdelay $0x4  }
0x35a: {  	[tilespmem:$0x37C0] =	vst v24  }
0x35b: {  	v24 =	vld [tilespmem:s31+$0x4040];
	_ =	sdelay $0x4  }
0x35c: {  	[tilespmem:$0x4040] =	vst v24  }
0x35d: {  	v24 =	vld [tilespmem:s0+$0x2F00];
	_ =	sdelay $0x4  }
0x35e: {  	[tilespmem:$0x2F50] =	vst v24  }
0x35f: {  	v24 =	vld [tilespmem:s0+$0x3780];
	_ =	sdelay $0x4  }
0x360: {  	[tilespmem:$0x37D0] =	vst v24  }
0x361: {  	v24 =	vld [tilespmem:s0+$0x4000]  }
.Ltmp12:
0x362: {  	_ = 	snop;
	(pc) =	sbr.rel @p0 .LBB2_24-.Ltmp12, $2  }
0x363: {  	_ =	sdelay $0x2  }
0x364: {  	s0 =	ssub.s32 s28, s31;
	[tilespmem:$0x4050] =	vst v24  }
0x365: {  	s1 =	smul.u32 $0x2EE0, s26  }
.Ltmp13:
0x366: {  	_ = 	snop;
	(pc) =	sbr.rel .LBB2_6-.Ltmp13, $4  }
0x367: {  	s1 =	sshrl.u32 s1, $0x3  }
0x368: {  	s1 =	sadd.s32 s4, s1  }
0x369: {  	s26 =	sadd.s32 $0x1, s26;
	s1 =	sadd.s32 $0x8CA, s1  }
0x36a: {  	[tilespmem:s8], [sflag:$0x3] =	stream.linear.gather [hbm4b:s1+s3], $0x1770, $0x38;
	[tilespmem:$0x1D880] =	vst v63  }
.LBB2_24:
0x36b: {  	s1 =	sand.u32 $0xF, s28  }
0x36c: {  	s5 =	sshra.s32 s0, $0x1F;
	p0 =	slt.s32 s0, $0x1;
	p1 =	sne.s32 s1, $0x0  }
0x36d: {  	s28 =	sshrl.u32 s5, $0x1C;
	p0 =	por !p0, !p1  }
0x36e: {  	s5 =	simm.s32 $0x1;
	s1 =	sadd.s32 s28, s0;
	p0 =	por !p0, !p0  }
0x36f: {  	s1 =	sshrl.u32 s1, $0x4;
	s5 =	simm.s32 @!p0 $0x0  }
0x370: {  	s1 =	ssub.s32 s1, s5  }
0x371: {  	s1 =	sshll.u32 s1, $0x4  }
0x372: {  	v24 =	vld [tilespmem:s1+$0x4000]  }
0x373: {  	[tilespmem:s1+$0x4010] =	vst v2  }
0x374: {  	s29 =	ssub.s32 s0, s1;
	[tilespmem:s1+$0x4020] =	vst v2  }
0x375: {  	[tilespmem:s1+$0x4030] =	vst v2;
	v25 =	vmov s29  }
0x376: {  	[tilespmem:s1+$0x4040] =	vst v2;
	vm1 =	vgt.s32 v25, v4  }
0x377: {  	[tilespmem:s1+$0x4050] =	vst v2;
	v24 =	vnsel vm1, $0x0, v24  }
0x378: {  	[tilespmem:s1+$0x4000] =	vst v24  }
0x379: {  	v24 =	vld [tilespmem:$0x2F00];
	_ =	sdelay $0x4  }
0x37a: {  	v25 =	vshll.u32 v24, $0x1  }
0x37b: {  	v24 =	vand.u32 $0x7, v24;
	v25 =	vand.u32 $0xFFFFFFF0, v25  }
0x37c: {  	v24 =	vor.u32 v24, v25  }
0x37d: {  	v25 =	vperm.xlane v24, v6;
	_ =	sdelay $0x1  }
0x37e: {  	v24 =	vperm.xlane v24, v8;
	v25 =	vadd.s32 v7, v25;
	_ =	sdelay $0x1  }
0x37f: {  	v24 =	vadd.s32 v7, v24;
	_ =	sdelay $0x1  }
0x380: {  	s30 =	simm.s32 $0x0  }
0x381: {  	[tilespmem:s11], [sflag:$0x1] =	stream.indirect_vreg.gather [hbm4b:s2+s30], $0x80, v25, vm0, $0xb8;
	[tilespmem:$0x1D880] =	vst v63  }
0x382: {  	_ = 	snop  }
0x383: {  	[tilespmem:s12], [sflag:$0x1] =	stream.indirect_vreg.gather [hbm4b:s2+s30], $0x80, v24, vm0, $0xb8;
	[tilespmem:$0x1D880] =	vst v63  }
0x384: {  	v24 =	vld [tilespmem:$0x2F10];
	_ =	sdelay $0x4  }
0x385: {  	v25 =	vshll.u32 v24, $0x1  }
0x386: {  	v24 =	vand.u32 $0x7, v24;
	v25 =	vand.u32 $0xFFFFFFF0, v25  }
0x387: {  	v24 =	vor.u32 v24, v25  }
0x388: {  	v25 =	vperm.xlane v24, v6;
	_ =	sdelay $0x1  }
0x389: {  	v24 =	vperm.xlane v24, v8;
	v25 =	vadd.s32 v7, v25;
	_ =	sdelay $0x1  }
0x38a: {  	v24 =	vadd.s32 v7, v24;
	_ =	sdelay $0x2  }
0x38b: {  	[tilespmem:s13], [sflag:$0x1] =	stream.indirect_vreg.gather [hbm4b:s2+s30], $0x80, v25, vm0, $0xb8;
	[tilespmem:$0x1D880] =	vst v63  }
0x38c: {  	_ = 	snop  }
0x38d: {  	[tilespmem:s14], [sflag:$0x1] =	stream.indirect_vreg.gather [hbm4b:s2+s30], $0x80, v24, vm0, $0xb8;
	[tilespmem:$0x1D880] =	vst v63  }
0x38e: {  	v24 =	vld [tilespmem:$0x2F20];
	_ =	sdelay $0x4  }
0x38f: {  	v25 =	vshll.u32 v24, $0x1  }
0x390: {  	v24 =	vand.u32 $0x7, v24;
	v25 =	vand.u32 $0xFFFFFFF0, v25  }
0x391: {  	v24 =	vor.u32 v24, v25  }
0x392: {  	v25 =	vperm.xlane v24, v6;
	_ =	sdelay $0x1  }
0x393: {  	v24 =	vperm.xlane v24, v8;
	v25 =	vadd.s32 v7, v25;
	_ =	sdelay $0x1  }
0x394: {  	v24 =	vadd.s32 v7, v24;
	_ =	sdelay $0x2  }
0x395: {  	[tilespmem:s15], [sflag:$0x1] =	stream.indirect_vreg.gather [hbm4b:s2+s30], $0x80, v25, vm0, $0xb8;
	[tilespmem:$0x1D880] =	vst v63  }
0x396: {  	_ = 	snop  }
0x397: {  	[tilespmem:s16], [sflag:$0x1] =	stream.indirect_vreg.gather [hbm4b:s2+s30], $0x80, v24, vm0, $0xb8;
	[tilespmem:$0x1D880] =	vst v63  }
0x398: {  	v24 =	vld [tilespmem:$0x2F30];
	_ =	sdelay $0x4  }
0x399: {  	v25 =	vshll.u32 v24, $0x1  }
0x39a: {  	v24 =	vand.u32 $0x7, v24;
	v25 =	vand.u32 $0xFFFFFFF0, v25  }
0x39b: {  	v24 =	vor.u32 v24, v25  }
0x39c: {  	v25 =	vperm.xlane v24, v6;
	_ =	sdelay $0x1  }
0x39d: {  	v24 =	vperm.xlane v24, v8;
	v25 =	vadd.s32 v7, v25;
	_ =	sdelay $0x1  }
0x39e: {  	v24 =	vadd.s32 v7, v24;
	_ =	sdelay $0x2  }
0x39f: {  	[tilespmem:s17], [sflag:$0x1] =	stream.indirect_vreg.gather [hbm4b:s2+s30], $0x80, v25, vm0, $0xb8;
	[tilespmem:$0x1D880] =	vst v63  }
0x3a0: {  	_ = 	snop  }
0x3a1: {  	[tilespmem:s18], [sflag:$0x1] =	stream.indirect_vreg.gather [hbm4b:s2+s30], $0x80, v24, vm0, $0xb8;
	[tilespmem:$0x1D880] =	vst v63  }
0x3a2: {  	v24 =	vld [tilespmem:$0x2F40];
	_ =	sdelay $0x4  }
0x3a3: {  	v25 =	vshll.u32 v24, $0x1  }
0x3a4: {  	v24 =	vand.u32 $0x7, v24;
	v25 =	vand.u32 $0xFFFFFFF0, v25  }
0x3a5: {  	v24 =	vor.u32 v24, v25  }
0x3a6: {  	v25 =	vperm.xlane v24, v6;
	_ =	sdelay $0x1  }
0x3a7: {  	v24 =	vperm.xlane v24, v8;
	v25 =	vadd.s32 v7, v25;
	_ =	sdelay $0x1  }
0x3a8: {  	v24 =	vadd.s32 v7, v24;
	_ =	sdelay $0x2  }
0x3a9: {  	[tilespmem:s19], [sflag:$0x1] =	stream.indirect_vreg.gather [hbm4b:s2+s30], $0x80, v25, vm0, $0xb8;
	[tilespmem:$0x1D880] =	vst v63  }
0x3aa: {  	v25 =	vmov s30  }
0x3ab: {  	[tilespmem:s20], [sflag:$0x1] =	stream.indirect_vreg.gather [hbm4b:s2+s30], $0x80, v24, vm0, $0xb8;
	[tilespmem:$0x1D880] =	vst v63  }
0x3ac: {  	_ =	swait.ge [sflag:s10], $0x5000  }
0x3ad: {  	v26 =	vshll.u32 v25, $0x7;
	v24 =	vshll.u32 v25, $0x8;
	[sflag:s10] =	ssyncset.done $0x0  }
0x3ae: {  	v26 =	vand.u32 $0x380, v26;
	v24 =	vand.u32 $0x7800, v24;
	[sflag:s10] =	ssyncadd.s32 $0xFFFFB000  }
0x3af: {  	v24 =	vor.u32 v26, v24;
	v26 =	vld.idx.msk [tilespmem:v25+s22+$0x0], $0xffff  }
0x3b0: {  	v27 =	vor.u32 v4, v24;
	_ =	sdelay $0x3  }
0x3b1: {  	v25 =	vld.idx.msk [tilespmem:v25+s21+$0x0], $0xffff;
	v28 =	vshll.u32 v26, $0x8;
	v26 =	vshll.u32 v26, $0x7  }
0x3b2: {  	v27 =	vld.idx.msk [tilespmem:v27+s11+$0x0], $0xffff;
	v28 =	vand.u32 $0xFFFFF800, v28;
	v26 =	vand.u32 $0x380, v26  }
0x3b3: {  	v28 =	vor.u32 v26, v28  }
0x3b4: {  	v26 =	vor.u32 v4, v28  }
0x3b5: {  	v29 =	vor.u32 v9, v24;
	_ =	sdelay $0x1  }
0x3b6: {  	v27 =	vmul.f32 v27, v25;
	_ =	sdelay $0x1  }
0x3b7: {  	[tilespmem:v26+s23+$0x0] =	vst.idx.add.f32.msk $0xffff, v27  }
0x3b8: {  	v26 =	vld.idx.msk [tilespmem:v29+s11+$0x0], $0xffff;
	_ =	sdelay $0x1  }
0x3b9: {  	v27 =	vor.u32 v9, v28  }
0x3ba: {  	v29 =	vor.u32 v10, v24;
	_ =	sdelay $0x1  }
0x3bb: {  	v26 =	vmul.f32 v26, v25;
	_ =	sdelay $0x1  }
0x3bc: {  	[tilespmem:v27+s23+$0x0] =	vst.idx.add.f32.msk $0xffff, v26  }
0x3bd: {  	v26 =	vld.idx.msk [tilespmem:v29+s11+$0x0], $0xffff;
	_ =	sdelay $0x1  }
0x3be: {  	v27 =	vor.u32 v10, v28  }
0x3bf: {  	v29 =	vor.u32 v11, v24;
	_ =	sdelay $0x1  }
0x3c0: {  	v26 =	vmul.f32 v26, v25;
	_ =	sdelay $0x1  }
0x3c1: {  	[tilespmem:v27+s23+$0x0] =	vst.idx.add.f32.msk $0xffff, v26  }
0x3c2: {  	v26 =	vld.idx.msk [tilespmem:v29+s11+$0x0], $0xffff;
	_ =	sdelay $0x1  }
0x3c3: {  	v27 =	vor.u32 v11, v28  }
0x3c4: {  	v29 =	vor.u32 v12, v24;
	_ =	sdelay $0x1  }
0x3c5: {  	v26 =	vmul.f32 v26, v25;
	_ =	sdelay $0x1  }
0x3c6: {  	[tilespmem:v27+s23+$0x0] =	vst.idx.add.f32.msk $0xffff, v26  }
0x3c7: {  	v26 =	vld.idx.msk [tilespmem:v29+s11+$0x0], $0xffff;
	_ =	sdelay $0x1  }
0x3c8: {  	v27 =	vor.u32 v12, v28  }
0x3c9: {  	v29 =	vor.u32 v13, v24;
	_ =	sdelay $0x1  }
0x3ca: {  	v26 =	vmul.f32 v26, v25;
	_ =	sdelay $0x1  }
0x3cb: {  	[tilespmem:v27+s23+$0x0] =	vst.idx.add.f32.msk $0xffff, v26  }
0x3cc: {  	v26 =	vld.idx.msk [tilespmem:v29+s11+$0x0], $0xffff;
	_ =	sdelay $0x1  }
0x3cd: {  	v27 =	vor.u32 v13, v28  }
0x3ce: {  	v29 =	vor.u32 v14, v24;
	_ =	sdelay $0x1  }
0x3cf: {  	v26 =	vmul.f32 v26, v25;
	_ =	sdelay $0x1  }
0x3d0: {  	[tilespmem:v27+s23+$0x0] =	vst.idx.add.f32.msk $0xffff, v26  }
0x3d1: {  	v26 =	vld.idx.msk [tilespmem:v29+s11+$0x0], $0xffff;
	_ =	sdelay $0x1  }
0x3d2: {  	v27 =	vor.u32 v14, v28  }
0x3d3: {  	v29 =	vor.u32 v15, v24;
	_ =	sdelay $0x1  }
0x3d4: {  	v26 =	vmul.f32 v26, v25;
	_ =	sdelay $0x1  }
0x3d5: {  	[tilespmem:v27+s23+$0x0] =	vst.idx.add.f32.msk $0xffff, v26  }
0x3d6: {  	v26 =	vld.idx.msk [tilespmem:v29+s11+$0x0], $0xffff;
	_ =	sdelay $0x1  }
0x3d7: {  	v27 =	vor.u32 v15, v28  }
0x3d8: {  	v29 =	vor.u32 v16, v24;
	_ =	sdelay $0x1  }
0x3d9: {  	v26 =	vmul.f32 v26, v25;
	_ =	sdelay $0x1  }
0x3da: {  	[tilespmem:v27+s23+$0x0] =	vst.idx.add.f32.msk $0xffff, v26  }
0x3db: {  	v26 =	vld.idx.msk [tilespmem:v29+s11+$0x0], $0xffff;
	_ =	sdelay $0x1  }
0x3dc: {  	v27 =	vor.u32 v16, v28  }
0x3dd: {  	v29 =	vor.u32 v17, v24;
	_ =	sdelay $0x1  }
0x3de: {  	v26 =	vmul.f32 v26, v25;
	_ =	sdelay $0x1  }
0x3df: {  	[tilespmem:v27+s23+$0x0] =	vst.idx.add.f32.msk $0xffff, v26  }
0x3e0: {  	v26 =	vld.idx.msk [tilespmem:v29+s11+$0x0], $0xffff;
	_ =	sdelay $0x1  }
0x3e1: {  	v27 =	vor.u32 v17, v28  }
0x3e2: {  	v29 =	vor.u32 v18, v24;
	_ =	sdelay $0x1  }
0x3e3: {  	v26 =	vmul.f32 v26, v25;
	_ =	sdelay $0x1  }
0x3e4: {  	[tilespmem:v27+s23+$0x0] =	vst.idx.add.f32.msk $0xffff, v26  }
0x3e5: {  	v26 =	vld.idx.msk [tilespmem:v29+s11+$0x0], $0xffff;
	_ =	sdelay $0x1  }
0x3e6: {  	v27 =	vor.u32 v18, v28  }
0x3e7: {  	v29 =	vor.u32 v19, v24;
	_ =	sdelay $0x1  }
0x3e8: {  	v26 =	vmul.f32 v26, v25;
	_ =	sdelay $0x1  }
0x3e9: {  	[tilespmem:v27+s23+$0x0] =	vst.idx.add.f32.msk $0xffff, v26  }
0x3ea: {  	v26 =	vld.idx.msk [tilespmem:v29+s11+$0x0], $0xffff;
	_ =	sdelay $0x1  }
0x3eb: {  	v27 =	vor.u32 v19, v28  }
0x3ec: {  	v29 =	vor.u32 v20, v24;
	_ =	sdelay $0x1  }
0x3ed: {  	v26 =	vmul.f32 v26, v25;
	_ =	sdelay $0x1  }
0x3ee: {  	[tilespmem:v27+s23+$0x0] =	vst.idx.add.f32.msk $0xffff, v26  }
0x3ef: {  	v26 =	vld.idx.msk [tilespmem:v29+s11+$0x0], $0xffff;
	_ =	sdelay $0x1  }
0x3f0: {  	v27 =	vor.u32 v20, v28  }
0x3f1: {  	v29 =	vor.u32 v21, v24;
	_ =	sdelay $0x1  }
0x3f2: {  	v26 =	vmul.f32 v26, v25;
	_ =	sdelay $0x1  }
0x3f3: {  	[tilespmem:v27+s23+$0x0] =	vst.idx.add.f32.msk $0xffff, v26  }
0x3f4: {  	v26 =	vld.idx.msk [tilespmem:v29+s11+$0x0], $0xffff;
	_ =	sdelay $0x1  }
0x3f5: {  	v27 =	vor.u32 v21, v28  }
0x3f6: {  	v29 =	vor.u32 v22, v24;
	_ =	sdelay $0x1  }
0x3f7: {  	v26 =	vmul.f32 v26, v25;
	_ =	sdelay $0x1  }
0x3f8: {  	[tilespmem:v27+s23+$0x0] =	vst.idx.add.f32.msk $0xffff, v26  }
0x3f9: {  	v26 =	vld.idx.msk [tilespmem:v29+s11+$0x0], $0xffff;
	_ =	sdelay $0x1  }
0x3fa: {  	v27 =	vor.u32 v22, v28  }
0x3fb: {  	v24 =	vor.u32 v23, v24;
	_ =	sdelay $0x1  }
0x3fc: {  	v26 =	vmul.f32 v26, v25;
	_ =	sdelay $0x1  }
0x3fd: {  	s31 =	simm.s32 $0x1;
	[tilespmem:v27+s23+$0x0] =	vst.idx.add.f32.msk $0xffff, v26  }
0x3fe: {  	v26 =	vmov s31;
	v24 =	vld.idx.msk [tilespmem:v24+s11+$0x0], $0xffff  }
0x3ff: {  	v27 =	vshll.u32 v26, $0x8  }
0x400: {  	v30 =	vand.u32 $0x7800, v27;
	v27 =	vor.u32 v23, v28;
	_ =	sdelay $0x1  }
0x401: {  	v29 =	vshll.u32 v26, $0x7  }
0x402: {  	v29 =	vand.u32 $0x380, v29;
	v25 =	vmul.f32 v24, v25  }
0x403: {  	s1 =	simm.s32 $0x2;
	v24 =	vor.u32 v29, v30  }
.LBB2_25:
0x404: {  	p0 =	sne.s32 s1, $0x4F;
	[tilespmem:v27+s23+$0x0] =	vst.idx.add.f32.msk $0xffff, v25;
	s0 =	smov.u32 s1;
	s1 =	sadd.s32 $0x1, s1  }
0x405: {  	v27 =	vld.idx.msk [tilespmem:v26+s22+$0x0], $0xffff  }
0x406: {  	v28 =	vor.u32 v4, v24;
	_ =	sdelay $0x3  }
0x407: {  	v25 =	vld.idx.msk [tilespmem:v26+s21+$0x0], $0xffff  }
0x408: {  	v26 =	vshll.u32 v27, $0x8;
	v27 =	vshll.u32 v27, $0x7;
	v28 =	vld.idx.msk [tilespmem:v28+s11+$0x0], $0xffff  }
0x409: {  	v26 =	vand.u32 $0xFFFFF800, v26;
	v27 =	vand.u32 $0x380, v27  }
0x40a: {  	v26 =	vor.u32 v27, v26  }
0x40b: {  	v27 =	vor.u32 v4, v26  }
0x40c: {  	v29 =	vor.u32 v9, v24;
	_ =	sdelay $0x1  }
0x40d: {  	v28 =	vmul.f32 v28, v25;
	_ =	sdelay $0x1  }
0x40e: {  	[tilespmem:v27+s23+$0x0] =	vst.idx.add.f32.msk $0xffff, v28  }
0x40f: {  	v27 =	vld.idx.msk [tilespmem:v29+s11+$0x0], $0xffff;
	_ =	sdelay $0x2  }
0x410: {  	v28 =	vor.u32 v9, v26  }
0x411: {  	v29 =	vor.u32 v10, v24;
	_ =	sdelay $0x1  }
0x412: {  	v27 =	vmul.f32 v27, v25;
	_ =	sdelay $0x1  }
0x413: {  	[tilespmem:v28+s23+$0x0] =	vst.idx.add.f32.msk $0xffff, v27  }
0x414: {  	v27 =	vld.idx.msk [tilespmem:v29+s11+$0x0], $0xffff;
	_ =	sdelay $0x2  }
0x415: {  	v28 =	vor.u32 v10, v26  }
0x416: {  	v29 =	vor.u32 v11, v24;
	_ =	sdelay $0x1  }
0x417: {  	v27 =	vmul.f32 v27, v25;
	_ =	sdelay $0x1  }
0x418: {  	[tilespmem:v28+s23+$0x0] =	vst.idx.add.f32.msk $0xffff, v27  }
0x419: {  	v27 =	vld.idx.msk [tilespmem:v29+s11+$0x0], $0xffff;
	_ =	sdelay $0x2  }
0x41a: {  	v28 =	vor.u32 v11, v26  }
0x41b: {  	v29 =	vor.u32 v12, v24;
	_ =	sdelay $0x1  }
0x41c: {  	v27 =	vmul.f32 v27, v25;
	_ =	sdelay $0x1  }
0x41d: {  	[tilespmem:v28+s23+$0x0] =	vst.idx.add.f32.msk $0xffff, v27  }
0x41e: {  	v27 =	vld.idx.msk [tilespmem:v29+s11+$0x0], $0xffff;
	_ =	sdelay $0x2  }
0x41f: {  	v28 =	vor.u32 v12, v26  }
0x420: {  	v29 =	vor.u32 v13, v24;
	_ =	sdelay $0x1  }
0x421: {  	v27 =	vmul.f32 v27, v25;
	_ =	sdelay $0x1  }
0x422: {  	[tilespmem:v28+s23+$0x0] =	vst.idx.add.f32.msk $0xffff, v27  }
0x423: {  	v27 =	vld.idx.msk [tilespmem:v29+s11+$0x0], $0xffff;
	_ =	sdelay $0x2  }
0x424: {  	v28 =	vor.u32 v13, v26  }
0x425: {  	v29 =	vor.u32 v14, v24;
	_ =	sdelay $0x1  }
0x426: {  	v27 =	vmul.f32 v27, v25;
	_ =	sdelay $0x1  }
0x427: {  	[tilespmem:v28+s23+$0x0] =	vst.idx.add.f32.msk $0xffff, v27  }
0x428: {  	v27 =	vld.idx.msk [tilespmem:v29+s11+$0x0], $0xffff;
	_ =	sdelay $0x2  }
0x429: {  	v28 =	vor.u32 v14, v26  }
0x42a: {  	v29 =	vor.u32 v15, v24;
	_ =	sdelay $0x1  }
0x42b: {  	v27 =	vmul.f32 v27, v25;
	_ =	sdelay $0x1  }
0x42c: {  	[tilespmem:v28+s23+$0x0] =	vst.idx.add.f32.msk $0xffff, v27  }
0x42d: {  	v27 =	vld.idx.msk [tilespmem:v29+s11+$0x0], $0xffff;
	_ =	sdelay $0x2  }
0x42e: {  	v28 =	vor.u32 v15, v26  }
0x42f: {  	v29 =	vor.u32 v16, v24;
	_ =	sdelay $0x1  }
0x430: {  	v27 =	vmul.f32 v27, v25;
	_ =	sdelay $0x1  }
0x431: {  	[tilespmem:v28+s23+$0x0] =	vst.idx.add.f32.msk $0xffff, v27  }
0x432: {  	v27 =	vld.idx.msk [tilespmem:v29+s11+$0x0], $0xffff;
	_ =	sdelay $0x2  }
0x433: {  	v28 =	vor.u32 v16, v26  }
0x434: {  	v29 =	vor.u32 v17, v24;
	_ =	sdelay $0x1  }
0x435: {  	v27 =	vmul.f32 v27, v25;
	_ =	sdelay $0x1  }
0x436: {  	[tilespmem:v28+s23+$0x0] =	vst.idx.add.f32.msk $0xffff, v27  }
0x437: {  	v27 =	vld.idx.msk [tilespmem:v29+s11+$0x0], $0xffff;
	_ =	sdelay $0x2  }
0x438: {  	v28 =	vor.u32 v17, v26  }
0x439: {  	v29 =	vor.u32 v18, v24;
	_ =	sdelay $0x1  }
0x43a: {  	v27 =	vmul.f32 v27, v25;
	_ =	sdelay $0x1  }
0x43b: {  	[tilespmem:v28+s23+$0x0] =	vst.idx.add.f32.msk $0xffff, v27  }
0x43c: {  	v27 =	vld.idx.msk [tilespmem:v29+s11+$0x0], $0xffff;
	_ =	sdelay $0x2  }
0x43d: {  	v28 =	vor.u32 v18, v26  }
0x43e: {  	v29 =	vor.u32 v19, v24;
	_ =	sdelay $0x1  }
0x43f: {  	v27 =	vmul.f32 v27, v25;
	_ =	sdelay $0x1  }
0x440: {  	[tilespmem:v28+s23+$0x0] =	vst.idx.add.f32.msk $0xffff, v27  }
0x441: {  	v27 =	vld.idx.msk [tilespmem:v29+s11+$0x0], $0xffff;
	_ =	sdelay $0x2  }
0x442: {  	v28 =	vor.u32 v19, v26  }
0x443: {  	v29 =	vor.u32 v20, v24;
	_ =	sdelay $0x1  }
0x444: {  	v27 =	vmul.f32 v27, v25;
	_ =	sdelay $0x1  }
0x445: {  	[tilespmem:v28+s23+$0x0] =	vst.idx.add.f32.msk $0xffff, v27  }
0x446: {  	v27 =	vld.idx.msk [tilespmem:v29+s11+$0x0], $0xffff;
	_ =	sdelay $0x2  }
0x447: {  	v28 =	vor.u32 v20, v26  }
0x448: {  	v29 =	vor.u32 v21, v24;
	_ =	sdelay $0x1  }
0x449: {  	v27 =	vmul.f32 v27, v25;
	_ =	sdelay $0x1  }
0x44a: {  	[tilespmem:v28+s23+$0x0] =	vst.idx.add.f32.msk $0xffff, v27  }
0x44b: {  	v27 =	vld.idx.msk [tilespmem:v29+s11+$0x0], $0xffff;
	_ =	sdelay $0x2  }
0x44c: {  	v28 =	vor.u32 v21, v26  }
0x44d: {  	v29 =	vor.u32 v22, v24;
	_ =	sdelay $0x1  }
0x44e: {  	v27 =	vmul.f32 v27, v25;
	_ =	sdelay $0x1  }
0x44f: {  	[tilespmem:v28+s23+$0x0] =	vst.idx.add.f32.msk $0xffff, v27  }
0x450: {  	v27 =	vld.idx.msk [tilespmem:v29+s11+$0x0], $0xffff;
	_ =	sdelay $0x2  }
0x451: {  	v28 =	vor.u32 v22, v26  }
0x452: {  	v24 =	vor.u32 v23, v24;
	_ =	sdelay $0x1  }
0x453: {  	v27 =	vmul.f32 v27, v25;
	_ =	sdelay $0x1  }
0x454: {  	[tilespmem:v28+s23+$0x0] =	vst.idx.add.f32.msk $0xffff, v27  }
0x455: {  	v24 =	vld.idx.msk [tilespmem:v24+s11+$0x0], $0xffff;
	_ =	sdelay $0x2  }
.Ltmp14:
0x456: {  	v27 =	vor.u32 v23, v26;
	(pc) =	sbr.rel @p0 .LBB2_25-.Ltmp14, $4  }
0x457: {  	v26 =	vmov s0  }
0x458: {  	v28 =	vshll.u32 v26, $0x8;
	v29 =	vshll.u32 v26, $0x7  }
0x459: {  	v28 =	vand.u32 $0x7800, v28;
	v29 =	vand.u32 $0x380, v29;
	v25 =	vmul.f32 v24, v25  }
0x45a: {  	v24 =	vor.u32 v29, v28  }
0x45b: {  	_ =	sdelay $0x3  }
0x45c: {  	[tilespmem:v27+s23+$0x0] =	vst.idx.add.f32.msk $0xffff, v25  }
0x45d: {  	v25 =	vld.idx.msk [tilespmem:v26+s22+$0x0], $0xffff  }
0x45e: {  	v34 =	vor.u32 v4, v24;
	_ =	sdelay $0x3  }
0x45f: {  	v35 =	vld.idx.msk [tilespmem:v26+s21+$0x0], $0xffff;
	v28 =	vshll.u32 v25, $0x8;
	v25 =	vshll.u32 v25, $0x7  }
0x460: {  	v27 =	vld.idx.msk [tilespmem:v34+s11+$0x0], $0xffff;
	v28 =	vand.u32 $0xFFFFF800, v28;
	v25 =	vand.u32 $0x380, v25  }
0x461: {  	v25 =	vor.u32 v25, v28  }
0x462: {  	v28 =	vor.u32 v4, v25  }
0x463: {  	v29 =	vor.u32 v9, v24;
	_ =	sdelay $0x1  }
0x464: {  	v27 =	vmul.f32 v27, v35;
	_ =	sdelay $0x1  }
0x465: {  	[tilespmem:v28+s23+$0x0] =	vst.idx.add.f32.msk $0xffff, v27  }
0x466: {  	v27 =	vld.idx.msk [tilespmem:v29+s11+$0x0], $0xffff;
	_ =	sdelay $0x1  }
0x467: {  	v36 =	vor.u32 v9, v25  }
0x468: {  	v37 =	vor.u32 v10, v24;
	_ =	sdelay $0x1  }
0x469: {  	v27 =	vmul.f32 v27, v35;
	_ =	sdelay $0x1  }
0x46a: {  	[tilespmem:v36+s23+$0x0] =	vst.idx.add.f32.msk $0xffff, v27  }
0x46b: {  	v27 =	vld.idx.msk [tilespmem:v37+s11+$0x0], $0xffff;
	_ =	sdelay $0x1  }
0x46c: {  	v38 =	vor.u32 v10, v25  }
0x46d: {  	v39 =	vor.u32 v11, v24;
	_ =	sdelay $0x1  }
0x46e: {  	v27 =	vmul.f32 v27, v35;
	_ =	sdelay $0x1  }
0x46f: {  	[tilespmem:v38+s23+$0x0] =	vst.idx.add.f32.msk $0xffff, v27  }
0x470: {  	v27 =	vld.idx.msk [tilespmem:v39+s11+$0x0], $0xffff;
	_ =	sdelay $0x1  }
0x471: {  	v40 =	vor.u32 v11, v25  }
0x472: {  	v41 =	vor.u32 v12, v24;
	_ =	sdelay $0x1  }
0x473: {  	v27 =	vmul.f32 v27, v35;
	_ =	sdelay $0x1  }
0x474: {  	[tilespmem:v40+s23+$0x0] =	vst.idx.add.f32.msk $0xffff, v27  }
0x475: {  	v27 =	vld.idx.msk [tilespmem:v41+s11+$0x0], $0xffff;
	_ =	sdelay $0x1  }
0x476: {  	v42 =	vor.u32 v12, v25  }
0x477: {  	v43 =	vor.u32 v13, v24;
	_ =	sdelay $0x1  }
0x478: {  	v27 =	vmul.f32 v27, v35;
	_ =	sdelay $0x1  }
0x479: {  	[tilespmem:v42+s23+$0x0] =	vst.idx.add.f32.msk $0xffff, v27  }
0x47a: {  	v27 =	vld.idx.msk [tilespmem:v43+s11+$0x0], $0xffff;
	_ =	sdelay $0x1  }
0x47b: {  	v44 =	vor.u32 v13, v25  }
0x47c: {  	v45 =	vor.u32 v14, v24;
	_ =	sdelay $0x1  }
0x47d: {  	v27 =	vmul.f32 v27, v35;
	_ =	sdelay $0x1  }
0x47e: {  	[tilespmem:v44+s23+$0x0] =	vst.idx.add.f32.msk $0xffff, v27  }
0x47f: {  	v27 =	vld.idx.msk [tilespmem:v45+s11+$0x0], $0xffff;
	_ =	sdelay $0x1  }
0x480: {  	v46 =	vor.u32 v14, v25  }
0x481: {  	v47 =	vor.u32 v15, v24;
	_ =	sdelay $0x1  }
0x482: {  	v27 =	vmul.f32 v27, v35;
	_ =	sdelay $0x1  }
0x483: {  	[tilespmem:v46+s23+$0x0] =	vst.idx.add.f32.msk $0xffff, v27  }
0x484: {  	v27 =	vld.idx.msk [tilespmem:v47+s11+$0x0], $0xffff;
	_ =	sdelay $0x1  }
0x485: {  	v48 =	vor.u32 v15, v25  }
0x486: {  	v49 =	vor.u32 v16, v24;
	_ =	sdelay $0x1  }
0x487: {  	v27 =	vmul.f32 v27, v35;
	_ =	sdelay $0x1  }
0x488: {  	[tilespmem:v48+s23+$0x0] =	vst.idx.add.f32.msk $0xffff, v27  }
0x489: {  	v27 =	vld.idx.msk [tilespmem:v49+s11+$0x0], $0xffff;
	_ =	sdelay $0x1  }
0x48a: {  	v50 =	vor.u32 v16, v25  }
0x48b: {  	v51 =	vor.u32 v17, v24;
	_ =	sdelay $0x1  }
0x48c: {  	v27 =	vmul.f32 v27, v35;
	_ =	sdelay $0x1  }
0x48d: {  	[tilespmem:v50+s23+$0x0] =	vst.idx.add.f32.msk $0xffff, v27  }
0x48e: {  	v27 =	vld.idx.msk [tilespmem:v51+s11+$0x0], $0xffff;
	_ =	sdelay $0x1  }
0x48f: {  	v52 =	vor.u32 v17, v25  }
0x490: {  	v53 =	vor.u32 v18, v24;
	_ =	sdelay $0x1  }
0x491: {  	v27 =	vmul.f32 v27, v35;
	_ =	sdelay $0x1  }
0x492: {  	[tilespmem:v52+s23+$0x0] =	vst.idx.add.f32.msk $0xffff, v27  }
0x493: {  	v27 =	vld.idx.msk [tilespmem:v53+s11+$0x0], $0xffff;
	_ =	sdelay $0x1  }
0x494: {  	v54 =	vor.u32 v18, v25  }
0x495: {  	v55 =	vor.u32 v19, v24;
	_ =	sdelay $0x1  }
0x496: {  	v27 =	vmul.f32 v27, v35;
	_ =	sdelay $0x1  }
0x497: {  	[tilespmem:v54+s23+$0x0] =	vst.idx.add.f32.msk $0xffff, v27  }
0x498: {  	v27 =	vld.idx.msk [tilespmem:v55+s11+$0x0], $0xffff;
	_ =	sdelay $0x1  }
0x499: {  	v56 =	vor.u32 v19, v25  }
0x49a: {  	v57 =	vor.u32 v20, v24;
	_ =	sdelay $0x1  }
0x49b: {  	v27 =	vmul.f32 v27, v35;
	_ =	sdelay $0x1  }
0x49c: {  	[tilespmem:v56+s23+$0x0] =	vst.idx.add.f32.msk $0xffff, v27  }
0x49d: {  	v27 =	vld.idx.msk [tilespmem:v57+s11+$0x0], $0xffff;
	_ =	sdelay $0x1  }
0x49e: {  	v58 =	vor.u32 v20, v25  }
0x49f: {  	v59 =	vor.u32 v21, v24;
	_ =	sdelay $0x1  }
0x4a0: {  	v27 =	vmul.f32 v27, v35;
	_ =	sdelay $0x1  }
0x4a1: {  	[tilespmem:v58+s23+$0x0] =	vst.idx.add.f32.msk $0xffff, v27  }
0x4a2: {  	v27 =	vld.idx.msk [tilespmem:v59+s11+$0x0], $0xffff;
	_ =	sdelay $0x1  }
0x4a3: {  	v60 =	vor.u32 v21, v25  }
0x4a4: {  	v61 =	vor.u32 v22, v24;
	_ =	sdelay $0x1  }
0x4a5: {  	v27 =	vmul.f32 v27, v35;
	_ =	sdelay $0x1  }
0x4a6: {  	[tilespmem:v60+s23+$0x0] =	vst.idx.add.f32.msk $0xffff, v27  }
0x4a7: {  	v27 =	vld.idx.msk [tilespmem:v61+s11+$0x0], $0xffff;
	_ =	sdelay $0x1  }
0x4a8: {  	v62 =	vor.u32 v22, v25  }
0x4a9: {  	v63 =	vor.u32 v23, v24;
	_ =	sdelay $0x1  }
0x4aa: {  	v27 =	vmul.f32 v27, v35;
	_ =	sdelay $0x1  }
0x4ab: {  	[tilespmem:v62+s23+$0x0] =	vst.idx.add.f32.msk $0xffff, v27  }
0x4ac: {  	v24 =	vld.idx.msk [tilespmem:v63+s11+$0x0], $0xffff;
	_ =	sdelay $0x1  }
0x4ad: {  	v25 =	vor.u32 v23, v25;
	_ =	sdelay $0x2  }
0x4ae: {  	s25 =	sadd.s32 $0x1, s25;
	v24 =	vmul.f32 v24, v35  }
0x4af: {  	p0 =	sne.s32 s25, s7  }
.Ltmp15:
0x4b0: {  	[tilespmem:v25+s23+$0x0] =	vst.idx.add.f32.msk $0xffff, v24;
	(pc) =	sbr.rel @p0 .LBB2_1-.Ltmp15, $4  }
0x4b1: {  	[hbm4b:s6+s3] =	stream.linear.scatter [tilespmem:s23], [sflag:$0x4], $0x14000, $0x38;
	[tilespmem:$0x1D880] =	vst v63  }
0x4b2: {  	_ =	swait.ge [sflag:s24], $0x14000  }
0x4b3: {  	[sflag:s24] =	ssyncset.done $0x0  }
0x4b4: {  	[sflag:s24] =	ssyncadd.s32 $0xFFFEC000  }
0x4b5: {  	_ =	sfence.sel $0x180000  }
0x4b6: {  	[bflag:$0x0] =	sbarrier.arrive $0xFFFF  }
0x4b7: {  	_ =	strace $0x90000047  }
0x4b8: {  	s0 =	stileid.u32;
	[bflag:$0x2] =	sbarrier.arrive $0xFFFF  }
0x4b9: {  	p0 =	sne.s32 s0, $0x0;
	s0 =	rddreg [dreg:$0x2]  }
0x4ba: {  	s0 =	sadd.s32 @!p0 $0x100000, s0  }
0x4bb: {  	[sflag:s0] =	ssyncadd.tile.s32 @!p0 $0x1;
	_ =	shalt  }
.Lfunc_end2:
_tile_overlayer_lowered:
.L_overlay_start_2:
0x4bc: {  	(tag) =	ssettag $0x2  }
0x4bd: {  	s0 =	rddreg [dreg:$0x0];
	s2 =	stileid.u32  }
0x4be: {  	s1 =	rddreg [dreg:$0x1];
	p0 =	sne.s32 s2, $0x0  }
0x4bf: {  	s3 =	rddreg [dreg:$0x2];
	[bflag:$0x3] =	sbarrier.arrive $0xFFFF;
	s2 =	simm.s32 @!p0 $0x1C04  }
0x4c0: {  	[timem:s3], [sflag:s2] =	dma.local @!p0 [hbm:s0], s1  }
0x4c1: {  	s0 =	simm.s32 @!p0 $0x4  }
0x4c2: {  	_ =	swait.ge @!p0 [sflag:s0], s1  }
0x4c3: {  	s1 =	ssub.s32 @!p0 $0x0, s1;
	[sflag:s0] =	ssyncset.done @!p0 $0x0  }
0x4c4: {  	[sflag:s0] =	ssyncadd.s32 @!p0 s1  }
0x4c5: {  	[bflag:$0x3] =	sbarrier.arrive $0xFFFF  }
0x4c6: {  	_ =	shalt  }

</sc_bundles>
